<compile_context>
chip_gen: v7x
topology: tpu7x:2x2x1
jax: 0.10.2.dev20260603
libtpu: 0.0.44.dev20260713+nightly
codegen_flags: <defaults>
</compile_context>

<pallas_src>
import functools

import jax
import jax.numpy as jnp
from jax import lax
from jax.experimental import pallas as pl
from jax.experimental.pallas import tpu as pltpu
from jax.experimental.pallas import tpu_sc as plsc

NE = 320000
NN = 10000
D = 128
HD = D // 2
CW = 16
NC = 2
NS = 16
EPT = NE // NS
B = 80
NB = EPT // B
RPT = 624
TAIL = NN - NS * RPT
ZR = 48
NBUF = 5
LOOK = 3

_mesh = plsc.VectorSubcoreMesh(
    core_axis_name="c", subcore_axis_name="s", num_cores=NC, num_subcores=NS
)


@functools.partial(
    pl.kernel,
    out_type=jax.ShapeDtypeStruct((NN, D), jnp.float32),
    mesh=_mesh,
    compiler_params=pltpu.CompilerParams(use_tc_tiling_on_sc=False),
    scratch_types=[
        pltpu.VMEM((NB, B), jnp.int32),
        pltpu.VMEM((NB, B), jnp.int32),
        pltpu.VMEM((NBUF, B, HD), jnp.float32),
        pltpu.VMEM((ZR, HD), jnp.float32),
        pltpu.VMEM((ZR, CW), jnp.float32),
        pltpu.VMEM((B, CW), jnp.float32),
        pltpu.VMEM_SHARED((NN, HD), jnp.float32),
        pltpu.VMEM_SHARED((NN, CW), jnp.float32),
        pltpu.SemaphoreType.DMA((NBUF,)),
        pltpu.SemaphoreType.DMA((NBUF,)),
        pltpu.SemaphoreType.DMA((NBUF,)),
    ],
)
def _sc_gather_scatter(
    et_hbm, dst_hbm, tlo_hbm, thi_hbm, out_hbm,
    et_v, dst_v, rows_v, zbuf, zcbuf, ones_v, acc_sh, cnt_sh,
    sem_g, sem_s, sem_c,
):
    c = lax.axis_index("c")
    s = lax.axis_index("s")

    pltpu.sync_copy(et_hbm.at[s], et_v)
    pltpu.sync_copy(dst_hbm.at[s], dst_v)

    z16 = jnp.zeros((16,), jnp.float32)
    ones16 = jnp.full((16,), 1.0, jnp.float32)

    def _zrow(r, carry):
        for k in range(HD // 16):
            zbuf[r, pl.ds(k * 16, 16)] = z16
        zcbuf[r, pl.ds(0, CW)] = z16
        return carry

    lax.fori_loop(0, ZR, _zrow, None)

    def _orow(r, carry):
        ones_v[r, pl.ds(0, CW)] = ones16
        return carry

    lax.fori_loop(0, B, _orow, None)

    for t in range(RPT // ZR):
        pltpu.sync_copy(zbuf, acc_sh.at[pl.ds(s * RPT + t * ZR, ZR)])
        pltpu.sync_copy(zcbuf, cnt_sh.at[pl.ds(s * RPT + t * ZR, ZR)])

    @pl.when(s == NS - 1)
    def _zero_tail():
        pltpu.sync_copy(zbuf.at[pl.ds(0, TAIL)], acc_sh.at[pl.ds(NS * RPT, TAIL)])
        pltpu.sync_copy(zcbuf.at[pl.ds(0, TAIL)], cnt_sh.at[pl.ds(NS * RPT, TAIL)])

    plsc.subcore_barrier()

    def _gather_start(j, b):
        @pl.when(c == 0)
        def _g0():
            pltpu.async_copy(tlo_hbm.at[et_v.at[j]], rows_v.at[b], sem_g.at[b])

        @pl.when(c == 1)
        def _g1():
            pltpu.async_copy(thi_hbm.at[et_v.at[j]], rows_v.at[b], sem_g.at[b])

    def _gather_wait(b):
        pltpu.make_async_copy(
            tlo_hbm.at[et_v.at[0]], rows_v.at[b], sem_g.at[b]
        ).wait()

    def _scatter_wait(b):
        pltpu.make_async_copy(
            rows_v.at[b], acc_sh.at[dst_v.at[0]], sem_s.at[b]
        ).wait()

    def _cnt_wait(b):
        pltpu.make_async_copy(
            ones_v, cnt_sh.at[dst_v.at[0]], sem_c.at[b]
        ).wait()

    for b in range(LOOK):
        _gather_start(b, b)

    def _group(g, carry):
        for b in range(NBUF):
            j = g * NBUF + b
            b5 = (b + LOOK) % NBUF
            _gather_wait(b)
            pltpu.async_copy(rows_v.at[b], acc_sh.at[dst_v.at[j]], sem_s.at[b], add=True)

            @pl.when(j >= NBUF)
            def _drain_cnt():
                _cnt_wait(b)

            pltpu.async_copy(
                ones_v, cnt_sh.at[dst_v.at[j]], sem_c.at[b], add=True
            )

            @pl.when(j >= NBUF - LOOK)
            def _drain_scatter():
                _scatter_wait(b5)

            @pl.when(j + LOOK < NB)
            def _next_gather():
                _gather_start(j + LOOK, b5)

        return carry

    lax.fori_loop(0, NB // NBUF, _group, None)

    for b in range(LOOK, NBUF):
        _scatter_wait(b)
    for b in range(NBUF):
        _cnt_wait(b)

    plsc.subcore_barrier()

    def _finish_rows(row0, nrows):
        pltpu.sync_copy(acc_sh.at[pl.ds(row0, nrows)], zbuf.at[pl.ds(0, nrows)])
        pltpu.sync_copy(cnt_sh.at[pl.ds(row0, nrows)], zcbuf.at[pl.ds(0, nrows)])

        def _frow(r, carry):
            cnt16 = zcbuf[r, pl.ds(0, CW)]
            recip = jnp.where(cnt16 > 0.0, 1.0 / jnp.maximum(cnt16, 1.0), 0.0)
            for k in range(HD // 16):
                v = zbuf[r, pl.ds(k * 16, 16)]
                zbuf[r, pl.ds(k * 16, 16)] = v * recip
            return carry

        lax.fori_loop(0, nrows, _frow, None)
        pltpu.sync_copy(
            zbuf.at[pl.ds(0, nrows)],
            out_hbm.at[pl.ds(row0, nrows), pl.ds(c * HD, HD)],
        )

    def _fin_chunk(t, carry):
        _finish_rows(s * RPT + t * ZR, ZR)
        return carry

    lax.fori_loop(0, RPT // ZR, _fin_chunk, None)

    @pl.when(s == NS - 1)
    def _fin_tail():
        _finish_rows(NS * RPT, TAIL)


def kernel(etypes, dst, num_nodes, rel_head_emb, rel_tail_emb):
    num_rel = rel_head_emb.shape[0]
    table = jnp.concatenate([rel_head_emb, rel_tail_emb], axis=0)
    tlo = table[:, :HD]
    thi = table[:, HD:]
    del num_rel
    et = etypes.reshape(NS, NB, B)
    ds_ = dst.reshape(NS, NB, B)
    return _sc_gather_scatter(et, ds_, tlo, thi)

# --- scband reference (transcript-rebuilt; emitter-appended) ---
"""Pipeline reference for scband-ent-init-55035710931251 (READ-ONLY COPY).

The authoritative reference and input builder live on the scoring server;
editing this copy changes nothing except your own understanding.
"""

import jax, jax.numpy as jnp
import numpy as np

NUM_REL = 500
EMB_DIM = 128
N_NODES = 10000
N_EDGES = 320000


def setup_inputs(seed: int = 0) -> dict:
    key = jax.random.key(seed)
    k1, k2, k3, k4 = jax.random.split(key, 4)
    etypes = jax.random.randint(k1, (N_EDGES,), 0, 2 * NUM_REL, dtype=jnp.int32)
    dst = jax.random.randint(k2, (N_EDGES,), 0, N_NODES, dtype=jnp.int32)
    # xavier_normal with relu gain: std = gain * sqrt(2 / (fan_in + fan_out))
    gain = float(np.sqrt(2.0))
    std = gain * float(np.sqrt(2.0 / (NUM_REL + EMB_DIM)))
    rel_head_emb = jax.random.normal(k3, (NUM_REL, EMB_DIM), dtype=jnp.float32) * std
    rel_tail_emb = jax.random.normal(k4, (NUM_REL, EMB_DIM), dtype=jnp.float32) * std
    return {
        "etypes": etypes,
        "dst": dst,
        "num_nodes": N_NODES,
        "rel_head_emb": rel_head_emb,
        "rel_tail_emb": rel_tail_emb,
    }


def reference(etypes, dst, num_nodes, rel_head_emb, rel_tail_emb):
    num_rel = rel_head_emb.shape[0]
    is_head = etypes < num_rel
    # gather: head embedding for etype < num_rel, tail embedding for etype >= num_rel
    head_e = jnp.take(rel_head_emb, jnp.clip(etypes, 0, num_rel - 1), axis=0)
    tail_e = jnp.take(rel_tail_emb, jnp.clip(etypes - num_rel, 0, num_rel - 1), axis=0)
    ent_e = jnp.where(is_head[:, None], head_e, tail_e)
    # update_all(copy_e, mean): mean of incoming edge features per destination node
    seg_ids = dst + (jnp.asarray(num_nodes, dtype=jnp.int32) - N_NODES)
    sums = jax.ops.segment_sum(ent_e, seg_ids, num_segments=N_NODES)
    cnt = jax.ops.segment_sum(
        jnp.ones((ent_e.shape[0],), dtype=ent_e.dtype), seg_ids, num_segments=N_NODES
    )
    feat = jnp.where(cnt[:, None] > 0, sums / jnp.maximum(cnt, 1.0)[:, None], 0.0)
    return feat

if __name__ == "__main__":
    import jax
    _d = setup_inputs()
    print(jax.jit(kernel)(*tuple(_d.values())))

</pallas_src>

<mosaic_0001>
#map = affine_map<(d0, d1) -> (0, 0, 0)>
#map1 = affine_map<(d0, d1) -> (0, 0)>
module attributes {stable_mosaic.version = 14 : i64} {
  func.func @_sc_gather_scatter(%arg0: i32, %arg1: i32, %arg2: memref<16x250x80xi32, #tpu.memory_space<hbm>>, %arg3: memref<16x250x80xi32, #tpu.memory_space<hbm>>, %arg4: memref<1000x64xf32, #tpu.memory_space<hbm>>, %arg5: memref<1000x64xf32, #tpu.memory_space<hbm>>, %arg6: memref<10000x128xf32, #tpu.memory_space<hbm>>, %arg7: memref<250x80xi32, #tpu.memory_space<vmem>>, %arg8: memref<250x80xi32, #tpu.memory_space<vmem>>, %arg9: memref<5x80x64xf32, #tpu.memory_space<vmem>>, %arg10: memref<48x64xf32, #tpu.memory_space<vmem>>, %arg11: memref<48x16xf32, #tpu.memory_space<vmem>>, %arg12: memref<80x16xf32, #tpu.memory_space<vmem>>, %arg13: memref<10000x64xf32, #tpu.memory_space<vmem_shared>>, %arg14: memref<10000x16xf32, #tpu.memory_space<vmem_shared>>, %arg15: memref<5x!tpu.dma_semaphore, #tpu.memory_space<semaphore_mem>>, %arg16: memref<5x!tpu.dma_semaphore, #tpu.memory_space<semaphore_mem>>, %arg17: memref<5x!tpu.dma_semaphore, #tpu.memory_space<semaphore_mem>>) attributes {dimension_semantics = [#tpu.dimension_semantics<core_parallel>, #tpu.dimension_semantics<subcore_parallel>], iteration_bounds = array<i64: 2, 16>, scalar_prefetch = 0 : i64, scratch_operands = 11 : i64, tpu.core_type = #tpu.core_type<sc_vector_subcore>, window_params = [{transform_indices = #map}, {transform_indices = #map}, {transform_indices = #map1}, {transform_indices = #map1}, {transform_indices = #map1}]} {
    "tpu.region"() ({
      %run_scoped3A = tpu.sem_alloc : memref<!tpu.dma_semaphore, #tpu.memory_space<semaphore_mem>>
      %dma_start3A = arith.constant 0 : i32
      %dma_start3A_241 = arith.constant 0 : i32
      %dma_start3A_242 = tpu.memref_slice %arg2[%arg1, %dma_start3A, %dma_start3A_241] : memref<16x250x80xi32, #tpu.memory_space<hbm>> -> memref<1x250x80xi32, #tpu.memory_space<hbm>>
      %dma_start3A_243 = tpu.memref_squeeze %dma_start3A_242 : memref<1x250x80xi32, #tpu.memory_space<hbm>> -> memref<250x80xi32, #tpu.memory_space<hbm>>
      %dma_start3A_244 = arith.constant 0 : i32
      %dma_start3A_245 = arith.constant 0 : i32
      %dma_start3A_246 = tpu.memref_slice %arg2[%arg1, %dma_start3A_244, %dma_start3A_245] : memref<16x250x80xi32, #tpu.memory_space<hbm>> -> memref<1x250x80xi32, #tpu.memory_space<hbm>>
      %dma_start3A_247 = tpu.memref_squeeze %dma_start3A_246 : memref<1x250x80xi32, #tpu.memory_space<hbm>> -> memref<250x80xi32, #tpu.memory_space<hbm>>
      tpu.enqueue_dma source(%dma_start3A_247 : memref<250x80xi32, #tpu.memory_space<hbm>>) target(%arg7 : memref<250x80xi32, #tpu.memory_space<vmem>>) target_semaphore(%run_scoped3A : memref<!tpu.dma_semaphore, #tpu.memory_space<semaphore_mem>>)
      %dma_wait3A_248 = arith.constant 0 : i32
      %dma_wait3A_249 = arith.constant 0 : i32
      %dma_wait3A_250 = tpu.memref_slice %arg2[%arg1, %dma_wait3A_248, %dma_wait3A_249] : memref<16x250x80xi32, #tpu.memory_space<hbm>> -> memref<1x250x80xi32, #tpu.memory_space<hbm>>
      %dma_wait3A_251 = tpu.memref_squeeze %dma_wait3A_250 : memref<1x250x80xi32, #tpu.memory_space<hbm>> -> memref<250x80xi32, #tpu.memory_space<hbm>>
      %dma_wait3A_252 = arith.constant 0 : i32
      %dma_wait3A_253 = arith.constant 0 : i32
      %dma_wait3A_254 = tpu.memref_slice %arg2[%arg1, %dma_wait3A_252, %dma_wait3A_253] : memref<16x250x80xi32, #tpu.memory_space<hbm>> -> memref<1x250x80xi32, #tpu.memory_space<hbm>>
      %dma_wait3A_255 = tpu.memref_squeeze %dma_wait3A_254 : memref<1x250x80xi32, #tpu.memory_space<hbm>> -> memref<250x80xi32, #tpu.memory_space<hbm>>
      tpu.wait_dma2 semaphore(%run_scoped3A : memref<!tpu.dma_semaphore, #tpu.memory_space<semaphore_mem>>) src(%dma_wait3A_255 : memref<250x80xi32, #tpu.memory_space<hbm>>) dst(%arg7 : memref<250x80xi32, #tpu.memory_space<vmem>>)
      tpu.yield
    }) : () -> ()
    "tpu.region"() ({
      %run_scoped3A = tpu.sem_alloc : memref<!tpu.dma_semaphore, #tpu.memory_space<semaphore_mem>>
      %dma_start3A = arith.constant 0 : i32
      %dma_start3A_241 = arith.constant 0 : i32
      %dma_start3A_242 = tpu.memref_slice %arg3[%arg1, %dma_start3A, %dma_start3A_241] : memref<16x250x80xi32, #tpu.memory_space<hbm>> -> memref<1x250x80xi32, #tpu.memory_space<hbm>>
      %dma_start3A_243 = tpu.memref_squeeze %dma_start3A_242 : memref<1x250x80xi32, #tpu.memory_space<hbm>> -> memref<250x80xi32, #tpu.memory_space<hbm>>
      %dma_start3A_244 = arith.constant 0 : i32
      %dma_start3A_245 = arith.constant 0 : i32
      %dma_start3A_246 = tpu.memref_slice %arg3[%arg1, %dma_start3A_244, %dma_start3A_245] : memref<16x250x80xi32, #tpu.memory_space<hbm>> -> memref<1x250x80xi32, #tpu.memory_space<hbm>>
      %dma_start3A_247 = tpu.memref_squeeze %dma_start3A_246 : memref<1x250x80xi32, #tpu.memory_space<hbm>> -> memref<250x80xi32, #tpu.memory_space<hbm>>
      tpu.enqueue_dma source(%dma_start3A_247 : memref<250x80xi32, #tpu.memory_space<hbm>>) target(%arg8 : memref<250x80xi32, #tpu.memory_space<vmem>>) target_semaphore(%run_scoped3A : memref<!tpu.dma_semaphore, #tpu.memory_space<semaphore_mem>>)
      %dma_wait3A_248 = arith.constant 0 : i32
      %dma_wait3A_249 = arith.constant 0 : i32
      %dma_wait3A_250 = tpu.memref_slice %arg3[%arg1, %dma_wait3A_248, %dma_wait3A_249] : memref<16x250x80xi32, #tpu.memory_space<hbm>> -> memref<1x250x80xi32, #tpu.memory_space<hbm>>
      %dma_wait3A_251 = tpu.memref_squeeze %dma_wait3A_250 : memref<1x250x80xi32, #tpu.memory_space<hbm>> -> memref<250x80xi32, #tpu.memory_space<hbm>>
      %dma_wait3A_252 = arith.constant 0 : i32
      %dma_wait3A_253 = arith.constant 0 : i32
      %dma_wait3A_254 = tpu.memref_slice %arg3[%arg1, %dma_wait3A_252, %dma_wait3A_253] : memref<16x250x80xi32, #tpu.memory_space<hbm>> -> memref<1x250x80xi32, #tpu.memory_space<hbm>>
      %dma_wait3A_255 = tpu.memref_squeeze %dma_wait3A_254 : memref<1x250x80xi32, #tpu.memory_space<hbm>> -> memref<250x80xi32, #tpu.memory_space<hbm>>
      tpu.wait_dma2 semaphore(%run_scoped3A : memref<!tpu.dma_semaphore, #tpu.memory_space<semaphore_mem>>) src(%dma_wait3A_255 : memref<250x80xi32, #tpu.memory_space<hbm>>) dst(%arg8 : memref<250x80xi32, #tpu.memory_space<vmem>>)
      tpu.yield
    }) : () -> ()
    %broadcast_in_dim3A = arith.constant 0.000000e+00 : f32
    %broadcast_in_dim3A_0 = vector.broadcast %broadcast_in_dim3A : f32 to vector<16xf32>
    %broadcast_in_dim3A_1 = arith.constant 1.000000e+00 : f32
    %broadcast_in_dim3A_2 = vector.broadcast %broadcast_in_dim3A_1 : f32 to vector<16xf32>
    %scan3A = arith.constant 0 : i32
    %scan3A_3 = arith.constant 48 : i32
    %scan3A_4 = arith.addi %scan3A, %scan3A_3 : i32
    %scan3A_5 = arith.constant 1 : i32
    scf.for %scan3A_241 = %scan3A to %scan3A_4 step %scan3A_5  : i32 {
      %swap3A = arith.index_cast %scan3A_241 : i32 to index
      %swap3A_242 = arith.constant 0 : index
      %swap3A_243 = tpu.vector_load %arg10[%swap3A, %swap3A_242] {strides = array<i32>} : memref<48x64xf32, #tpu.memory_space<vmem>>, vector<1x16xf32>,
      %swap3A_244 = vector.shape_cast %swap3A_243 : vector<1x16xf32> to vector<16xf32>
      %swap3A_245 = vector.shape_cast %broadcast_in_dim3A_0 : vector<16xf32> to vector<1x16xf32>
      tpu.vector_store %arg10[%swap3A, %swap3A_242], %swap3A_245 {strides = array<i32>} : memref<48x64xf32, #tpu.memory_space<vmem>>, vector<1x16xf32>,
      %swap3A_246 = arith.index_cast %scan3A_241 : i32 to index
      %swap3A_247 = arith.constant 16 : index
      %swap3A_248 = tpu.vector_load %arg10[%swap3A_246, %swap3A_247] {strides = array<i32>} : memref<48x64xf32, #tpu.memory_space<vmem>>, vector<1x16xf32>,
      %swap3A_249 = vector.shape_cast %swap3A_248 : vector<1x16xf32> to vector<16xf32>
      %swap3A_250 = vector.shape_cast %broadcast_in_dim3A_0 : vector<16xf32> to vector<1x16xf32>
      tpu.vector_store %arg10[%swap3A_246, %swap3A_247], %swap3A_250 {strides = array<i32>} : memref<48x64xf32, #tpu.memory_space<vmem>>, vector<1x16xf32>,
      %swap3A_251 = arith.index_cast %scan3A_241 : i32 to index
      %swap3A_252 = arith.constant 32 : index
      %swap3A_253 = tpu.vector_load %arg10[%swap3A_251, %swap3A_252] {strides = array<i32>} : memref<48x64xf32, #tpu.memory_space<vmem>>, vector<1x16xf32>,
      %swap3A_254 = vector.shape_cast %swap3A_253 : vector<1x16xf32> to vector<16xf32>
      %swap3A_255 = vector.shape_cast %broadcast_in_dim3A_0 : vector<16xf32> to vector<1x16xf32>
      tpu.vector_store %arg10[%swap3A_251, %swap3A_252], %swap3A_255 {strides = array<i32>} : memref<48x64xf32, #tpu.memory_space<vmem>>, vector<1x16xf32>,
      %swap3A_256 = arith.index_cast %scan3A_241 : i32 to index
      %swap3A_257 = arith.constant 48 : index
      %swap3A_258 = tpu.vector_load %arg10[%swap3A_256, %swap3A_257] {strides = array<i32>} : memref<48x64xf32, #tpu.memory_space<vmem>>, vector<1x16xf32>,
      %swap3A_259 = vector.shape_cast %swap3A_258 : vector<1x16xf32> to vector<16xf32>
      %swap3A_260 = vector.shape_cast %broadcast_in_dim3A_0 : vector<16xf32> to vector<1x16xf32>
      tpu.vector_store %arg10[%swap3A_256, %swap3A_257], %swap3A_260 {strides = array<i32>} : memref<48x64xf32, #tpu.memory_space<vmem>>, vector<1x16xf32>,
      %swap3A_261 = arith.index_cast %scan3A_241 : i32 to index
      %swap3A_262 = arith.constant 0 : index
      %swap3A_263 = tpu.vector_load %arg11[%swap3A_261, %swap3A_262] {strides = array<i32>} : memref<48x16xf32, #tpu.memory_space<vmem>>, vector<1x16xf32>,
      %swap3A_264 = vector.shape_cast %swap3A_263 : vector<1x16xf32> to vector<16xf32>
      %swap3A_265 = vector.shape_cast %broadcast_in_dim3A_0 : vector<16xf32> to vector<1x16xf32>
      tpu.vector_store %arg11[%swap3A_261, %swap3A_262], %swap3A_265 {strides = array<i32>} : memref<48x16xf32, #tpu.memory_space<vmem>>, vector<1x16xf32>,
    }
    %scan3A_6 = arith.constant 48 : i32
    %scan3A_7 = arith.constant 0 : i32
    %scan3A_8 = arith.constant 80 : i32
    %scan3A_9 = arith.addi %scan3A_7, %scan3A_8 : i32
    %scan3A_10 = arith.constant 1 : i32
    scf.for %scan3A_241 = %scan3A_7 to %scan3A_9 step %scan3A_10  : i32 {
      %swap3A = arith.index_cast %scan3A_241 : i32 to index
      %swap3A_242 = arith.constant 0 : index
      %swap3A_243 = tpu.vector_load %arg12[%swap3A, %swap3A_242] {strides = array<i32>} : memref<80x16xf32, #tpu.memory_space<vmem>>, vector<1x16xf32>,
      %swap3A_244 = vector.shape_cast %swap3A_243 : vector<1x16xf32> to vector<16xf32>
      %swap3A_245 = vector.shape_cast %broadcast_in_dim3A_2 : vector<16xf32> to vector<1x16xf32>
      tpu.vector_store %arg12[%swap3A, %swap3A_242], %swap3A_245 {strides = array<i32>} : memref<80x16xf32, #tpu.memory_space<vmem>>, vector<1x16xf32>,
    }
    %scan3A_11 = arith.constant 80 : i32
    %mul3A = arith.constant 624 : i32
    %mul3A_12 = arith.muli %arg1, %mul3A : i32
    %add3A = arith.constant 0 : i32
    %add3A_13 = arith.addi %mul3A_12, %add3A : i32
    "tpu.region"() ({
      %run_scoped3A = tpu.sem_alloc : memref<!tpu.dma_semaphore, #tpu.memory_space<semaphore_mem>>
      %dma_start3A = arith.constant 0 : i32
      %dma_start3A_241 = tpu.memref_slice %arg13[%add3A_13, %dma_start3A] : memref<10000x64xf32, #tpu.memory_space<vmem_shared>> -> memref<48x64xf32, #tpu.memory_space<vmem_shared>>
      %dma_start3A_242 = arith.constant 0 : i32
      %dma_start3A_243 = tpu.memref_slice %arg13[%add3A_13, %dma_start3A_242] : memref<10000x64xf32, #tpu.memory_space<vmem_shared>> -> memref<48x64xf32, #tpu.memory_space<vmem_shared>>
      tpu.enqueue_dma source(%arg10 : memref<48x64xf32, #tpu.memory_space<vmem>>) target(%dma_start3A_243 : memref<48x64xf32, #tpu.memory_space<vmem_shared>>) target_semaphore(%run_scoped3A : memref<!tpu.dma_semaphore, #tpu.memory_space<semaphore_mem>>)
      %dma_wait3A_244 = arith.constant 0 : i32
      %dma_wait3A_245 = tpu.memref_slice %arg13[%add3A_13, %dma_wait3A_244] : memref<10000x64xf32, #tpu.memory_space<vmem_shared>> -> memref<48x64xf32, #tpu.memory_space<vmem_shared>>
      %dma_wait3A_246 = arith.constant 0 : i32
      %dma_wait3A_247 = tpu.memref_slice %arg13[%add3A_13, %dma_wait3A_246] : memref<10000x64xf32, #tpu.memory_space<vmem_shared>> -> memref<48x64xf32, #tpu.memory_space<vmem_shared>>
      tpu.wait_dma2 semaphore(%run_scoped3A : memref<!tpu.dma_semaphore, #tpu.memory_space<semaphore_mem>>) src(%arg10 : memref<48x64xf32, #tpu.memory_space<vmem>>) dst(%dma_wait3A_247 : memref<48x64xf32, #tpu.memory_space<vmem_shared>>)
      tpu.yield
    }) : () -> ()
    %mul3A_14 = arith.constant 624 : i32
    %mul3A_15 = arith.muli %arg1, %mul3A_14 : i32
    %add3A_16 = arith.constant 0 : i32
    %add3A_17 = arith.addi %mul3A_15, %add3A_16 : i32
    "tpu.region"() ({
      %run_scoped3A = tpu.sem_alloc : memref<!tpu.dma_semaphore, #tpu.memory_space<semaphore_mem>>
      %dma_start3A = arith.constant 0 : i32
      %dma_start3A_241 = tpu.memref_slice %arg14[%add3A_17, %dma_start3A] : memref<10000x16xf32, #tpu.memory_space<vmem_shared>> -> memref<48x16xf32, #tpu.memory_space<vmem_shared>>
      %dma_start3A_242 = arith.constant 0 : i32
      %dma_start3A_243 = tpu.memref_slice %arg14[%add3A_17, %dma_start3A_242] : memref<10000x16xf32, #tpu.memory_space<vmem_shared>> -> memref<48x16xf32, #tpu.memory_space<vmem_shared>>
      tpu.enqueue_dma source(%arg11 : memref<48x16xf32, #tpu.memory_space<vmem>>) target(%dma_start3A_243 : memref<48x16xf32, #tpu.memory_space<vmem_shared>>) target_semaphore(%run_scoped3A : memref<!tpu.dma_semaphore, #tpu.memory_space<semaphore_mem>>)
      %dma_wait3A_244 = arith.constant 0 : i32
      %dma_wait3A_245 = tpu.memref_slice %arg14[%add3A_17, %dma_wait3A_244] : memref<10000x16xf32, #tpu.memory_space<vmem_shared>> -> memref<48x16xf32, #tpu.memory_space<vmem_shared>>
      %dma_wait3A_246 = arith.constant 0 : i32
      %dma_wait3A_247 = tpu.memref_slice %arg14[%add3A_17, %dma_wait3A_246] : memref<10000x16xf32, #tpu.memory_space<vmem_shared>> -> memref<48x16xf32, #tpu.memory_space<vmem_shared>>
      tpu.wait_dma2 semaphore(%run_scoped3A : memref<!tpu.dma_semaphore, #tpu.memory_space<semaphore_mem>>) src(%arg11 : memref<48x16xf32, #tpu.memory_space<vmem>>) dst(%dma_wait3A_247 : memref<48x16xf32, #tpu.memory_space<vmem_shared>>)
      tpu.yield
    }) : () -> ()
    %mul3A_18 = arith.constant 624 : i32
    %mul3A_19 = arith.muli %arg1, %mul3A_18 : i32
    %add3A_20 = arith.constant 48 : i32
    %add3A_21 = arith.addi %mul3A_19, %add3A_20 : i32
    "tpu.region"() ({
      %run_scoped3A = tpu.sem_alloc : memref<!tpu.dma_semaphore, #tpu.memory_space<semaphore_mem>>
      %dma_start3A = arith.constant 0 : i32
      %dma_start3A_241 = tpu.memref_slice %arg13[%add3A_21, %dma_start3A] : memref<10000x64xf32, #tpu.memory_space<vmem_shared>> -> memref<48x64xf32, #tpu.memory_space<vmem_shared>>
      %dma_start3A_242 = arith.constant 0 : i32
      %dma_start3A_243 = tpu.memref_slice %arg13[%add3A_21, %dma_start3A_242] : memref<10000x64xf32, #tpu.memory_space<vmem_shared>> -> memref<48x64xf32, #tpu.memory_space<vmem_shared>>
      tpu.enqueue_dma source(%arg10 : memref<48x64xf32, #tpu.memory_space<vmem>>) target(%dma_start3A_243 : memref<48x64xf32, #tpu.memory_space<vmem_shared>>) target_semaphore(%run_scoped3A : memref<!tpu.dma_semaphore, #tpu.memory_space<semaphore_mem>>)
      %dma_wait3A_244 = arith.constant 0 : i32
      %dma_wait3A_245 = tpu.memref_slice %arg13[%add3A_21, %dma_wait3A_244] : memref<10000x64xf32, #tpu.memory_space<vmem_shared>> -> memref<48x64xf32, #tpu.memory_space<vmem_shared>>
      %dma_wait3A_246 = arith.constant 0 : i32
      %dma_wait3A_247 = tpu.memref_slice %arg13[%add3A_21, %dma_wait3A_246] : memref<10000x64xf32, #tpu.memory_space<vmem_shared>> -> memref<48x64xf32, #tpu.memory_space<vmem_shared>>
      tpu.wait_dma2 semaphore(%run_scoped3A : memref<!tpu.dma_semaphore, #tpu.memory_space<semaphore_mem>>) src(%arg10 : memref<48x64xf32, #tpu.memory_space<vmem>>) dst(%dma_wait3A_247 : memref<48x64xf32, #tpu.memory_space<vmem_shared>>)
      tpu.yield
    }) : () -> ()
    %mul3A_22 = arith.constant 624 : i32
    %mul3A_23 = arith.muli %arg1, %mul3A_22 : i32
    %add3A_24 = arith.constant 48 : i32
    %add3A_25 = arith.addi %mul3A_23, %add3A_24 : i32
    "tpu.region"() ({
      %run_scoped3A = tpu.sem_alloc : memref<!tpu.dma_semaphore, #tpu.memory_space<semaphore_mem>>
      %dma_start3A = arith.constant 0 : i32
      %dma_start3A_241 = tpu.memref_slice %arg14[%add3A_25, %dma_start3A] : memref<10000x16xf32, #tpu.memory_space<vmem_shared>> -> memref<48x16xf32, #tpu.memory_space<vmem_shared>>
      %dma_start3A_242 = arith.constant 0 : i32
      %dma_start3A_243 = tpu.memref_slice %arg14[%add3A_25, %dma_start3A_242] : memref<10000x16xf32, #tpu.memory_space<vmem_shared>> -> memref<48x16xf32, #tpu.memory_space<vmem_shared>>
      tpu.enqueue_dma source(%arg11 : memref<48x16xf32, #tpu.memory_space<vmem>>) target(%dma_start3A_243 : memref<48x16xf32, #tpu.memory_space<vmem_shared>>) target_semaphore(%run_scoped3A : memref<!tpu.dma_semaphore, #tpu.memory_space<semaphore_mem>>)
      %dma_wait3A_244 = arith.constant 0 : i32
      %dma_wait3A_245 = tpu.memref_slice %arg14[%add3A_25, %dma_wait3A_244] : memref<10000x16xf32, #tpu.memory_space<vmem_shared>> -> memref<48x16xf32, #tpu.memory_space<vmem_shared>>
      %dma_wait3A_246 = arith.constant 0 : i32
      %dma_wait3A_247 = tpu.memref_slice %arg14[%add3A_25, %dma_wait3A_246] : memref<10000x16xf32, #tpu.memory_space<vmem_shared>> -> memref<48x16xf32, #tpu.memory_space<vmem_shared>>
      tpu.wait_dma2 semaphore(%run_scoped3A : memref<!tpu.dma_semaphore, #tpu.memory_space<semaphore_mem>>) src(%arg11 : memref<48x16xf32, #tpu.memory_space<vmem>>) dst(%dma_wait3A_247 : memref<48x16xf32, #tpu.memory_space<vmem_shared>>)
      tpu.yield
    }) : () -> ()
    %mul3A_26 = arith.constant 624 : i32
    %mul3A_27 = arith.muli %arg1, %mul3A_26 : i32
    %add3A_28 = arith.constant 96 : i32
    %add3A_29 = arith.addi %mul3A_27, %add3A_28 : i32
    "tpu.region"() ({
      %run_scoped3A = tpu.sem_alloc : memref<!tpu.dma_semaphore, #tpu.memory_space<semaphore_mem>>
      %dma_start3A = arith.constant 0 : i32
      %dma_start3A_241 = tpu.memref_slice %arg13[%add3A_29, %dma_start3A] : memref<10000x64xf32, #tpu.memory_space<vmem_shared>> -> memref<48x64xf32, #tpu.memory_space<vmem_shared>>
      %dma_start3A_242 = arith.constant 0 : i32
      %dma_start3A_243 = tpu.memref_slice %arg13[%add3A_29, %dma_start3A_242] : memref<10000x64xf32, #tpu.memory_space<vmem_shared>> -> memref<48x64xf32, #tpu.memory_space<vmem_shared>>
      tpu.enqueue_dma source(%arg10 : memref<48x64xf32, #tpu.memory_space<vmem>>) target(%dma_start3A_243 : memref<48x64xf32, #tpu.memory_space<vmem_shared>>) target_semaphore(%run_scoped3A : memref<!tpu.dma_semaphore, #tpu.memory_space<semaphore_mem>>)
      %dma_wait3A_244 = arith.constant 0 : i32
      %dma_wait3A_245 = tpu.memref_slice %arg13[%add3A_29, %dma_wait3A_244] : memref<10000x64xf32, #tpu.memory_space<vmem_shared>> -> memref<48x64xf32, #tpu.memory_space<vmem_shared>>
      %dma_wait3A_246 = arith.constant 0 : i32
      %dma_wait3A_247 = tpu.memref_slice %arg13[%add3A_29, %dma_wait3A_246] : memref<10000x64xf32, #tpu.memory_space<vmem_shared>> -> memref<48x64xf32, #tpu.memory_space<vmem_shared>>
      tpu.wait_dma2 semaphore(%run_scoped3A : memref<!tpu.dma_semaphore, #tpu.memory_space<semaphore_mem>>) src(%arg10 : memref<48x64xf32, #tpu.memory_space<vmem>>) dst(%dma_wait3A_247 : memref<48x64xf32, #tpu.memory_space<vmem_shared>>)
      tpu.yield
    }) : () -> ()
    %mul3A_30 = arith.constant 624 : i32
    %mul3A_31 = arith.muli %arg1, %mul3A_30 : i32
    %add3A_32 = arith.constant 96 : i32
    %add3A_33 = arith.addi %mul3A_31, %add3A_32 : i32
    "tpu.region"() ({
      %run_scoped3A = tpu.sem_alloc : memref<!tpu.dma_semaphore, #tpu.memory_space<semaphore_mem>>
      %dma_start3A = arith.constant 0 : i32
      %dma_start3A_241 = tpu.memref_slice %arg14[%add3A_33, %dma_start3A] : memref<10000x16xf32, #tpu.memory_space<vmem_shared>> -> memref<48x16xf32, #tpu.memory_space<vmem_shared>>
      %dma_start3A_242 = arith.constant 0 : i32
      %dma_start3A_243 = tpu.memref_slice %arg14[%add3A_33, %dma_start3A_242] : memref<10000x16xf32, #tpu.memory_space<vmem_shared>> -> memref<48x16xf32, #tpu.memory_space<vmem_shared>>
      tpu.enqueue_dma source(%arg11 : memref<48x16xf32, #tpu.memory_space<vmem>>) target(%dma_start3A_243 : memref<48x16xf32, #tpu.memory_space<vmem_shared>>) target_semaphore(%run_scoped3A : memref<!tpu.dma_semaphore, #tpu.memory_space<semaphore_mem>>)
      %dma_wait3A_244 = arith.constant 0 : i32
      %dma_wait3A_245 = tpu.memref_slice %arg14[%add3A_33, %dma_wait3A_244] : memref<10000x16xf32, #tpu.memory_space<vmem_shared>> -> memref<48x16xf32, #tpu.memory_space<vmem_shared>>
      %dma_wait3A_246 = arith.constant 0 : i32
      %dma_wait3A_247 = tpu.memref_slice %arg14[%add3A_33, %dma_wait3A_246] : memref<10000x16xf32, #tpu.memory_space<vmem_shared>> -> memref<48x16xf32, #tpu.memory_space<vmem_shared>>
      tpu.wait_dma2 semaphore(%run_scoped3A : memref<!tpu.dma_semaphore, #tpu.memory_space<semaphore_mem>>) src(%arg11 : memref<48x16xf32, #tpu.memory_space<vmem>>) dst(%dma_wait3A_247 : memref<48x16xf32, #tpu.memory_space<vmem_shared>>)
      tpu.yield
    }) : () -> ()
    %mul3A_34 = arith.constant 624 : i32
    %mul3A_35 = arith.muli %arg1, %mul3A_34 : i32
    %add3A_36 = arith.constant 144 : i32
    %add3A_37 = arith.addi %mul3A_35, %add3A_36 : i32
    "tpu.region"() ({
      %run_scoped3A = tpu.sem_alloc : memref<!tpu.dma_semaphore, #tpu.memory_space<semaphore_mem>>
      %dma_start3A = arith.constant 0 : i32
      %dma_start3A_241 = tpu.memref_slice %arg13[%add3A_37, %dma_start3A] : memref<10000x64xf32, #tpu.memory_space<vmem_shared>> -> memref<48x64xf32, #tpu.memory_space<vmem_shared>>
      %dma_start3A_242 = arith.constant 0 : i32
      %dma_start3A_243 = tpu.memref_slice %arg13[%add3A_37, %dma_start3A_242] : memref<10000x64xf32, #tpu.memory_space<vmem_shared>> -> memref<48x64xf32, #tpu.memory_space<vmem_shared>>
      tpu.enqueue_dma source(%arg10 : memref<48x64xf32, #tpu.memory_space<vmem>>) target(%dma_start3A_243 : memref<48x64xf32, #tpu.memory_space<vmem_shared>>) target_semaphore(%run_scoped3A : memref<!tpu.dma_semaphore, #tpu.memory_space<semaphore_mem>>)
      %dma_wait3A_244 = arith.constant 0 : i32
      %dma_wait3A_245 = tpu.memref_slice %arg13[%add3A_37, %dma_wait3A_244] : memref<10000x64xf32, #tpu.memory_space<vmem_shared>> -> memref<48x64xf32, #tpu.memory_space<vmem_shared>>
      %dma_wait3A_246 = arith.constant 0 : i32
      %dma_wait3A_247 = tpu.memref_slice %arg13[%add3A_37, %dma_wait3A_246] : memref<10000x64xf32, #tpu.memory_space<vmem_shared>> -> memref<48x64xf32, #tpu.memory_space<vmem_shared>>
      tpu.wait_dma2 semaphore(%run_scoped3A : memref<!tpu.dma_semaphore, #tpu.memory_space<semaphore_mem>>) src(%arg10 : memref<48x64xf32, #tpu.memory_space<vmem>>) dst(%dma_wait3A_247 : memref<48x64xf32, #tpu.memory_space<vmem_shared>>)
      tpu.yield
    }) : () -> ()
    %mul3A_38 = arith.constant 624 : i32
    %mul3A_39 = arith.muli %arg1, %mul3A_38 : i32
    %add3A_40 = arith.constant 144 : i32
    %add3A_41 = arith.addi %mul3A_39, %add3A_40 : i32
    "tpu.region"() ({
      %run_scoped3A = tpu.sem_alloc : memref<!tpu.dma_semaphore, #tpu.memory_space<semaphore_mem>>
      %dma_start3A = arith.constant 0 : i32
      %dma_start3A_241 = tpu.memref_slice %arg14[%add3A_41, %dma_start3A] : memref<10000x16xf32, #tpu.memory_space<vmem_shared>> -> memref<48x16xf32, #tpu.memory_space<vmem_shared>>
      %dma_start3A_242 = arith.constant 0 : i32
      %dma_start3A_243 = tpu.memref_slice %arg14[%add3A_41, %dma_start3A_242] : memref<10000x16xf32, #tpu.memory_space<vmem_shared>> -> memref<48x16xf32, #tpu.memory_space<vmem_shared>>
      tpu.enqueue_dma source(%arg11 : memref<48x16xf32, #tpu.memory_space<vmem>>) target(%dma_start3A_243 : memref<48x16xf32, #tpu.memory_space<vmem_shared>>) target_semaphore(%run_scoped3A : memref<!tpu.dma_semaphore, #tpu.memory_space<semaphore_mem>>)
      %dma_wait3A_244 = arith.constant 0 : i32
      %dma_wait3A_245 = tpu.memref_slice %arg14[%add3A_41, %dma_wait3A_244] : memref<10000x16xf32, #tpu.memory_space<vmem_shared>> -> memref<48x16xf32, #tpu.memory_space<vmem_shared>>
      %dma_wait3A_246 = arith.constant 0 : i32
      %dma_wait3A_247 = tpu.memref_slice %arg14[%add3A_41, %dma_wait3A_246] : memref<10000x16xf32, #tpu.memory_space<vmem_shared>> -> memref<48x16xf32, #tpu.memory_space<vmem_shared>>
      tpu.wait_dma2 semaphore(%run_scoped3A : memref<!tpu.dma_semaphore, #tpu.memory_space<semaphore_mem>>) src(%arg11 : memref<48x16xf32, #tpu.memory_space<vmem>>) dst(%dma_wait3A_247 : memref<48x16xf32, #tpu.memory_space<vmem_shared>>)
      tpu.yield
    }) : () -> ()
    %mul3A_42 = arith.constant 624 : i32
    %mul3A_43 = arith.muli %arg1, %mul3A_42 : i32
    %add3A_44 = arith.constant 192 : i32
    %add3A_45 = arith.addi %mul3A_43, %add3A_44 : i32
    "tpu.region"() ({
      %run_scoped3A = tpu.sem_alloc : memref<!tpu.dma_semaphore, #tpu.memory_space<semaphore_mem>>
      %dma_start3A = arith.constant 0 : i32
      %dma_start3A_241 = tpu.memref_slice %arg13[%add3A_45, %dma_start3A] : memref<10000x64xf32, #tpu.memory_space<vmem_shared>> -> memref<48x64xf32, #tpu.memory_space<vmem_shared>>
      %dma_start3A_242 = arith.constant 0 : i32
      %dma_start3A_243 = tpu.memref_slice %arg13[%add3A_45, %dma_start3A_242] : memref<10000x64xf32, #tpu.memory_space<vmem_shared>> -> memref<48x64xf32, #tpu.memory_space<vmem_shared>>
      tpu.enqueue_dma source(%arg10 : memref<48x64xf32, #tpu.memory_space<vmem>>) target(%dma_start3A_243 : memref<48x64xf32, #tpu.memory_space<vmem_shared>>) target_semaphore(%run_scoped3A : memref<!tpu.dma_semaphore, #tpu.memory_space<semaphore_mem>>)
      %dma_wait3A_244 = arith.constant 0 : i32
      %dma_wait3A_245 = tpu.memref_slice %arg13[%add3A_45, %dma_wait3A_244] : memref<10000x64xf32, #tpu.memory_space<vmem_shared>> -> memref<48x64xf32, #tpu.memory_space<vmem_shared>>
      %dma_wait3A_246 = arith.constant 0 : i32
      %dma_wait3A_247 = tpu.memref_slice %arg13[%add3A_45, %dma_wait3A_246] : memref<10000x64xf32, #tpu.memory_space<vmem_shared>> -> memref<48x64xf32, #tpu.memory_space<vmem_shared>>
      tpu.wait_dma2 semaphore(%run_scoped3A : memref<!tpu.dma_semaphore, #tpu.memory_space<semaphore_mem>>) src(%arg10 : memref<48x64xf32, #tpu.memory_space<vmem>>) dst(%dma_wait3A_247 : memref<48x64xf32, #tpu.memory_space<vmem_shared>>)
      tpu.yield
    }) : () -> ()
    %mul3A_46 = arith.constant 624 : i32
    %mul3A_47 = arith.muli %arg1, %mul3A_46 : i32
    %add3A_48 = arith.constant 192 : i32
    %add3A_49 = arith.addi %mul3A_47, %add3A_48 : i32
    "tpu.region"() ({
      %run_scoped3A = tpu.sem_alloc : memref<!tpu.dma_semaphore, #tpu.memory_space<semaphore_mem>>
      %dma_start3A = arith.constant 0 : i32
      %dma_start3A_241 = tpu.memref_slice %arg14[%add3A_49, %dma_start3A] : memref<10000x16xf32, #tpu.memory_space<vmem_shared>> -> memref<48x16xf32, #tpu.memory_space<vmem_shared>>
      %dma_start3A_242 = arith.constant 0 : i32
      %dma_start3A_243 = tpu.memref_slice %arg14[%add3A_49, %dma_start3A_242] : memref<10000x16xf32, #tpu.memory_space<vmem_shared>> -> memref<48x16xf32, #tpu.memory_space<vmem_shared>>
      tpu.enqueue_dma source(%arg11 : memref<48x16xf32, #tpu.memory_space<vmem>>) target(%dma_start3A_243 : memref<48x16xf32, #tpu.memory_space<vmem_shared>>) target_semaphore(%run_scoped3A : memref<!tpu.dma_semaphore, #tpu.memory_space<semaphore_mem>>)
      %dma_wait3A_244 = arith.constant 0 : i32
      %dma_wait3A_245 = tpu.memref_slice %arg14[%add3A_49, %dma_wait3A_244] : memref<10000x16xf32, #tpu.memory_space<vmem_shared>> -> memref<48x16xf32, #tpu.memory_space<vmem_shared>>
      %dma_wait3A_246 = arith.constant 0 : i32
      %dma_wait3A_247 = tpu.memref_slice %arg14[%add3A_49, %dma_wait3A_246] : memref<10000x16xf32, #tpu.memory_space<vmem_shared>> -> memref<48x16xf32, #tpu.memory_space<vmem_shared>>
      tpu.wait_dma2 semaphore(%run_scoped3A : memref<!tpu.dma_semaphore, #tpu.memory_space<semaphore_mem>>) src(%arg11 : memref<48x16xf32, #tpu.memory_space<vmem>>) dst(%dma_wait3A_247 : memref<48x16xf32, #tpu.memory_space<vmem_shared>>)
      tpu.yield
    }) : () -> ()
    %mul3A_50 = arith.constant 624 : i32
    %mul3A_51 = arith.muli %arg1, %mul3A_50 : i32
    %add3A_52 = arith.constant 240 : i32
    %add3A_53 = arith.addi %mul3A_51, %add3A_52 : i32
    "tpu.region"() ({
      %run_scoped3A = tpu.sem_alloc : memref<!tpu.dma_semaphore, #tpu.memory_space<semaphore_mem>>
      %dma_start3A = arith.constant 0 : i32
      %dma_start3A_241 = tpu.memref_slice %arg13[%add3A_53, %dma_start3A] : memref<10000x64xf32, #tpu.memory_space<vmem_shared>> -> memref<48x64xf32, #tpu.memory_space<vmem_shared>>
      %dma_start3A_242 = arith.constant 0 : i32
      %dma_start3A_243 = tpu.memref_slice %arg13[%add3A_53, %dma_start3A_242] : memref<10000x64xf32, #tpu.memory_space<vmem_shared>> -> memref<48x64xf32, #tpu.memory_space<vmem_shared>>
      tpu.enqueue_dma source(%arg10 : memref<48x64xf32, #tpu.memory_space<vmem>>) target(%dma_start3A_243 : memref<48x64xf32, #tpu.memory_space<vmem_shared>>) target_semaphore(%run_scoped3A : memref<!tpu.dma_semaphore, #tpu.memory_space<semaphore_mem>>)
      %dma_wait3A_244 = arith.constant 0 : i32
      %dma_wait3A_245 = tpu.memref_slice %arg13[%add3A_53, %dma_wait3A_244] : memref<10000x64xf32, #tpu.memory_space<vmem_shared>> -> memref<48x64xf32, #tpu.memory_space<vmem_shared>>
      %dma_wait3A_246 = arith.constant 0 : i32
      %dma_wait3A_247 = tpu.memref_slice %arg13[%add3A_53, %dma_wait3A_246] : memref<10000x64xf32, #tpu.memory_space<vmem_shared>> -> memref<48x64xf32, #tpu.memory_space<vmem_shared>>
      tpu.wait_dma2 semaphore(%run_scoped3A : memref<!tpu.dma_semaphore, #tpu.memory_space<semaphore_mem>>) src(%arg10 : memref<48x64xf32, #tpu.memory_space<vmem>>) dst(%dma_wait3A_247 : memref<48x64xf32, #tpu.memory_space<vmem_shared>>)
      tpu.yield
    }) : () -> ()
    %mul3A_54 = arith.constant 624 : i32
    %mul3A_55 = arith.muli %arg1, %mul3A_54 : i32
    %add3A_56 = arith.constant 240 : i32
    %add3A_57 = arith.addi %mul3A_55, %add3A_56 : i32
    "tpu.region"() ({
      %run_scoped3A = tpu.sem_alloc : memref<!tpu.dma_semaphore, #tpu.memory_space<semaphore_mem>>
      %dma_start3A = arith.constant 0 : i32
      %dma_start3A_241 = tpu.memref_slice %arg14[%add3A_57, %dma_start3A] : memref<10000x16xf32, #tpu.memory_space<vmem_shared>> -> memref<48x16xf32, #tpu.memory_space<vmem_shared>>
      %dma_start3A_242 = arith.constant 0 : i32
      %dma_start3A_243 = tpu.memref_slice %arg14[%add3A_57, %dma_start3A_242] : memref<10000x16xf32, #tpu.memory_space<vmem_shared>> -> memref<48x16xf32, #tpu.memory_space<vmem_shared>>
      tpu.enqueue_dma source(%arg11 : memref<48x16xf32, #tpu.memory_space<vmem>>) target(%dma_start3A_243 : memref<48x16xf32, #tpu.memory_space<vmem_shared>>) target_semaphore(%run_scoped3A : memref<!tpu.dma_semaphore, #tpu.memory_space<semaphore_mem>>)
      %dma_wait3A_244 = arith.constant 0 : i32
      %dma_wait3A_245 = tpu.memref_slice %arg14[%add3A_57, %dma_wait3A_244] : memref<10000x16xf32, #tpu.memory_space<vmem_shared>> -> memref<48x16xf32, #tpu.memory_space<vmem_shared>>
      %dma_wait3A_246 = arith.constant 0 : i32
      %dma_wait3A_247 = tpu.memref_slice %arg14[%add3A_57, %dma_wait3A_246] : memref<10000x16xf32, #tpu.memory_space<vmem_shared>> -> memref<48x16xf32, #tpu.memory_space<vmem_shared>>
      tpu.wait_dma2 semaphore(%run_scoped3A : memref<!tpu.dma_semaphore, #tpu.memory_space<semaphore_mem>>) src(%arg11 : memref<48x16xf32, #tpu.memory_space<vmem>>) dst(%dma_wait3A_247 : memref<48x16xf32, #tpu.memory_space<vmem_shared>>)
      tpu.yield
    }) : () -> ()
    %mul3A_58 = arith.constant 624 : i32
    %mul3A_59 = arith.muli %arg1, %mul3A_58 : i32
    %add3A_60 = arith.constant 288 : i32
    %add3A_61 = arith.addi %mul3A_59, %add3A_60 : i32
    "tpu.region"() ({
      %run_scoped3A = tpu.sem_alloc : memref<!tpu.dma_semaphore, #tpu.memory_space<semaphore_mem>>
      %dma_start3A = arith.constant 0 : i32
      %dma_start3A_241 = tpu.memref_slice %arg13[%add3A_61, %dma_start3A] : memref<10000x64xf32, #tpu.memory_space<vmem_shared>> -> memref<48x64xf32, #tpu.memory_space<vmem_shared>>
      %dma_start3A_242 = arith.constant 0 : i32
      %dma_start3A_243 = tpu.memref_slice %arg13[%add3A_61, %dma_start3A_242] : memref<10000x64xf32, #tpu.memory_space<vmem_shared>> -> memref<48x64xf32, #tpu.memory_space<vmem_shared>>
      tpu.enqueue_dma source(%arg10 : memref<48x64xf32, #tpu.memory_space<vmem>>) target(%dma_start3A_243 : memref<48x64xf32, #tpu.memory_space<vmem_shared>>) target_semaphore(%run_scoped3A : memref<!tpu.dma_semaphore, #tpu.memory_space<semaphore_mem>>)
      %dma_wait3A_244 = arith.constant 0 : i32
      %dma_wait3A_245 = tpu.memref_slice %arg13[%add3A_61, %dma_wait3A_244] : memref<10000x64xf32, #tpu.memory_space<vmem_shared>> -> memref<48x64xf32, #tpu.memory_space<vmem_shared>>
      %dma_wait3A_246 = arith.constant 0 : i32
      %dma_wait3A_247 = tpu.memref_slice %arg13[%add3A_61, %dma_wait3A_246] : memref<10000x64xf32, #tpu.memory_space<vmem_shared>> -> memref<48x64xf32, #tpu.memory_space<vmem_shared>>
      tpu.wait_dma2 semaphore(%run_scoped3A : memref<!tpu.dma_semaphore, #tpu.memory_space<semaphore_mem>>) src(%arg10 : memref<48x64xf32, #tpu.memory_space<vmem>>) dst(%dma_wait3A_247 : memref<48x64xf32, #tpu.memory_space<vmem_shared>>)
      tpu.yield
    }) : () -> ()
    %mul3A_62 = arith.constant 624 : i32
    %mul3A_63 = arith.muli %arg1, %mul3A_62 : i32
    %add3A_64 = arith.constant 288 : i32
    %add3A_65 = arith.addi %mul3A_63, %add3A_64 : i32
    "tpu.region"() ({
      %run_scoped3A = tpu.sem_alloc : memref<!tpu.dma_semaphore, #tpu.memory_space<semaphore_mem>>
      %dma_start3A = arith.constant 0 : i32
      %dma_start3A_241 = tpu.memref_slice %arg14[%add3A_65, %dma_start3A] : memref<10000x16xf32, #tpu.memory_space<vmem_shared>> -> memref<48x16xf32, #tpu.memory_space<vmem_shared>>
      %dma_start3A_242 = arith.constant 0 : i32
      %dma_start3A_243 = tpu.memref_slice %arg14[%add3A_65, %dma_start3A_242] : memref<10000x16xf32, #tpu.memory_space<vmem_shared>> -> memref<48x16xf32, #tpu.memory_space<vmem_shared>>
      tpu.enqueue_dma source(%arg11 : memref<48x16xf32, #tpu.memory_space<vmem>>) target(%dma_start3A_243 : memref<48x16xf32, #tpu.memory_space<vmem_shared>>) target_semaphore(%run_scoped3A : memref<!tpu.dma_semaphore, #tpu.memory_space<semaphore_mem>>)
      %dma_wait3A_244 = arith.constant 0 : i32
      %dma_wait3A_245 = tpu.memref_slice %arg14[%add3A_65, %dma_wait3A_244] : memref<10000x16xf32, #tpu.memory_space<vmem_shared>> -> memref<48x16xf32, #tpu.memory_space<vmem_shared>>
      %dma_wait3A_246 = arith.constant 0 : i32
      %dma_wait3A_247 = tpu.memref_slice %arg14[%add3A_65, %dma_wait3A_246] : memref<10000x16xf32, #tpu.memory_space<vmem_shared>> -> memref<48x16xf32, #tpu.memory_space<vmem_shared>>
      tpu.wait_dma2 semaphore(%run_scoped3A : memref<!tpu.dma_semaphore, #tpu.memory_space<semaphore_mem>>) src(%arg11 : memref<48x16xf32, #tpu.memory_space<vmem>>) dst(%dma_wait3A_247 : memref<48x16xf32, #tpu.memory_space<vmem_shared>>)
      tpu.yield
    }) : () -> ()
    %mul3A_66 = arith.constant 624 : i32
    %mul3A_67 = arith.muli %arg1, %mul3A_66 : i32
    %add3A_68 = arith.constant 336 : i32
    %add3A_69 = arith.addi %mul3A_67, %add3A_68 : i32
    "tpu.region"() ({
      %run_scoped3A = tpu.sem_alloc : memref<!tpu.dma_semaphore, #tpu.memory_space<semaphore_mem>>
      %dma_start3A = arith.constant 0 : i32
      %dma_start3A_241 = tpu.memref_slice %arg13[%add3A_69, %dma_start3A] : memref<10000x64xf32, #tpu.memory_space<vmem_shared>> -> memref<48x64xf32, #tpu.memory_space<vmem_shared>>
      %dma_start3A_242 = arith.constant 0 : i32
      %dma_start3A_243 = tpu.memref_slice %arg13[%add3A_69, %dma_start3A_242] : memref<10000x64xf32, #tpu.memory_space<vmem_shared>> -> memref<48x64xf32, #tpu.memory_space<vmem_shared>>
      tpu.enqueue_dma source(%arg10 : memref<48x64xf32, #tpu.memory_space<vmem>>) target(%dma_start3A_243 : memref<48x64xf32, #tpu.memory_space<vmem_shared>>) target_semaphore(%run_scoped3A : memref<!tpu.dma_semaphore, #tpu.memory_space<semaphore_mem>>)
      %dma_wait3A_244 = arith.constant 0 : i32
      %dma_wait3A_245 = tpu.memref_slice %arg13[%add3A_69, %dma_wait3A_244] : memref<10000x64xf32, #tpu.memory_space<vmem_shared>> -> memref<48x64xf32, #tpu.memory_space<vmem_shared>>
      %dma_wait3A_246 = arith.constant 0 : i32
      %dma_wait3A_247 = tpu.memref_slice %arg13[%add3A_69, %dma_wait3A_246] : memref<10000x64xf32, #tpu.memory_space<vmem_shared>> -> memref<48x64xf32, #tpu.memory_space<vmem_shared>>
      tpu.wait_dma2 semaphore(%run_scoped3A : memref<!tpu.dma_semaphore, #tpu.memory_space<semaphore_mem>>) src(%arg10 : memref<48x64xf32, #tpu.memory_space<vmem>>) dst(%dma_wait3A_247 : memref<48x64xf32, #tpu.memory_space<vmem_shared>>)
      tpu.yield
    }) : () -> ()
    %mul3A_70 = arith.constant 624 : i32
    %mul3A_71 = arith.muli %arg1, %mul3A_70 : i32
    %add3A_72 = arith.constant 336 : i32
    %add3A_73 = arith.addi %mul3A_71, %add3A_72 : i32
    "tpu.region"() ({
      %run_scoped3A = tpu.sem_alloc : memref<!tpu.dma_semaphore, #tpu.memory_space<semaphore_mem>>
      %dma_start3A = arith.constant 0 : i32
      %dma_start3A_241 = tpu.memref_slice %arg14[%add3A_73, %dma_start3A] : memref<10000x16xf32, #tpu.memory_space<vmem_shared>> -> memref<48x16xf32, #tpu.memory_space<vmem_shared>>
      %dma_start3A_242 = arith.constant 0 : i32
      %dma_start3A_243 = tpu.memref_slice %arg14[%add3A_73, %dma_start3A_242] : memref<10000x16xf32, #tpu.memory_space<vmem_shared>> -> memref<48x16xf32, #tpu.memory_space<vmem_shared>>
      tpu.enqueue_dma source(%arg11 : memref<48x16xf32, #tpu.memory_space<vmem>>) target(%dma_start3A_243 : memref<48x16xf32, #tpu.memory_space<vmem_shared>>) target_semaphore(%run_scoped3A : memref<!tpu.dma_semaphore, #tpu.memory_space<semaphore_mem>>)
      %dma_wait3A_244 = arith.constant 0 : i32
      %dma_wait3A_245 = tpu.memref_slice %arg14[%add3A_73, %dma_wait3A_244] : memref<10000x16xf32, #tpu.memory_space<vmem_shared>> -> memref<48x16xf32, #tpu.memory_space<vmem_shared>>
      %dma_wait3A_246 = arith.constant 0 : i32
      %dma_wait3A_247 = tpu.memref_slice %arg14[%add3A_73, %dma_wait3A_246] : memref<10000x16xf32, #tpu.memory_space<vmem_shared>> -> memref<48x16xf32, #tpu.memory_space<vmem_shared>>
      tpu.wait_dma2 semaphore(%run_scoped3A : memref<!tpu.dma_semaphore, #tpu.memory_space<semaphore_mem>>) src(%arg11 : memref<48x16xf32, #tpu.memory_space<vmem>>) dst(%dma_wait3A_247 : memref<48x16xf32, #tpu.memory_space<vmem_shared>>)
      tpu.yield
    }) : () -> ()
    %mul3A_74 = arith.constant 624 : i32
    %mul3A_75 = arith.muli %arg1, %mul3A_74 : i32
    %add3A_76 = arith.constant 384 : i32
    %add3A_77 = arith.addi %mul3A_75, %add3A_76 : i32
    "tpu.region"() ({
      %run_scoped3A = tpu.sem_alloc : memref<!tpu.dma_semaphore, #tpu.memory_space<semaphore_mem>>
      %dma_start3A = arith.constant 0 : i32
      %dma_start3A_241 = tpu.memref_slice %arg13[%add3A_77, %dma_start3A] : memref<10000x64xf32, #tpu.memory_space<vmem_shared>> -> memref<48x64xf32, #tpu.memory_space<vmem_shared>>
      %dma_start3A_242 = arith.constant 0 : i32
      %dma_start3A_243 = tpu.memref_slice %arg13[%add3A_77, %dma_start3A_242] : memref<10000x64xf32, #tpu.memory_space<vmem_shared>> -> memref<48x64xf32, #tpu.memory_space<vmem_shared>>
      tpu.enqueue_dma source(%arg10 : memref<48x64xf32, #tpu.memory_space<vmem>>) target(%dma_start3A_243 : memref<48x64xf32, #tpu.memory_space<vmem_shared>>) target_semaphore(%run_scoped3A : memref<!tpu.dma_semaphore, #tpu.memory_space<semaphore_mem>>)
      %dma_wait3A_244 = arith.constant 0 : i32
      %dma_wait3A_245 = tpu.memref_slice %arg13[%add3A_77, %dma_wait3A_244] : memref<10000x64xf32, #tpu.memory_space<vmem_shared>> -> memref<48x64xf32, #tpu.memory_space<vmem_shared>>
      %dma_wait3A_246 = arith.constant 0 : i32
      %dma_wait3A_247 = tpu.memref_slice %arg13[%add3A_77, %dma_wait3A_246] : memref<10000x64xf32, #tpu.memory_space<vmem_shared>> -> memref<48x64xf32, #tpu.memory_space<vmem_shared>>
      tpu.wait_dma2 semaphore(%run_scoped3A : memref<!tpu.dma_semaphore, #tpu.memory_space<semaphore_mem>>) src(%arg10 : memref<48x64xf32, #tpu.memory_space<vmem>>) dst(%dma_wait3A_247 : memref<48x64xf32, #tpu.memory_space<vmem_shared>>)
      tpu.yield
    }) : () -> ()
    %mul3A_78 = arith.constant 624 : i32
    %mul3A_79 = arith.muli %arg1, %mul3A_78 : i32
    %add3A_80 = arith.constant 384 : i32
    %add3A_81 = arith.addi %mul3A_79, %add3A_80 : i32
    "tpu.region"() ({
      %run_scoped3A = tpu.sem_alloc : memref<!tpu.dma_semaphore, #tpu.memory_space<semaphore_mem>>
      %dma_start3A = arith.constant 0 : i32
      %dma_start3A_241 = tpu.memref_slice %arg14[%add3A_81, %dma_start3A] : memref<10000x16xf32, #tpu.memory_space<vmem_shared>> -> memref<48x16xf32, #tpu.memory_space<vmem_shared>>
      %dma_start3A_242 = arith.constant 0 : i32
      %dma_start3A_243 = tpu.memref_slice %arg14[%add3A_81, %dma_start3A_242] : memref<10000x16xf32, #tpu.memory_space<vmem_shared>> -> memref<48x16xf32, #tpu.memory_space<vmem_shared>>
      tpu.enqueue_dma source(%arg11 : memref<48x16xf32, #tpu.memory_space<vmem>>) target(%dma_start3A_243 : memref<48x16xf32, #tpu.memory_space<vmem_shared>>) target_semaphore(%run_scoped3A : memref<!tpu.dma_semaphore, #tpu.memory_space<semaphore_mem>>)
      %dma_wait3A_244 = arith.constant 0 : i32
      %dma_wait3A_245 = tpu.memref_slice %arg14[%add3A_81, %dma_wait3A_244] : memref<10000x16xf32, #tpu.memory_space<vmem_shared>> -> memref<48x16xf32, #tpu.memory_space<vmem_shared>>
      %dma_wait3A_246 = arith.constant 0 : i32
      %dma_wait3A_247 = tpu.memref_slice %arg14[%add3A_81, %dma_wait3A_246] : memref<10000x16xf32, #tpu.memory_space<vmem_shared>> -> memref<48x16xf32, #tpu.memory_space<vmem_shared>>
      tpu.wait_dma2 semaphore(%run_scoped3A : memref<!tpu.dma_semaphore, #tpu.memory_space<semaphore_mem>>) src(%arg11 : memref<48x16xf32, #tpu.memory_space<vmem>>) dst(%dma_wait3A_247 : memref<48x16xf32, #tpu.memory_space<vmem_shared>>)
      tpu.yield
    }) : () -> ()
    %mul3A_82 = arith.constant 624 : i32
    %mul3A_83 = arith.muli %arg1, %mul3A_82 : i32
    %add3A_84 = arith.constant 432 : i32
    %add3A_85 = arith.addi %mul3A_83, %add3A_84 : i32
    "tpu.region"() ({
      %run_scoped3A = tpu.sem_alloc : memref<!tpu.dma_semaphore, #tpu.memory_space<semaphore_mem>>
      %dma_start3A = arith.constant 0 : i32
      %dma_start3A_241 = tpu.memref_slice %arg13[%add3A_85, %dma_start3A] : memref<10000x64xf32, #tpu.memory_space<vmem_shared>> -> memref<48x64xf32, #tpu.memory_space<vmem_shared>>
      %dma_start3A_242 = arith.constant 0 : i32
      %dma_start3A_243 = tpu.memref_slice %arg13[%add3A_85, %dma_start3A_242] : memref<10000x64xf32, #tpu.memory_space<vmem_shared>> -> memref<48x64xf32, #tpu.memory_space<vmem_shared>>
      tpu.enqueue_dma source(%arg10 : memref<48x64xf32, #tpu.memory_space<vmem>>) target(%dma_start3A_243 : memref<48x64xf32, #tpu.memory_space<vmem_shared>>) target_semaphore(%run_scoped3A : memref<!tpu.dma_semaphore, #tpu.memory_space<semaphore_mem>>)
      %dma_wait3A_244 = arith.constant 0 : i32
      %dma_wait3A_245 = tpu.memref_slice %arg13[%add3A_85, %dma_wait3A_244] : memref<10000x64xf32, #tpu.memory_space<vmem_shared>> -> memref<48x64xf32, #tpu.memory_space<vmem_shared>>
      %dma_wait3A_246 = arith.constant 0 : i32
      %dma_wait3A_247 = tpu.memref_slice %arg13[%add3A_85, %dma_wait3A_246] : memref<10000x64xf32, #tpu.memory_space<vmem_shared>> -> memref<48x64xf32, #tpu.memory_space<vmem_shared>>
      tpu.wait_dma2 semaphore(%run_scoped3A : memref<!tpu.dma_semaphore, #tpu.memory_space<semaphore_mem>>) src(%arg10 : memref<48x64xf32, #tpu.memory_space<vmem>>) dst(%dma_wait3A_247 : memref<48x64xf32, #tpu.memory_space<vmem_shared>>)
      tpu.yield
    }) : () -> ()
    %mul3A_86 = arith.constant 624 : i32
    %mul3A_87 = arith.muli %arg1, %mul3A_86 : i32
    %add3A_88 = arith.constant 432 : i32
    %add3A_89 = arith.addi %mul3A_87, %add3A_88 : i32
    "tpu.region"() ({
      %run_scoped3A = tpu.sem_alloc : memref<!tpu.dma_semaphore, #tpu.memory_space<semaphore_mem>>
      %dma_start3A = arith.constant 0 : i32
      %dma_start3A_241 = tpu.memref_slice %arg14[%add3A_89, %dma_start3A] : memref<10000x16xf32, #tpu.memory_space<vmem_shared>> -> memref<48x16xf32, #tpu.memory_space<vmem_shared>>
      %dma_start3A_242 = arith.constant 0 : i32
      %dma_start3A_243 = tpu.memref_slice %arg14[%add3A_89, %dma_start3A_242] : memref<10000x16xf32, #tpu.memory_space<vmem_shared>> -> memref<48x16xf32, #tpu.memory_space<vmem_shared>>
      tpu.enqueue_dma source(%arg11 : memref<48x16xf32, #tpu.memory_space<vmem>>) target(%dma_start3A_243 : memref<48x16xf32, #tpu.memory_space<vmem_shared>>) target_semaphore(%run_scoped3A : memref<!tpu.dma_semaphore, #tpu.memory_space<semaphore_mem>>)
      %dma_wait3A_244 = arith.constant 0 : i32
      %dma_wait3A_245 = tpu.memref_slice %arg14[%add3A_89, %dma_wait3A_244] : memref<10000x16xf32, #tpu.memory_space<vmem_shared>> -> memref<48x16xf32, #tpu.memory_space<vmem_shared>>
      %dma_wait3A_246 = arith.constant 0 : i32
      %dma_wait3A_247 = tpu.memref_slice %arg14[%add3A_89, %dma_wait3A_246] : memref<10000x16xf32, #tpu.memory_space<vmem_shared>> -> memref<48x16xf32, #tpu.memory_space<vmem_shared>>
      tpu.wait_dma2 semaphore(%run_scoped3A : memref<!tpu.dma_semaphore, #tpu.memory_space<semaphore_mem>>) src(%arg11 : memref<48x16xf32, #tpu.memory_space<vmem>>) dst(%dma_wait3A_247 : memref<48x16xf32, #tpu.memory_space<vmem_shared>>)
      tpu.yield
    }) : () -> ()
    %mul3A_90 = arith.constant 624 : i32
    %mul3A_91 = arith.muli %arg1, %mul3A_90 : i32
    %add3A_92 = arith.constant 480 : i32
    %add3A_93 = arith.addi %mul3A_91, %add3A_92 : i32
    "tpu.region"() ({
      %run_scoped3A = tpu.sem_alloc : memref<!tpu.dma_semaphore, #tpu.memory_space<semaphore_mem>>
      %dma_start3A = arith.constant 0 : i32
      %dma_start3A_241 = tpu.memref_slice %arg13[%add3A_93, %dma_start3A] : memref<10000x64xf32, #tpu.memory_space<vmem_shared>> -> memref<48x64xf32, #tpu.memory_space<vmem_shared>>
      %dma_start3A_242 = arith.constant 0 : i32
      %dma_start3A_243 = tpu.memref_slice %arg13[%add3A_93, %dma_start3A_242] : memref<10000x64xf32, #tpu.memory_space<vmem_shared>> -> memref<48x64xf32, #tpu.memory_space<vmem_shared>>
      tpu.enqueue_dma source(%arg10 : memref<48x64xf32, #tpu.memory_space<vmem>>) target(%dma_start3A_243 : memref<48x64xf32, #tpu.memory_space<vmem_shared>>) target_semaphore(%run_scoped3A : memref<!tpu.dma_semaphore, #tpu.memory_space<semaphore_mem>>)
      %dma_wait3A_244 = arith.constant 0 : i32
      %dma_wait3A_245 = tpu.memref_slice %arg13[%add3A_93, %dma_wait3A_244] : memref<10000x64xf32, #tpu.memory_space<vmem_shared>> -> memref<48x64xf32, #tpu.memory_space<vmem_shared>>
      %dma_wait3A_246 = arith.constant 0 : i32
      %dma_wait3A_247 = tpu.memref_slice %arg13[%add3A_93, %dma_wait3A_246] : memref<10000x64xf32, #tpu.memory_space<vmem_shared>> -> memref<48x64xf32, #tpu.memory_space<vmem_shared>>
      tpu.wait_dma2 semaphore(%run_scoped3A : memref<!tpu.dma_semaphore, #tpu.memory_space<semaphore_mem>>) src(%arg10 : memref<48x64xf32, #tpu.memory_space<vmem>>) dst(%dma_wait3A_247 : memref<48x64xf32, #tpu.memory_space<vmem_shared>>)
      tpu.yield
    }) : () -> ()
    %mul3A_94 = arith.constant 624 : i32
    %mul3A_95 = arith.muli %arg1, %mul3A_94 : i32
    %add3A_96 = arith.constant 480 : i32
    %add3A_97 = arith.addi %mul3A_95, %add3A_96 : i32
    "tpu.region"() ({
      %run_scoped3A = tpu.sem_alloc : memref<!tpu.dma_semaphore, #tpu.memory_space<semaphore_mem>>
      %dma_start3A = arith.constant 0 : i32
      %dma_start3A_241 = tpu.memref_slice %arg14[%add3A_97, %dma_start3A] : memref<10000x16xf32, #tpu.memory_space<vmem_shared>> -> memref<48x16xf32, #tpu.memory_space<vmem_shared>>
      %dma_start3A_242 = arith.constant 0 : i32
      %dma_start3A_243 = tpu.memref_slice %arg14[%add3A_97, %dma_start3A_242] : memref<10000x16xf32, #tpu.memory_space<vmem_shared>> -> memref<48x16xf32, #tpu.memory_space<vmem_shared>>
      tpu.enqueue_dma source(%arg11 : memref<48x16xf32, #tpu.memory_space<vmem>>) target(%dma_start3A_243 : memref<48x16xf32, #tpu.memory_space<vmem_shared>>) target_semaphore(%run_scoped3A : memref<!tpu.dma_semaphore, #tpu.memory_space<semaphore_mem>>)
      %dma_wait3A_244 = arith.constant 0 : i32
      %dma_wait3A_245 = tpu.memref_slice %arg14[%add3A_97, %dma_wait3A_244] : memref<10000x16xf32, #tpu.memory_space<vmem_shared>> -> memref<48x16xf32, #tpu.memory_space<vmem_shared>>
      %dma_wait3A_246 = arith.constant 0 : i32
      %dma_wait3A_247 = tpu.memref_slice %arg14[%add3A_97, %dma_wait3A_246] : memref<10000x16xf32, #tpu.memory_space<vmem_shared>> -> memref<48x16xf32, #tpu.memory_space<vmem_shared>>
      tpu.wait_dma2 semaphore(%run_scoped3A : memref<!tpu.dma_semaphore, #tpu.memory_space<semaphore_mem>>) src(%arg11 : memref<48x16xf32, #tpu.memory_space<vmem>>) dst(%dma_wait3A_247 : memref<48x16xf32, #tpu.memory_space<vmem_shared>>)
      tpu.yield
    }) : () -> ()
    %mul3A_98 = arith.constant 624 : i32
    %mul3A_99 = arith.muli %arg1, %mul3A_98 : i32
    %add3A_100 = arith.constant 528 : i32
    %add3A_101 = arith.addi %mul3A_99, %add3A_100 : i32
    "tpu.region"() ({
      %run_scoped3A = tpu.sem_alloc : memref<!tpu.dma_semaphore, #tpu.memory_space<semaphore_mem>>
      %dma_start3A = arith.constant 0 : i32
      %dma_start3A_241 = tpu.memref_slice %arg13[%add3A_101, %dma_start3A] : memref<10000x64xf32, #tpu.memory_space<vmem_shared>> -> memref<48x64xf32, #tpu.memory_space<vmem_shared>>
      %dma_start3A_242 = arith.constant 0 : i32
      %dma_start3A_243 = tpu.memref_slice %arg13[%add3A_101, %dma_start3A_242] : memref<10000x64xf32, #tpu.memory_space<vmem_shared>> -> memref<48x64xf32, #tpu.memory_space<vmem_shared>>
      tpu.enqueue_dma source(%arg10 : memref<48x64xf32, #tpu.memory_space<vmem>>) target(%dma_start3A_243 : memref<48x64xf32, #tpu.memory_space<vmem_shared>>) target_semaphore(%run_scoped3A : memref<!tpu.dma_semaphore, #tpu.memory_space<semaphore_mem>>)
      %dma_wait3A_244 = arith.constant 0 : i32
      %dma_wait3A_245 = tpu.memref_slice %arg13[%add3A_101, %dma_wait3A_244] : memref<10000x64xf32, #tpu.memory_space<vmem_shared>> -> memref<48x64xf32, #tpu.memory_space<vmem_shared>>
      %dma_wait3A_246 = arith.constant 0 : i32
      %dma_wait3A_247 = tpu.memref_slice %arg13[%add3A_101, %dma_wait3A_246] : memref<10000x64xf32, #tpu.memory_space<vmem_shared>> -> memref<48x64xf32, #tpu.memory_space<vmem_shared>>
      tpu.wait_dma2 semaphore(%run_scoped3A : memref<!tpu.dma_semaphore, #tpu.memory_space<semaphore_mem>>) src(%arg10 : memref<48x64xf32, #tpu.memory_space<vmem>>) dst(%dma_wait3A_247 : memref<48x64xf32, #tpu.memory_space<vmem_shared>>)
      tpu.yield
    }) : () -> ()
    %mul3A_102 = arith.constant 624 : i32
    %mul3A_103 = arith.muli %arg1, %mul3A_102 : i32
    %add3A_104 = arith.constant 528 : i32
    %add3A_105 = arith.addi %mul3A_103, %add3A_104 : i32
    "tpu.region"() ({
      %run_scoped3A = tpu.sem_alloc : memref<!tpu.dma_semaphore, #tpu.memory_space<semaphore_mem>>
      %dma_start3A = arith.constant 0 : i32
      %dma_start3A_241 = tpu.memref_slice %arg14[%add3A_105, %dma_start3A] : memref<10000x16xf32, #tpu.memory_space<vmem_shared>> -> memref<48x16xf32, #tpu.memory_space<vmem_shared>>
      %dma_start3A_242 = arith.constant 0 : i32
      %dma_start3A_243 = tpu.memref_slice %arg14[%add3A_105, %dma_start3A_242] : memref<10000x16xf32, #tpu.memory_space<vmem_shared>> -> memref<48x16xf32, #tpu.memory_space<vmem_shared>>
      tpu.enqueue_dma source(%arg11 : memref<48x16xf32, #tpu.memory_space<vmem>>) target(%dma_start3A_243 : memref<48x16xf32, #tpu.memory_space<vmem_shared>>) target_semaphore(%run_scoped3A : memref<!tpu.dma_semaphore, #tpu.memory_space<semaphore_mem>>)
      %dma_wait3A_244 = arith.constant 0 : i32
      %dma_wait3A_245 = tpu.memref_slice %arg14[%add3A_105, %dma_wait3A_244] : memref<10000x16xf32, #tpu.memory_space<vmem_shared>> -> memref<48x16xf32, #tpu.memory_space<vmem_shared>>
      %dma_wait3A_246 = arith.constant 0 : i32
      %dma_wait3A_247 = tpu.memref_slice %arg14[%add3A_105, %dma_wait3A_246] : memref<10000x16xf32, #tpu.memory_space<vmem_shared>> -> memref<48x16xf32, #tpu.memory_space<vmem_shared>>
      tpu.wait_dma2 semaphore(%run_scoped3A : memref<!tpu.dma_semaphore, #tpu.memory_space<semaphore_mem>>) src(%arg11 : memref<48x16xf32, #tpu.memory_space<vmem>>) dst(%dma_wait3A_247 : memref<48x16xf32, #tpu.memory_space<vmem_shared>>)
      tpu.yield
    }) : () -> ()
    %mul3A_106 = arith.constant 624 : i32
    %mul3A_107 = arith.muli %arg1, %mul3A_106 : i32
    %add3A_108 = arith.constant 576 : i32
    %add3A_109 = arith.addi %mul3A_107, %add3A_108 : i32
    "tpu.region"() ({
      %run_scoped3A = tpu.sem_alloc : memref<!tpu.dma_semaphore, #tpu.memory_space<semaphore_mem>>
      %dma_start3A = arith.constant 0 : i32
      %dma_start3A_241 = tpu.memref_slice %arg13[%add3A_109, %dma_start3A] : memref<10000x64xf32, #tpu.memory_space<vmem_shared>> -> memref<48x64xf32, #tpu.memory_space<vmem_shared>>
      %dma_start3A_242 = arith.constant 0 : i32
      %dma_start3A_243 = tpu.memref_slice %arg13[%add3A_109, %dma_start3A_242] : memref<10000x64xf32, #tpu.memory_space<vmem_shared>> -> memref<48x64xf32, #tpu.memory_space<vmem_shared>>
      tpu.enqueue_dma source(%arg10 : memref<48x64xf32, #tpu.memory_space<vmem>>) target(%dma_start3A_243 : memref<48x64xf32, #tpu.memory_space<vmem_shared>>) target_semaphore(%run_scoped3A : memref<!tpu.dma_semaphore, #tpu.memory_space<semaphore_mem>>)
      %dma_wait3A_244 = arith.constant 0 : i32
      %dma_wait3A_245 = tpu.memref_slice %arg13[%add3A_109, %dma_wait3A_244] : memref<10000x64xf32, #tpu.memory_space<vmem_shared>> -> memref<48x64xf32, #tpu.memory_space<vmem_shared>>
      %dma_wait3A_246 = arith.constant 0 : i32
      %dma_wait3A_247 = tpu.memref_slice %arg13[%add3A_109, %dma_wait3A_246] : memref<10000x64xf32, #tpu.memory_space<vmem_shared>> -> memref<48x64xf32, #tpu.memory_space<vmem_shared>>
      tpu.wait_dma2 semaphore(%run_scoped3A : memref<!tpu.dma_semaphore, #tpu.memory_space<semaphore_mem>>) src(%arg10 : memref<48x64xf32, #tpu.memory_space<vmem>>) dst(%dma_wait3A_247 : memref<48x64xf32, #tpu.memory_space<vmem_shared>>)
      tpu.yield
    }) : () -> ()
    %mul3A_110 = arith.constant 624 : i32
    %mul3A_111 = arith.muli %arg1, %mul3A_110 : i32
    %add3A_112 = arith.constant 576 : i32
    %add3A_113 = arith.addi %mul3A_111, %add3A_112 : i32
    "tpu.region"() ({
      %run_scoped3A = tpu.sem_alloc : memref<!tpu.dma_semaphore, #tpu.memory_space<semaphore_mem>>
      %dma_start3A = arith.constant 0 : i32
      %dma_start3A_241 = tpu.memref_slice %arg14[%add3A_113, %dma_start3A] : memref<10000x16xf32, #tpu.memory_space<vmem_shared>> -> memref<48x16xf32, #tpu.memory_space<vmem_shared>>
      %dma_start3A_242 = arith.constant 0 : i32
      %dma_start3A_243 = tpu.memref_slice %arg14[%add3A_113, %dma_start3A_242] : memref<10000x16xf32, #tpu.memory_space<vmem_shared>> -> memref<48x16xf32, #tpu.memory_space<vmem_shared>>
      tpu.enqueue_dma source(%arg11 : memref<48x16xf32, #tpu.memory_space<vmem>>) target(%dma_start3A_243 : memref<48x16xf32, #tpu.memory_space<vmem_shared>>) target_semaphore(%run_scoped3A : memref<!tpu.dma_semaphore, #tpu.memory_space<semaphore_mem>>)
      %dma_wait3A_244 = arith.constant 0 : i32
      %dma_wait3A_245 = tpu.memref_slice %arg14[%add3A_113, %dma_wait3A_244] : memref<10000x16xf32, #tpu.memory_space<vmem_shared>> -> memref<48x16xf32, #tpu.memory_space<vmem_shared>>
      %dma_wait3A_246 = arith.constant 0 : i32
      %dma_wait3A_247 = tpu.memref_slice %arg14[%add3A_113, %dma_wait3A_246] : memref<10000x16xf32, #tpu.memory_space<vmem_shared>> -> memref<48x16xf32, #tpu.memory_space<vmem_shared>>
      tpu.wait_dma2 semaphore(%run_scoped3A : memref<!tpu.dma_semaphore, #tpu.memory_space<semaphore_mem>>) src(%arg11 : memref<48x16xf32, #tpu.memory_space<vmem>>) dst(%dma_wait3A_247 : memref<48x16xf32, #tpu.memory_space<vmem_shared>>)
      tpu.yield
    }) : () -> ()
    %eq3A = arith.constant 15 : i32
    %eq3A_114 = arith.cmpi eq, %arg1, %eq3A : i32
    %convert_element_type3A = arith.extui %eq3A_114 : i1 to i32
    %cond3A = arith.constant 0 : i32
    %cond3A_115 = arith.cmpi ne, %convert_element_type3A, %cond3A : i32
    scf.if %cond3A_115 {
      "tpu.region"() ({
        %run_scoped3A = tpu.sem_alloc : memref<!tpu.dma_semaphore, #tpu.memory_space<semaphore_mem>>
        %dma_start3A = arith.constant 0 : i32
        %dma_start3A_241 = arith.constant 0 : i32
        %dma_start3A_242 = tpu.memref_slice %arg10[%dma_start3A, %dma_start3A_241] : memref<48x64xf32, #tpu.memory_space<vmem>> -> memref<16x64xf32, #tpu.memory_space<vmem>>
        %dma_start3A_243 = arith.constant 9984 : i32
        %dma_start3A_244 = arith.constant 0 : i32
        %dma_start3A_245 = tpu.memref_slice %arg13[%dma_start3A_243, %dma_start3A_244] : memref<10000x64xf32, #tpu.memory_space<vmem_shared>> -> memref<16x64xf32, #tpu.memory_space<vmem_shared>>
        %dma_start3A_246 = arith.constant 9984 : i32
        %dma_start3A_247 = arith.constant 0 : i32
        %dma_start3A_248 = tpu.memref_slice %arg13[%dma_start3A_246, %dma_start3A_247] : memref<10000x64xf32, #tpu.memory_space<vmem_shared>> -> memref<16x64xf32, #tpu.memory_space<vmem_shared>>
        %dma_start3A_249 = arith.constant 0 : i32
        %dma_start3A_250 = arith.constant 0 : i32
        %dma_start3A_251 = tpu.memref_slice %arg10[%dma_start3A_249, %dma_start3A_250] : memref<48x64xf32, #tpu.memory_space<vmem>> -> memref<16x64xf32, #tpu.memory_space<vmem>>
        tpu.enqueue_dma source(%dma_start3A_251 : memref<16x64xf32, #tpu.memory_space<vmem>>) target(%dma_start3A_248 : memref<16x64xf32, #tpu.memory_space<vmem_shared>>) target_semaphore(%run_scoped3A : memref<!tpu.dma_semaphore, #tpu.memory_space<semaphore_mem>>)
        %dma_wait3A_252 = arith.constant 0 : i32
        %dma_wait3A_253 = arith.constant 0 : i32
        %dma_wait3A_254 = tpu.memref_slice %arg10[%dma_wait3A_252, %dma_wait3A_253] : memref<48x64xf32, #tpu.memory_space<vmem>> -> memref<16x64xf32, #tpu.memory_space<vmem>>
        %dma_wait3A_255 = arith.constant 9984 : i32
        %dma_wait3A_256 = arith.constant 0 : i32
        %dma_wait3A_257 = tpu.memref_slice %arg13[%dma_wait3A_255, %dma_wait3A_256] : memref<10000x64xf32, #tpu.memory_space<vmem_shared>> -> memref<16x64xf32, #tpu.memory_space<vmem_shared>>
        %dma_wait3A_258 = arith.constant 9984 : i32
        %dma_wait3A_259 = arith.constant 0 : i32
        %dma_wait3A_260 = tpu.memref_slice %arg13[%dma_wait3A_258, %dma_wait3A_259] : memref<10000x64xf32, #tpu.memory_space<vmem_shared>> -> memref<16x64xf32, #tpu.memory_space<vmem_shared>>
        %dma_wait3A_261 = arith.constant 0 : i32
        %dma_wait3A_262 = arith.constant 0 : i32
        %dma_wait3A_263 = tpu.memref_slice %arg10[%dma_wait3A_261, %dma_wait3A_262] : memref<48x64xf32, #tpu.memory_space<vmem>> -> memref<16x64xf32, #tpu.memory_space<vmem>>
        tpu.wait_dma2 semaphore(%run_scoped3A : memref<!tpu.dma_semaphore, #tpu.memory_space<semaphore_mem>>) src(%dma_wait3A_263 : memref<16x64xf32, #tpu.memory_space<vmem>>) dst(%dma_wait3A_260 : memref<16x64xf32, #tpu.memory_space<vmem_shared>>)
        tpu.yield
      }) : () -> ()
      "tpu.region"() ({
        %run_scoped3A = tpu.sem_alloc : memref<!tpu.dma_semaphore, #tpu.memory_space<semaphore_mem>>
        %dma_start3A = arith.constant 0 : i32
        %dma_start3A_241 = arith.constant 0 : i32
        %dma_start3A_242 = tpu.memref_slice %arg11[%dma_start3A, %dma_start3A_241] : memref<48x16xf32, #tpu.memory_space<vmem>> -> memref<16x16xf32, #tpu.memory_space<vmem>>
        %dma_start3A_243 = arith.constant 9984 : i32
        %dma_start3A_244 = arith.constant 0 : i32
        %dma_start3A_245 = tpu.memref_slice %arg14[%dma_start3A_243, %dma_start3A_244] : memref<10000x16xf32, #tpu.memory_space<vmem_shared>> -> memref<16x16xf32, #tpu.memory_space<vmem_shared>>
        %dma_start3A_246 = arith.constant 9984 : i32
        %dma_start3A_247 = arith.constant 0 : i32
        %dma_start3A_248 = tpu.memref_slice %arg14[%dma_start3A_246, %dma_start3A_247] : memref<10000x16xf32, #tpu.memory_space<vmem_shared>> -> memref<16x16xf32, #tpu.memory_space<vmem_shared>>
        %dma_start3A_249 = arith.constant 0 : i32
        %dma_start3A_250 = arith.constant 0 : i32
        %dma_start3A_251 = tpu.memref_slice %arg11[%dma_start3A_249, %dma_start3A_250] : memref<48x16xf32, #tpu.memory_space<vmem>> -> memref<16x16xf32, #tpu.memory_space<vmem>>
        tpu.enqueue_dma source(%dma_start3A_251 : memref<16x16xf32, #tpu.memory_space<vmem>>) target(%dma_start3A_248 : memref<16x16xf32, #tpu.memory_space<vmem_shared>>) target_semaphore(%run_scoped3A : memref<!tpu.dma_semaphore, #tpu.memory_space<semaphore_mem>>)
        %dma_wait3A_252 = arith.constant 0 : i32
        %dma_wait3A_253 = arith.constant 0 : i32
        %dma_wait3A_254 = tpu.memref_slice %arg11[%dma_wait3A_252, %dma_wait3A_253] : memref<48x16xf32, #tpu.memory_space<vmem>> -> memref<16x16xf32, #tpu.memory_space<vmem>>
        %dma_wait3A_255 = arith.constant 9984 : i32
        %dma_wait3A_256 = arith.constant 0 : i32
        %dma_wait3A_257 = tpu.memref_slice %arg14[%dma_wait3A_255, %dma_wait3A_256] : memref<10000x16xf32, #tpu.memory_space<vmem_shared>> -> memref<16x16xf32, #tpu.memory_space<vmem_shared>>
        %dma_wait3A_258 = arith.constant 9984 : i32
        %dma_wait3A_259 = arith.constant 0 : i32
        %dma_wait3A_260 = tpu.memref_slice %arg14[%dma_wait3A_258, %dma_wait3A_259] : memref<10000x16xf32, #tpu.memory_space<vmem_shared>> -> memref<16x16xf32, #tpu.memory_space<vmem_shared>>
        %dma_wait3A_261 = arith.constant 0 : i32
        %dma_wait3A_262 = arith.constant 0 : i32
        %dma_wait3A_263 = tpu.memref_slice %arg11[%dma_wait3A_261, %dma_wait3A_262] : memref<48x16xf32, #tpu.memory_space<vmem>> -> memref<16x16xf32, #tpu.memory_space<vmem>>
        tpu.wait_dma2 semaphore(%run_scoped3A : memref<!tpu.dma_semaphore, #tpu.memory_space<semaphore_mem>>) src(%dma_wait3A_263 : memref<16x16xf32, #tpu.memory_space<vmem>>) dst(%dma_wait3A_260 : memref<16x16xf32, #tpu.memory_space<vmem_shared>>)
        tpu.yield
      }) : () -> ()
    } else {
    }
    %barrier3A = arith.constant 0 : index
    tpu.barrier barrier_id(%barrier3A)
    %eq3A_116 = arith.constant 0 : i32
    %eq3A_117 = arith.cmpi eq, %arg0, %eq3A_116 : i32
    %convert_element_type3A_118 = arith.extui %eq3A_117 : i1 to i32
    %cond3A_119 = arith.constant 0 : i32
    %cond3A_120 = arith.cmpi ne, %convert_element_type3A_118, %cond3A_119 : i32
    scf.if %cond3A_120 {
      %dma_start3A = arith.constant 0 : i32
      %dma_start3A_241 = arith.constant 0 : i32
      %dma_start3A_242 = arith.constant 0 : i32
      %dma_start3A_243 = arith.constant 0 : i32
      %dma_start3A_244 = arith.constant 0 : i32
      %dma_start3A_245 = tpu.memref_slice %arg9[%dma_start3A_241, %dma_start3A_243, %dma_start3A_244] : memref<5x80x64xf32, #tpu.memory_space<vmem>> -> memref<1x80x64xf32, #tpu.memory_space<vmem>>
      %dma_start3A_246 = tpu.memref_squeeze %dma_start3A_245 : memref<1x80x64xf32, #tpu.memory_space<vmem>> -> memref<80x64xf32, #tpu.memory_space<vmem>>
      %dma_start3A_247 = arith.constant 0 : i32
      %dma_start3A_248 = tpu.memref_slice %arg7[%dma_start3A, %dma_start3A_247] : memref<250x80xi32, #tpu.memory_space<vmem>> -> memref<1x80xi32, #tpu.memory_space<vmem>>
      %dma_start3A_249 = tpu.memref_squeeze %dma_start3A_248 : memref<1x80xi32, #tpu.memory_space<vmem>> -> memref<80xi32, #tpu.memory_space<vmem>>
      %dma_start3A_250 = arith.constant 0 : i32
      %dma_start3A_251 = arith.constant 0 : i32
      %dma_start3A_252 = tpu.memref_slice %arg4[%dma_start3A_250, %dma_start3A_251] : memref<1000x64xf32, #tpu.memory_space<hbm>> -> memref<1000x64xf32, #tpu.memory_space<hbm>>
      %dma_start3A_253 = tpu.memref_slice %arg15[%dma_start3A_242] : memref<5x!tpu.dma_semaphore, #tpu.memory_space<semaphore_mem>> -> memref<1x!tpu.dma_semaphore, #tpu.memory_space<semaphore_mem>>
      %dma_start3A_254 = tpu.memref_squeeze %dma_start3A_253 : memref<1x!tpu.dma_semaphore, #tpu.memory_space<semaphore_mem>> -> memref<!tpu.dma_semaphore, #tpu.memory_space<semaphore_mem>>
      tpu.enqueue_indirect_dma source(%dma_start3A_252 : memref<1000x64xf32, #tpu.memory_space<hbm>>) target(%dma_start3A_246 : memref<80x64xf32, #tpu.memory_space<vmem>>) offsets(%dma_start3A_249 : memref<80xi32, #tpu.memory_space<vmem>>) semaphore(%dma_start3A_254 : memref<!tpu.dma_semaphore, #tpu.memory_space<semaphore_mem>>)
    } else {
    }
    %eq3A_121 = arith.constant 1 : i32
    %eq3A_122 = arith.cmpi eq, %arg0, %eq3A_121 : i32
    %convert_element_type3A_123 = arith.extui %eq3A_122 : i1 to i32
    %cond3A_124 = arith.constant 0 : i32
    %cond3A_125 = arith.cmpi ne, %convert_element_type3A_123, %cond3A_124 : i32
    scf.if %cond3A_125 {
      %dma_start3A = arith.constant 0 : i32
      %dma_start3A_241 = arith.constant 0 : i32
      %dma_start3A_242 = arith.constant 0 : i32
      %dma_start3A_243 = arith.constant 0 : i32
      %dma_start3A_244 = arith.constant 0 : i32
      %dma_start3A_245 = tpu.memref_slice %arg9[%dma_start3A_241, %dma_start3A_243, %dma_start3A_244] : memref<5x80x64xf32, #tpu.memory_space<vmem>> -> memref<1x80x64xf32, #tpu.memory_space<vmem>>
      %dma_start3A_246 = tpu.memref_squeeze %dma_start3A_245 : memref<1x80x64xf32, #tpu.memory_space<vmem>> -> memref<80x64xf32, #tpu.memory_space<vmem>>
      %dma_start3A_247 = arith.constant 0 : i32
      %dma_start3A_248 = tpu.memref_slice %arg7[%dma_start3A, %dma_start3A_247] : memref<250x80xi32, #tpu.memory_space<vmem>> -> memref<1x80xi32, #tpu.memory_space<vmem>>
      %dma_start3A_249 = tpu.memref_squeeze %dma_start3A_248 : memref<1x80xi32, #tpu.memory_space<vmem>> -> memref<80xi32, #tpu.memory_space<vmem>>
      %dma_start3A_250 = arith.constant 0 : i32
      %dma_start3A_251 = arith.constant 0 : i32
      %dma_start3A_252 = tpu.memref_slice %arg5[%dma_start3A_250, %dma_start3A_251] : memref<1000x64xf32, #tpu.memory_space<hbm>> -> memref<1000x64xf32, #tpu.memory_space<hbm>>
      %dma_start3A_253 = tpu.memref_slice %arg15[%dma_start3A_242] : memref<5x!tpu.dma_semaphore, #tpu.memory_space<semaphore_mem>> -> memref<1x!tpu.dma_semaphore, #tpu.memory_space<semaphore_mem>>
      %dma_start3A_254 = tpu.memref_squeeze %dma_start3A_253 : memref<1x!tpu.dma_semaphore, #tpu.memory_space<semaphore_mem>> -> memref<!tpu.dma_semaphore, #tpu.memory_space<semaphore_mem>>
      tpu.enqueue_indirect_dma source(%dma_start3A_252 : memref<1000x64xf32, #tpu.memory_space<hbm>>) target(%dma_start3A_246 : memref<80x64xf32, #tpu.memory_space<vmem>>) offsets(%dma_start3A_249 : memref<80xi32, #tpu.memory_space<vmem>>) semaphore(%dma_start3A_254 : memref<!tpu.dma_semaphore, #tpu.memory_space<semaphore_mem>>)
    } else {
    }
    %eq3A_126 = arith.constant 0 : i32
    %eq3A_127 = arith.cmpi eq, %arg0, %eq3A_126 : i32
    %convert_element_type3A_128 = arith.extui %eq3A_127 : i1 to i32
    %cond3A_129 = arith.constant 0 : i32
    %cond3A_130 = arith.cmpi ne, %convert_element_type3A_128, %cond3A_129 : i32
    scf.if %cond3A_130 {
      %dma_start3A = arith.constant 1 : i32
      %dma_start3A_241 = arith.constant 1 : i32
      %dma_start3A_242 = arith.constant 1 : i32
      %dma_start3A_243 = arith.constant 0 : i32
      %dma_start3A_244 = arith.constant 0 : i32
      %dma_start3A_245 = tpu.memref_slice %arg9[%dma_start3A_241, %dma_start3A_243, %dma_start3A_244] : memref<5x80x64xf32, #tpu.memory_space<vmem>> -> memref<1x80x64xf32, #tpu.memory_space<vmem>>
      %dma_start3A_246 = tpu.memref_squeeze %dma_start3A_245 : memref<1x80x64xf32, #tpu.memory_space<vmem>> -> memref<80x64xf32, #tpu.memory_space<vmem>>
      %dma_start3A_247 = arith.constant 0 : i32
      %dma_start3A_248 = tpu.memref_slice %arg7[%dma_start3A, %dma_start3A_247] : memref<250x80xi32, #tpu.memory_space<vmem>> -> memref<1x80xi32, #tpu.memory_space<vmem>>
      %dma_start3A_249 = tpu.memref_squeeze %dma_start3A_248 : memref<1x80xi32, #tpu.memory_space<vmem>> -> memref<80xi32, #tpu.memory_space<vmem>>
      %dma_start3A_250 = arith.constant 0 : i32
      %dma_start3A_251 = arith.constant 0 : i32
      %dma_start3A_252 = tpu.memref_slice %arg4[%dma_start3A_250, %dma_start3A_251] : memref<1000x64xf32, #tpu.memory_space<hbm>> -> memref<1000x64xf32, #tpu.memory_space<hbm>>
      %dma_start3A_253 = tpu.memref_slice %arg15[%dma_start3A_242] : memref<5x!tpu.dma_semaphore, #tpu.memory_space<semaphore_mem>> -> memref<1x!tpu.dma_semaphore, #tpu.memory_space<semaphore_mem>>
      %dma_start3A_254 = tpu.memref_squeeze %dma_start3A_253 : memref<1x!tpu.dma_semaphore, #tpu.memory_space<semaphore_mem>> -> memref<!tpu.dma_semaphore, #tpu.memory_space<semaphore_mem>>
      tpu.enqueue_indirect_dma source(%dma_start3A_252 : memref<1000x64xf32, #tpu.memory_space<hbm>>) target(%dma_start3A_246 : memref<80x64xf32, #tpu.memory_space<vmem>>) offsets(%dma_start3A_249 : memref<80xi32, #tpu.memory_space<vmem>>) semaphore(%dma_start3A_254 : memref<!tpu.dma_semaphore, #tpu.memory_space<semaphore_mem>>)
    } else {
    }
    %eq3A_131 = arith.constant 1 : i32
    %eq3A_132 = arith.cmpi eq, %arg0, %eq3A_131 : i32
    %convert_element_type3A_133 = arith.extui %eq3A_132 : i1 to i32
    %cond3A_134 = arith.constant 0 : i32
    %cond3A_135 = arith.cmpi ne, %convert_element_type3A_133, %cond3A_134 : i32
    scf.if %cond3A_135 {
      %dma_start3A = arith.constant 1 : i32
      %dma_start3A_241 = arith.constant 1 : i32
      %dma_start3A_242 = arith.constant 1 : i32
      %dma_start3A_243 = arith.constant 0 : i32
      %dma_start3A_244 = arith.constant 0 : i32
      %dma_start3A_245 = tpu.memref_slice %arg9[%dma_start3A_241, %dma_start3A_243, %dma_start3A_244] : memref<5x80x64xf32, #tpu.memory_space<vmem>> -> memref<1x80x64xf32, #tpu.memory_space<vmem>>
      %dma_start3A_246 = tpu.memref_squeeze %dma_start3A_245 : memref<1x80x64xf32, #tpu.memory_space<vmem>> -> memref<80x64xf32, #tpu.memory_space<vmem>>
      %dma_start3A_247 = arith.constant 0 : i32
      %dma_start3A_248 = tpu.memref_slice %arg7[%dma_start3A, %dma_start3A_247] : memref<250x80xi32, #tpu.memory_space<vmem>> -> memref<1x80xi32, #tpu.memory_space<vmem>>
      %dma_start3A_249 = tpu.memref_squeeze %dma_start3A_248 : memref<1x80xi32, #tpu.memory_space<vmem>> -> memref<80xi32, #tpu.memory_space<vmem>>
      %dma_start3A_250 = arith.constant 0 : i32
      %dma_start3A_251 = arith.constant 0 : i32
      %dma_start3A_252 = tpu.memref_slice %arg5[%dma_start3A_250, %dma_start3A_251] : memref<1000x64xf32, #tpu.memory_space<hbm>> -> memref<1000x64xf32, #tpu.memory_space<hbm>>
      %dma_start3A_253 = tpu.memref_slice %arg15[%dma_start3A_242] : memref<5x!tpu.dma_semaphore, #tpu.memory_space<semaphore_mem>> -> memref<1x!tpu.dma_semaphore, #tpu.memory_space<semaphore_mem>>
      %dma_start3A_254 = tpu.memref_squeeze %dma_start3A_253 : memref<1x!tpu.dma_semaphore, #tpu.memory_space<semaphore_mem>> -> memref<!tpu.dma_semaphore, #tpu.memory_space<semaphore_mem>>
      tpu.enqueue_indirect_dma source(%dma_start3A_252 : memref<1000x64xf32, #tpu.memory_space<hbm>>) target(%dma_start3A_246 : memref<80x64xf32, #tpu.memory_space<vmem>>) offsets(%dma_start3A_249 : memref<80xi32, #tpu.memory_space<vmem>>) semaphore(%dma_start3A_254 : memref<!tpu.dma_semaphore, #tpu.memory_space<semaphore_mem>>)
    } else {
    }
    %eq3A_136 = arith.constant 0 : i32
    %eq3A_137 = arith.cmpi eq, %arg0, %eq3A_136 : i32
    %convert_element_type3A_138 = arith.extui %eq3A_137 : i1 to i32
    %cond3A_139 = arith.constant 0 : i32
    %cond3A_140 = arith.cmpi ne, %convert_element_type3A_138, %cond3A_139 : i32
    scf.if %cond3A_140 {
      %dma_start3A = arith.constant 2 : i32
      %dma_start3A_241 = arith.constant 2 : i32
      %dma_start3A_242 = arith.constant 2 : i32
      %dma_start3A_243 = arith.constant 0 : i32
      %dma_start3A_244 = arith.constant 0 : i32
      %dma_start3A_245 = tpu.memref_slice %arg9[%dma_start3A_241, %dma_start3A_243, %dma_start3A_244] : memref<5x80x64xf32, #tpu.memory_space<vmem>> -> memref<1x80x64xf32, #tpu.memory_space<vmem>>
      %dma_start3A_246 = tpu.memref_squeeze %dma_start3A_245 : memref<1x80x64xf32, #tpu.memory_space<vmem>> -> memref<80x64xf32, #tpu.memory_space<vmem>>
      %dma_start3A_247 = arith.constant 0 : i32
      %dma_start3A_248 = tpu.memref_slice %arg7[%dma_start3A, %dma_start3A_247] : memref<250x80xi32, #tpu.memory_space<vmem>> -> memref<1x80xi32, #tpu.memory_space<vmem>>
      %dma_start3A_249 = tpu.memref_squeeze %dma_start3A_248 : memref<1x80xi32, #tpu.memory_space<vmem>> -> memref<80xi32, #tpu.memory_space<vmem>>
      %dma_start3A_250 = arith.constant 0 : i32
      %dma_start3A_251 = arith.constant 0 : i32
      %dma_start3A_252 = tpu.memref_slice %arg4[%dma_start3A_250, %dma_start3A_251] : memref<1000x64xf32, #tpu.memory_space<hbm>> -> memref<1000x64xf32, #tpu.memory_space<hbm>>
      %dma_start3A_253 = tpu.memref_slice %arg15[%dma_start3A_242] : memref<5x!tpu.dma_semaphore, #tpu.memory_space<semaphore_mem>> -> memref<1x!tpu.dma_semaphore, #tpu.memory_space<semaphore_mem>>
      %dma_start3A_254 = tpu.memref_squeeze %dma_start3A_253 : memref<1x!tpu.dma_semaphore, #tpu.memory_space<semaphore_mem>> -> memref<!tpu.dma_semaphore, #tpu.memory_space<semaphore_mem>>
      tpu.enqueue_indirect_dma source(%dma_start3A_252 : memref<1000x64xf32, #tpu.memory_space<hbm>>) target(%dma_start3A_246 : memref<80x64xf32, #tpu.memory_space<vmem>>) offsets(%dma_start3A_249 : memref<80xi32, #tpu.memory_space<vmem>>) semaphore(%dma_start3A_254 : memref<!tpu.dma_semaphore, #tpu.memory_space<semaphore_mem>>)
    } else {
    }
    %eq3A_141 = arith.constant 1 : i32
    %eq3A_142 = arith.cmpi eq, %arg0, %eq3A_141 : i32
    %convert_element_type3A_143 = arith.extui %eq3A_142 : i1 to i32
    %cond3A_144 = arith.constant 0 : i32
    %cond3A_145 = arith.cmpi ne, %convert_element_type3A_143, %cond3A_144 : i32
    scf.if %cond3A_145 {
      %dma_start3A = arith.constant 2 : i32
      %dma_start3A_241 = arith.constant 2 : i32
      %dma_start3A_242 = arith.constant 2 : i32
      %dma_start3A_243 = arith.constant 0 : i32
      %dma_start3A_244 = arith.constant 0 : i32
      %dma_start3A_245 = tpu.memref_slice %arg9[%dma_start3A_241, %dma_start3A_243, %dma_start3A_244] : memref<5x80x64xf32, #tpu.memory_space<vmem>> -> memref<1x80x64xf32, #tpu.memory_space<vmem>>
      %dma_start3A_246 = tpu.memref_squeeze %dma_start3A_245 : memref<1x80x64xf32, #tpu.memory_space<vmem>> -> memref<80x64xf32, #tpu.memory_space<vmem>>
      %dma_start3A_247 = arith.constant 0 : i32
      %dma_start3A_248 = tpu.memref_slice %arg7[%dma_start3A, %dma_start3A_247] : memref<250x80xi32, #tpu.memory_space<vmem>> -> memref<1x80xi32, #tpu.memory_space<vmem>>
      %dma_start3A_249 = tpu.memref_squeeze %dma_start3A_248 : memref<1x80xi32, #tpu.memory_space<vmem>> -> memref<80xi32, #tpu.memory_space<vmem>>
      %dma_start3A_250 = arith.constant 0 : i32
      %dma_start3A_251 = arith.constant 0 : i32
      %dma_start3A_252 = tpu.memref_slice %arg5[%dma_start3A_250, %dma_start3A_251] : memref<1000x64xf32, #tpu.memory_space<hbm>> -> memref<1000x64xf32, #tpu.memory_space<hbm>>
      %dma_start3A_253 = tpu.memref_slice %arg15[%dma_start3A_242] : memref<5x!tpu.dma_semaphore, #tpu.memory_space<semaphore_mem>> -> memref<1x!tpu.dma_semaphore, #tpu.memory_space<semaphore_mem>>
      %dma_start3A_254 = tpu.memref_squeeze %dma_start3A_253 : memref<1x!tpu.dma_semaphore, #tpu.memory_space<semaphore_mem>> -> memref<!tpu.dma_semaphore, #tpu.memory_space<semaphore_mem>>
      tpu.enqueue_indirect_dma source(%dma_start3A_252 : memref<1000x64xf32, #tpu.memory_space<hbm>>) target(%dma_start3A_246 : memref<80x64xf32, #tpu.memory_space<vmem>>) offsets(%dma_start3A_249 : memref<80xi32, #tpu.memory_space<vmem>>) semaphore(%dma_start3A_254 : memref<!tpu.dma_semaphore, #tpu.memory_space<semaphore_mem>>)
    } else {
    }
    %scan3A_146 = arith.constant 0 : i32
    %scan3A_147 = arith.constant 50 : i32
    %scan3A_148 = arith.addi %scan3A_146, %scan3A_147 : i32
    %scan3A_149 = arith.constant 1 : i32
    scf.for %scan3A_241 = %scan3A_146 to %scan3A_148 step %scan3A_149  : i32 {
      %mul3A_242 = arith.constant 5 : i32
      %mul3A_243 = arith.muli %scan3A_241, %mul3A_242 : i32
      %add3A_244 = arith.constant 0 : i32
      %add3A_245 = arith.addi %mul3A_243, %add3A_244 : i32
      %dma_wait3A_246 = arith.constant 0 : i32
      %dma_wait3A_247 = arith.constant 0 : i32
      %dma_wait3A_248 = arith.constant 0 : i32
      %dma_wait3A_249 = arith.constant 0 : i32
      %dma_wait3A_250 = arith.constant 0 : i32
      %dma_wait3A_251 = tpu.memref_slice %arg9[%dma_wait3A_247, %dma_wait3A_249, %dma_wait3A_250] : memref<5x80x64xf32, #tpu.memory_space<vmem>> -> memref<1x80x64xf32, #tpu.memory_space<vmem>>
      %dma_wait3A_252 = tpu.memref_squeeze %dma_wait3A_251 : memref<1x80x64xf32, #tpu.memory_space<vmem>> -> memref<80x64xf32, #tpu.memory_space<vmem>>
      %dma_wait3A_253 = arith.constant 0 : i32
      %dma_wait3A_254 = tpu.memref_slice %arg7[%dma_wait3A_246, %dma_wait3A_253] : memref<250x80xi32, #tpu.memory_space<vmem>> -> memref<1x80xi32, #tpu.memory_space<vmem>>
      %dma_wait3A_255 = tpu.memref_squeeze %dma_wait3A_254 : memref<1x80xi32, #tpu.memory_space<vmem>> -> memref<80xi32, #tpu.memory_space<vmem>>
      %dma_wait3A_256 = arith.constant 0 : i32
      %dma_wait3A_257 = arith.constant 0 : i32
      %dma_wait3A_258 = tpu.memref_slice %arg4[%dma_wait3A_256, %dma_wait3A_257] : memref<1000x64xf32, #tpu.memory_space<hbm>> -> memref<1000x64xf32, #tpu.memory_space<hbm>>
      %dma_wait3A_259 = tpu.memref_slice %arg15[%dma_wait3A_248] : memref<5x!tpu.dma_semaphore, #tpu.memory_space<semaphore_mem>> -> memref<1x!tpu.dma_semaphore, #tpu.memory_space<semaphore_mem>>
      %dma_wait3A_260 = tpu.memref_squeeze %dma_wait3A_259 : memref<1x!tpu.dma_semaphore, #tpu.memory_space<semaphore_mem>> -> memref<!tpu.dma_semaphore, #tpu.memory_space<semaphore_mem>>
      tpu.wait_indirect_dma semaphore(%dma_wait3A_260 : memref<!tpu.dma_semaphore, #tpu.memory_space<semaphore_mem>>) src(%dma_wait3A_258 : memref<1000x64xf32, #tpu.memory_space<hbm>>) dst(%dma_wait3A_252 : memref<80x64xf32, #tpu.memory_space<vmem>>)
      %dma_start3A = arith.constant 0 : i32
      %dma_start3A_261 = arith.constant 0 : i32
      %dma_start3A_262 = arith.constant 0 : i32
      %dma_start3A_263 = arith.constant 0 : i32
      %dma_start3A_264 = tpu.memref_slice %arg9[%dma_start3A, %dma_start3A_262, %dma_start3A_263] : memref<5x80x64xf32, #tpu.memory_space<vmem>> -> memref<1x80x64xf32, #tpu.memory_space<vmem>>
      %dma_start3A_265 = tpu.memref_squeeze %dma_start3A_264 : memref<1x80x64xf32, #tpu.memory_space<vmem>> -> memref<80x64xf32, #tpu.memory_space<vmem>>
      %dma_start3A_266 = arith.constant 0 : i32
      %dma_start3A_267 = tpu.memref_slice %arg8[%add3A_245, %dma_start3A_266] : memref<250x80xi32, #tpu.memory_space<vmem>> -> memref<1x80xi32, #tpu.memory_space<vmem>>
      %dma_start3A_268 = tpu.memref_squeeze %dma_start3A_267 : memref<1x80xi32, #tpu.memory_space<vmem>> -> memref<80xi32, #tpu.memory_space<vmem>>
      %dma_start3A_269 = arith.constant 0 : i32
      %dma_start3A_270 = arith.constant 0 : i32
      %dma_start3A_271 = tpu.memref_slice %arg13[%dma_start3A_269, %dma_start3A_270] : memref<10000x64xf32, #tpu.memory_space<vmem_shared>> -> memref<10000x64xf32, #tpu.memory_space<vmem_shared>>
      %dma_start3A_272 = tpu.memref_slice %arg16[%dma_start3A_261] : memref<5x!tpu.dma_semaphore, #tpu.memory_space<semaphore_mem>> -> memref<1x!tpu.dma_semaphore, #tpu.memory_space<semaphore_mem>>
      %dma_start3A_273 = tpu.memref_squeeze %dma_start3A_272 : memref<1x!tpu.dma_semaphore, #tpu.memory_space<semaphore_mem>> -> memref<!tpu.dma_semaphore, #tpu.memory_space<semaphore_mem>>
      tpu.enqueue_indirect_dma source(%dma_start3A_265 : memref<80x64xf32, #tpu.memory_space<vmem>>) target(%dma_start3A_271 : memref<10000x64xf32, #tpu.memory_space<vmem_shared>>) offsets(%dma_start3A_268 : memref<80xi32, #tpu.memory_space<vmem>>) semaphore(%dma_start3A_273 : memref<!tpu.dma_semaphore, #tpu.memory_space<semaphore_mem>>) {add = true}
      %ge3A = arith.constant 5 : i32
      %ge3A_274 = arith.cmpi sge, %add3A_245, %ge3A : i32
      %convert_element_type3A_275 = arith.extui %ge3A_274 : i1 to i32
      %cond3A_276 = arith.constant 0 : i32
      %cond3A_277 = arith.cmpi ne, %convert_element_type3A_275, %cond3A_276 : i32
      scf.if %cond3A_277 {
        %dma_wait3A_534 = arith.constant 0 : i32
        %dma_wait3A_535 = arith.constant 0 : i32
        %dma_wait3A_536 = arith.constant 0 : i32
        %dma_wait3A_537 = tpu.memref_slice %arg8[%dma_wait3A_534, %dma_wait3A_536] : memref<250x80xi32, #tpu.memory_space<vmem>> -> memref<1x80xi32, #tpu.memory_space<vmem>>
        %dma_wait3A_538 = tpu.memref_squeeze %dma_wait3A_537 : memref<1x80xi32, #tpu.memory_space<vmem>> -> memref<80xi32, #tpu.memory_space<vmem>>
        %dma_wait3A_539 = arith.constant 0 : i32
        %dma_wait3A_540 = arith.constant 0 : i32
        %dma_wait3A_541 = tpu.memref_slice %arg14[%dma_wait3A_539, %dma_wait3A_540] : memref<10000x16xf32, #tpu.memory_space<vmem_shared>> -> memref<10000x16xf32, #tpu.memory_space<vmem_shared>>
        %dma_wait3A_542 = tpu.memref_slice %arg17[%dma_wait3A_535] : memref<5x!tpu.dma_semaphore, #tpu.memory_space<semaphore_mem>> -> memref<1x!tpu.dma_semaphore, #tpu.memory_space<semaphore_mem>>
        %dma_wait3A_543 = tpu.memref_squeeze %dma_wait3A_542 : memref<1x!tpu.dma_semaphore, #tpu.memory_space<semaphore_mem>> -> memref<!tpu.dma_semaphore, #tpu.memory_space<semaphore_mem>>
        tpu.wait_indirect_dma semaphore(%dma_wait3A_543 : memref<!tpu.dma_semaphore, #tpu.memory_space<semaphore_mem>>) src(%arg12 : memref<80x16xf32, #tpu.memory_space<vmem>>) dst(%dma_wait3A_541 : memref<10000x16xf32, #tpu.memory_space<vmem_shared>>)
      } else {
      }
      %dma_start3A_278 = arith.constant 0 : i32
      %dma_start3A_279 = arith.constant 0 : i32
      %dma_start3A_280 = tpu.memref_slice %arg8[%add3A_245, %dma_start3A_279] : memref<250x80xi32, #tpu.memory_space<vmem>> -> memref<1x80xi32, #tpu.memory_space<vmem>>
      %dma_start3A_281 = tpu.memref_squeeze %dma_start3A_280 : memref<1x80xi32, #tpu.memory_space<vmem>> -> memref<80xi32, #tpu.memory_space<vmem>>
      %dma_start3A_282 = arith.constant 0 : i32
      %dma_start3A_283 = arith.constant 0 : i32
      %dma_start3A_284 = tpu.memref_slice %arg14[%dma_start3A_282, %dma_start3A_283] : memref<10000x16xf32, #tpu.memory_space<vmem_shared>> -> memref<10000x16xf32, #tpu.memory_space<vmem_shared>>
      %dma_start3A_285 = tpu.memref_slice %arg17[%dma_start3A_278] : memref<5x!tpu.dma_semaphore, #tpu.memory_space<semaphore_mem>> -> memref<1x!tpu.dma_semaphore, #tpu.memory_space<semaphore_mem>>
      %dma_start3A_286 = tpu.memref_squeeze %dma_start3A_285 : memref<1x!tpu.dma_semaphore, #tpu.memory_space<semaphore_mem>> -> memref<!tpu.dma_semaphore, #tpu.memory_space<semaphore_mem>>
      tpu.enqueue_indirect_dma source(%arg12 : memref<80x16xf32, #tpu.memory_space<vmem>>) target(%dma_start3A_284 : memref<10000x16xf32, #tpu.memory_space<vmem_shared>>) offsets(%dma_start3A_281 : memref<80xi32, #tpu.memory_space<vmem>>) semaphore(%dma_start3A_286 : memref<!tpu.dma_semaphore, #tpu.memory_space<semaphore_mem>>) {add = true}
      %ge3A_287 = arith.constant 2 : i32
      %ge3A_288 = arith.cmpi sge, %add3A_245, %ge3A_287 : i32
      %convert_element_type3A_289 = arith.extui %ge3A_288 : i1 to i32
      %cond3A_290 = arith.constant 0 : i32
      %cond3A_291 = arith.cmpi ne, %convert_element_type3A_289, %cond3A_290 : i32
      scf.if %cond3A_291 {
        %dma_wait3A_534 = arith.constant 3 : i32
        %dma_wait3A_535 = arith.constant 0 : i32
        %dma_wait3A_536 = arith.constant 3 : i32
        %dma_wait3A_537 = arith.constant 0 : i32
        %dma_wait3A_538 = arith.constant 0 : i32
        %dma_wait3A_539 = tpu.memref_slice %arg9[%dma_wait3A_534, %dma_wait3A_537, %dma_wait3A_538] : memref<5x80x64xf32, #tpu.memory_space<vmem>> -> memref<1x80x64xf32, #tpu.memory_space<vmem>>
        %dma_wait3A_540 = tpu.memref_squeeze %dma_wait3A_539 : memref<1x80x64xf32, #tpu.memory_space<vmem>> -> memref<80x64xf32, #tpu.memory_space<vmem>>
        %dma_wait3A_541 = arith.constant 0 : i32
        %dma_wait3A_542 = tpu.memref_slice %arg8[%dma_wait3A_535, %dma_wait3A_541] : memref<250x80xi32, #tpu.memory_space<vmem>> -> memref<1x80xi32, #tpu.memory_space<vmem>>
        %dma_wait3A_543 = tpu.memref_squeeze %dma_wait3A_542 : memref<1x80xi32, #tpu.memory_space<vmem>> -> memref<80xi32, #tpu.memory_space<vmem>>
        %dma_wait3A_544 = arith.constant 0 : i32
        %dma_wait3A_545 = arith.constant 0 : i32
        %dma_wait3A_546 = tpu.memref_slice %arg13[%dma_wait3A_544, %dma_wait3A_545] : memref<10000x64xf32, #tpu.memory_space<vmem_shared>> -> memref<10000x64xf32, #tpu.memory_space<vmem_shared>>
        %dma_wait3A_547 = tpu.memref_slice %arg16[%dma_wait3A_536] : memref<5x!tpu.dma_semaphore, #tpu.memory_space<semaphore_mem>> -> memref<1x!tpu.dma_semaphore, #tpu.memory_space<semaphore_mem>>
        %dma_wait3A_548 = tpu.memref_squeeze %dma_wait3A_547 : memref<1x!tpu.dma_semaphore, #tpu.memory_space<semaphore_mem>> -> memref<!tpu.dma_semaphore, #tpu.memory_space<semaphore_mem>>
        tpu.wait_indirect_dma semaphore(%dma_wait3A_548 : memref<!tpu.dma_semaphore, #tpu.memory_space<semaphore_mem>>) src(%dma_wait3A_540 : memref<80x64xf32, #tpu.memory_space<vmem>>) dst(%dma_wait3A_546 : memref<10000x64xf32, #tpu.memory_space<vmem_shared>>)
      } else {
      }
      %add3A_292 = arith.constant 3 : i32
      %add3A_293 = arith.addi %add3A_245, %add3A_292 : i32
      %lt3A = arith.constant 250 : i32
      %lt3A_294 = arith.cmpi slt, %add3A_293, %lt3A : i32
      %convert_element_type3A_295 = arith.extui %lt3A_294 : i1 to i32
      %cond3A_296 = arith.constant 0 : i32
      %cond3A_297 = arith.cmpi ne, %convert_element_type3A_295, %cond3A_296 : i32
      scf.if %cond3A_297 {
        %add3A_534 = arith.constant 3 : i32
        %add3A_535 = arith.addi %add3A_245, %add3A_534 : i32
        %eq3A_536 = arith.constant 0 : i32
        %eq3A_537 = arith.cmpi eq, %arg0, %eq3A_536 : i32
        %convert_element_type3A_538 = arith.extui %eq3A_537 : i1 to i32
        %cond3A_539 = arith.constant 0 : i32
        %cond3A_540 = arith.cmpi ne, %convert_element_type3A_538, %cond3A_539 : i32
        scf.if %cond3A_540 {
          %dma_start3A_546 = arith.constant 3 : i32
          %dma_start3A_547 = arith.constant 3 : i32
          %dma_start3A_548 = arith.constant 0 : i32
          %dma_start3A_549 = arith.constant 0 : i32
          %dma_start3A_550 = tpu.memref_slice %arg9[%dma_start3A_546, %dma_start3A_548, %dma_start3A_549] : memref<5x80x64xf32, #tpu.memory_space<vmem>> -> memref<1x80x64xf32, #tpu.memory_space<vmem>>
          %dma_start3A_551 = tpu.memref_squeeze %dma_start3A_550 : memref<1x80x64xf32, #tpu.memory_space<vmem>> -> memref<80x64xf32, #tpu.memory_space<vmem>>
          %dma_start3A_552 = arith.constant 0 : i32
          %dma_start3A_553 = tpu.memref_slice %arg7[%add3A_535, %dma_start3A_552] : memref<250x80xi32, #tpu.memory_space<vmem>> -> memref<1x80xi32, #tpu.memory_space<vmem>>
          %dma_start3A_554 = tpu.memref_squeeze %dma_start3A_553 : memref<1x80xi32, #tpu.memory_space<vmem>> -> memref<80xi32, #tpu.memory_space<vmem>>
          %dma_start3A_555 = arith.constant 0 : i32
          %dma_start3A_556 = arith.constant 0 : i32
          %dma_start3A_557 = tpu.memref_slice %arg4[%dma_start3A_555, %dma_start3A_556] : memref<1000x64xf32, #tpu.memory_space<hbm>> -> memref<1000x64xf32, #tpu.memory_space<hbm>>
          %dma_start3A_558 = tpu.memref_slice %arg15[%dma_start3A_547] : memref<5x!tpu.dma_semaphore, #tpu.memory_space<semaphore_mem>> -> memref<1x!tpu.dma_semaphore, #tpu.memory_space<semaphore_mem>>
          %dma_start3A_559 = tpu.memref_squeeze %dma_start3A_558 : memref<1x!tpu.dma_semaphore, #tpu.memory_space<semaphore_mem>> -> memref<!tpu.dma_semaphore, #tpu.memory_space<semaphore_mem>>
          tpu.enqueue_indirect_dma source(%dma_start3A_557 : memref<1000x64xf32, #tpu.memory_space<hbm>>) target(%dma_start3A_551 : memref<80x64xf32, #tpu.memory_space<vmem>>) offsets(%dma_start3A_554 : memref<80xi32, #tpu.memory_space<vmem>>) semaphore(%dma_start3A_559 : memref<!tpu.dma_semaphore, #tpu.memory_space<semaphore_mem>>)
        } else {
        }
        %eq3A_541 = arith.constant 1 : i32
        %eq3A_542 = arith.cmpi eq, %arg0, %eq3A_541 : i32
        %convert_element_type3A_543 = arith.extui %eq3A_542 : i1 to i32
        %cond3A_544 = arith.constant 0 : i32
        %cond3A_545 = arith.cmpi ne, %convert_element_type3A_543, %cond3A_544 : i32
        scf.if %cond3A_545 {
          %dma_start3A_546 = arith.constant 3 : i32
          %dma_start3A_547 = arith.constant 3 : i32
          %dma_start3A_548 = arith.constant 0 : i32
          %dma_start3A_549 = arith.constant 0 : i32
          %dma_start3A_550 = tpu.memref_slice %arg9[%dma_start3A_546, %dma_start3A_548, %dma_start3A_549] : memref<5x80x64xf32, #tpu.memory_space<vmem>> -> memref<1x80x64xf32, #tpu.memory_space<vmem>>
          %dma_start3A_551 = tpu.memref_squeeze %dma_start3A_550 : memref<1x80x64xf32, #tpu.memory_space<vmem>> -> memref<80x64xf32, #tpu.memory_space<vmem>>
          %dma_start3A_552 = arith.constant 0 : i32
          %dma_start3A_553 = tpu.memref_slice %arg7[%add3A_535, %dma_start3A_552] : memref<250x80xi32, #tpu.memory_space<vmem>> -> memref<1x80xi32, #tpu.memory_space<vmem>>
          %dma_start3A_554 = tpu.memref_squeeze %dma_start3A_553 : memref<1x80xi32, #tpu.memory_space<vmem>> -> memref<80xi32, #tpu.memory_space<vmem>>
          %dma_start3A_555 = arith.constant 0 : i32
          %dma_start3A_556 = arith.constant 0 : i32
          %dma_start3A_557 = tpu.memref_slice %arg5[%dma_start3A_555, %dma_start3A_556] : memref<1000x64xf32, #tpu.memory_space<hbm>> -> memref<1000x64xf32, #tpu.memory_space<hbm>>
          %dma_start3A_558 = tpu.memref_slice %arg15[%dma_start3A_547] : memref<5x!tpu.dma_semaphore, #tpu.memory_space<semaphore_mem>> -> memref<1x!tpu.dma_semaphore, #tpu.memory_space<semaphore_mem>>
          %dma_start3A_559 = tpu.memref_squeeze %dma_start3A_558 : memref<1x!tpu.dma_semaphore, #tpu.memory_space<semaphore_mem>> -> memref<!tpu.dma_semaphore, #tpu.memory_space<semaphore_mem>>
          tpu.enqueue_indirect_dma source(%dma_start3A_557 : memref<1000x64xf32, #tpu.memory_space<hbm>>) target(%dma_start3A_551 : memref<80x64xf32, #tpu.memory_space<vmem>>) offsets(%dma_start3A_554 : memref<80xi32, #tpu.memory_space<vmem>>) semaphore(%dma_start3A_559 : memref<!tpu.dma_semaphore, #tpu.memory_space<semaphore_mem>>)
        } else {
        }
      } else {
      }
      %mul3A_298 = arith.constant 5 : i32
      %mul3A_299 = arith.muli %scan3A_241, %mul3A_298 : i32
      %add3A_300 = arith.constant 1 : i32
      %add3A_301 = arith.addi %mul3A_299, %add3A_300 : i32
      %dma_wait3A_302 = arith.constant 0 : i32
      %dma_wait3A_303 = arith.constant 1 : i32
      %dma_wait3A_304 = arith.constant 1 : i32
      %dma_wait3A_305 = arith.constant 0 : i32
      %dma_wait3A_306 = arith.constant 0 : i32
      %dma_wait3A_307 = tpu.memref_slice %arg9[%dma_wait3A_303, %dma_wait3A_305, %dma_wait3A_306] : memref<5x80x64xf32, #tpu.memory_space<vmem>> -> memref<1x80x64xf32, #tpu.memory_space<vmem>>
      %dma_wait3A_308 = tpu.memref_squeeze %dma_wait3A_307 : memref<1x80x64xf32, #tpu.memory_space<vmem>> -> memref<80x64xf32, #tpu.memory_space<vmem>>
      %dma_wait3A_309 = arith.constant 0 : i32
      %dma_wait3A_310 = tpu.memref_slice %arg7[%dma_wait3A_302, %dma_wait3A_309] : memref<250x80xi32, #tpu.memory_space<vmem>> -> memref<1x80xi32, #tpu.memory_space<vmem>>
      %dma_wait3A_311 = tpu.memref_squeeze %dma_wait3A_310 : memref<1x80xi32, #tpu.memory_space<vmem>> -> memref<80xi32, #tpu.memory_space<vmem>>
      %dma_wait3A_312 = arith.constant 0 : i32
      %dma_wait3A_313 = arith.constant 0 : i32
      %dma_wait3A_314 = tpu.memref_slice %arg4[%dma_wait3A_312, %dma_wait3A_313] : memref<1000x64xf32, #tpu.memory_space<hbm>> -> memref<1000x64xf32, #tpu.memory_space<hbm>>
      %dma_wait3A_315 = tpu.memref_slice %arg15[%dma_wait3A_304] : memref<5x!tpu.dma_semaphore, #tpu.memory_space<semaphore_mem>> -> memref<1x!tpu.dma_semaphore, #tpu.memory_space<semaphore_mem>>
      %dma_wait3A_316 = tpu.memref_squeeze %dma_wait3A_315 : memref<1x!tpu.dma_semaphore, #tpu.memory_space<semaphore_mem>> -> memref<!tpu.dma_semaphore, #tpu.memory_space<semaphore_mem>>
      tpu.wait_indirect_dma semaphore(%dma_wait3A_316 : memref<!tpu.dma_semaphore, #tpu.memory_space<semaphore_mem>>) src(%dma_wait3A_314 : memref<1000x64xf32, #tpu.memory_space<hbm>>) dst(%dma_wait3A_308 : memref<80x64xf32, #tpu.memory_space<vmem>>)
      %dma_start3A_317 = arith.constant 1 : i32
      %dma_start3A_318 = arith.constant 1 : i32
      %dma_start3A_319 = arith.constant 0 : i32
      %dma_start3A_320 = arith.constant 0 : i32
      %dma_start3A_321 = tpu.memref_slice %arg9[%dma_start3A_317, %dma_start3A_319, %dma_start3A_320] : memref<5x80x64xf32, #tpu.memory_space<vmem>> -> memref<1x80x64xf32, #tpu.memory_space<vmem>>
      %dma_start3A_322 = tpu.memref_squeeze %dma_start3A_321 : memref<1x80x64xf32, #tpu.memory_space<vmem>> -> memref<80x64xf32, #tpu.memory_space<vmem>>
      %dma_start3A_323 = arith.constant 0 : i32
      %dma_start3A_324 = tpu.memref_slice %arg8[%add3A_301, %dma_start3A_323] : memref<250x80xi32, #tpu.memory_space<vmem>> -> memref<1x80xi32, #tpu.memory_space<vmem>>
      %dma_start3A_325 = tpu.memref_squeeze %dma_start3A_324 : memref<1x80xi32, #tpu.memory_space<vmem>> -> memref<80xi32, #tpu.memory_space<vmem>>
      %dma_start3A_326 = arith.constant 0 : i32
      %dma_start3A_327 = arith.constant 0 : i32
      %dma_start3A_328 = tpu.memref_slice %arg13[%dma_start3A_326, %dma_start3A_327] : memref<10000x64xf32, #tpu.memory_space<vmem_shared>> -> memref<10000x64xf32, #tpu.memory_space<vmem_shared>>
      %dma_start3A_329 = tpu.memref_slice %arg16[%dma_start3A_318] : memref<5x!tpu.dma_semaphore, #tpu.memory_space<semaphore_mem>> -> memref<1x!tpu.dma_semaphore, #tpu.memory_space<semaphore_mem>>
      %dma_start3A_330 = tpu.memref_squeeze %dma_start3A_329 : memref<1x!tpu.dma_semaphore, #tpu.memory_space<semaphore_mem>> -> memref<!tpu.dma_semaphore, #tpu.memory_space<semaphore_mem>>
      tpu.enqueue_indirect_dma source(%dma_start3A_322 : memref<80x64xf32, #tpu.memory_space<vmem>>) target(%dma_start3A_328 : memref<10000x64xf32, #tpu.memory_space<vmem_shared>>) offsets(%dma_start3A_325 : memref<80xi32, #tpu.memory_space<vmem>>) semaphore(%dma_start3A_330 : memref<!tpu.dma_semaphore, #tpu.memory_space<semaphore_mem>>) {add = true}
      %ge3A_331 = arith.constant 5 : i32
      %ge3A_332 = arith.cmpi sge, %add3A_301, %ge3A_331 : i32
      %convert_element_type3A_333 = arith.extui %ge3A_332 : i1 to i32
      %cond3A_334 = arith.constant 0 : i32
      %cond3A_335 = arith.cmpi ne, %convert_element_type3A_333, %cond3A_334 : i32
      scf.if %cond3A_335 {
        %dma_wait3A_534 = arith.constant 0 : i32
        %dma_wait3A_535 = arith.constant 1 : i32
        %dma_wait3A_536 = arith.constant 0 : i32
        %dma_wait3A_537 = tpu.memref_slice %arg8[%dma_wait3A_534, %dma_wait3A_536] : memref<250x80xi32, #tpu.memory_space<vmem>> -> memref<1x80xi32, #tpu.memory_space<vmem>>
        %dma_wait3A_538 = tpu.memref_squeeze %dma_wait3A_537 : memref<1x80xi32, #tpu.memory_space<vmem>> -> memref<80xi32, #tpu.memory_space<vmem>>
        %dma_wait3A_539 = arith.constant 0 : i32
        %dma_wait3A_540 = arith.constant 0 : i32
        %dma_wait3A_541 = tpu.memref_slice %arg14[%dma_wait3A_539, %dma_wait3A_540] : memref<10000x16xf32, #tpu.memory_space<vmem_shared>> -> memref<10000x16xf32, #tpu.memory_space<vmem_shared>>
        %dma_wait3A_542 = tpu.memref_slice %arg17[%dma_wait3A_535] : memref<5x!tpu.dma_semaphore, #tpu.memory_space<semaphore_mem>> -> memref<1x!tpu.dma_semaphore, #tpu.memory_space<semaphore_mem>>
        %dma_wait3A_543 = tpu.memref_squeeze %dma_wait3A_542 : memref<1x!tpu.dma_semaphore, #tpu.memory_space<semaphore_mem>> -> memref<!tpu.dma_semaphore, #tpu.memory_space<semaphore_mem>>
        tpu.wait_indirect_dma semaphore(%dma_wait3A_543 : memref<!tpu.dma_semaphore, #tpu.memory_space<semaphore_mem>>) src(%arg12 : memref<80x16xf32, #tpu.memory_space<vmem>>) dst(%dma_wait3A_541 : memref<10000x16xf32, #tpu.memory_space<vmem_shared>>)
      } else {
      }
      %dma_start3A_336 = arith.constant 1 : i32
      %dma_start3A_337 = arith.constant 0 : i32
      %dma_start3A_338 = tpu.memref_slice %arg8[%add3A_301, %dma_start3A_337] : memref<250x80xi32, #tpu.memory_space<vmem>> -> memref<1x80xi32, #tpu.memory_space<vmem>>
      %dma_start3A_339 = tpu.memref_squeeze %dma_start3A_338 : memref<1x80xi32, #tpu.memory_space<vmem>> -> memref<80xi32, #tpu.memory_space<vmem>>
      %dma_start3A_340 = arith.constant 0 : i32
      %dma_start3A_341 = arith.constant 0 : i32
      %dma_start3A_342 = tpu.memref_slice %arg14[%dma_start3A_340, %dma_start3A_341] : memref<10000x16xf32, #tpu.memory_space<vmem_shared>> -> memref<10000x16xf32, #tpu.memory_space<vmem_shared>>
      %dma_start3A_343 = tpu.memref_slice %arg17[%dma_start3A_336] : memref<5x!tpu.dma_semaphore, #tpu.memory_space<semaphore_mem>> -> memref<1x!tpu.dma_semaphore, #tpu.memory_space<semaphore_mem>>
      %dma_start3A_344 = tpu.memref_squeeze %dma_start3A_343 : memref<1x!tpu.dma_semaphore, #tpu.memory_space<semaphore_mem>> -> memref<!tpu.dma_semaphore, #tpu.memory_space<semaphore_mem>>
      tpu.enqueue_indirect_dma source(%arg12 : memref<80x16xf32, #tpu.memory_space<vmem>>) target(%dma_start3A_342 : memref<10000x16xf32, #tpu.memory_space<vmem_shared>>) offsets(%dma_start3A_339 : memref<80xi32, #tpu.memory_space<vmem>>) semaphore(%dma_start3A_344 : memref<!tpu.dma_semaphore, #tpu.memory_space<semaphore_mem>>) {add = true}
      %ge3A_345 = arith.constant 2 : i32
      %ge3A_346 = arith.cmpi sge, %add3A_301, %ge3A_345 : i32
      %convert_element_type3A_347 = arith.extui %ge3A_346 : i1 to i32
      %cond3A_348 = arith.constant 0 : i32
      %cond3A_349 = arith.cmpi ne, %convert_element_type3A_347, %cond3A_348 : i32
      scf.if %cond3A_349 {
        %dma_wait3A_534 = arith.constant 4 : i32
        %dma_wait3A_535 = arith.constant 0 : i32
        %dma_wait3A_536 = arith.constant 4 : i32
        %dma_wait3A_537 = arith.constant 0 : i32
        %dma_wait3A_538 = arith.constant 0 : i32
        %dma_wait3A_539 = tpu.memref_slice %arg9[%dma_wait3A_534, %dma_wait3A_537, %dma_wait3A_538] : memref<5x80x64xf32, #tpu.memory_space<vmem>> -> memref<1x80x64xf32, #tpu.memory_space<vmem>>
        %dma_wait3A_540 = tpu.memref_squeeze %dma_wait3A_539 : memref<1x80x64xf32, #tpu.memory_space<vmem>> -> memref<80x64xf32, #tpu.memory_space<vmem>>
        %dma_wait3A_541 = arith.constant 0 : i32
        %dma_wait3A_542 = tpu.memref_slice %arg8[%dma_wait3A_535, %dma_wait3A_541] : memref<250x80xi32, #tpu.memory_space<vmem>> -> memref<1x80xi32, #tpu.memory_space<vmem>>
        %dma_wait3A_543 = tpu.memref_squeeze %dma_wait3A_542 : memref<1x80xi32, #tpu.memory_space<vmem>> -> memref<80xi32, #tpu.memory_space<vmem>>
        %dma_wait3A_544 = arith.constant 0 : i32
        %dma_wait3A_545 = arith.constant 0 : i32
        %dma_wait3A_546 = tpu.memref_slice %arg13[%dma_wait3A_544, %dma_wait3A_545] : memref<10000x64xf32, #tpu.memory_space<vmem_shared>> -> memref<10000x64xf32, #tpu.memory_space<vmem_shared>>
        %dma_wait3A_547 = tpu.memref_slice %arg16[%dma_wait3A_536] : memref<5x!tpu.dma_semaphore, #tpu.memory_space<semaphore_mem>> -> memref<1x!tpu.dma_semaphore, #tpu.memory_space<semaphore_mem>>
        %dma_wait3A_548 = tpu.memref_squeeze %dma_wait3A_547 : memref<1x!tpu.dma_semaphore, #tpu.memory_space<semaphore_mem>> -> memref<!tpu.dma_semaphore, #tpu.memory_space<semaphore_mem>>
        tpu.wait_indirect_dma semaphore(%dma_wait3A_548 : memref<!tpu.dma_semaphore, #tpu.memory_space<semaphore_mem>>) src(%dma_wait3A_540 : memref<80x64xf32, #tpu.memory_space<vmem>>) dst(%dma_wait3A_546 : memref<10000x64xf32, #tpu.memory_space<vmem_shared>>)
      } else {
      }
      %add3A_350 = arith.constant 3 : i32
      %add3A_351 = arith.addi %add3A_301, %add3A_350 : i32
      %lt3A_352 = arith.constant 250 : i32
      %lt3A_353 = arith.cmpi slt, %add3A_351, %lt3A_352 : i32
      %convert_element_type3A_354 = arith.extui %lt3A_353 : i1 to i32
      %cond3A_355 = arith.constant 0 : i32
      %cond3A_356 = arith.cmpi ne, %convert_element_type3A_354, %cond3A_355 : i32
      scf.if %cond3A_356 {
        %add3A_534 = arith.constant 3 : i32
        %add3A_535 = arith.addi %add3A_301, %add3A_534 : i32
        %eq3A_536 = arith.constant 0 : i32
        %eq3A_537 = arith.cmpi eq, %arg0, %eq3A_536 : i32
        %convert_element_type3A_538 = arith.extui %eq3A_537 : i1 to i32
        %cond3A_539 = arith.constant 0 : i32
        %cond3A_540 = arith.cmpi ne, %convert_element_type3A_538, %cond3A_539 : i32
        scf.if %cond3A_540 {
          %dma_start3A_546 = arith.constant 4 : i32
          %dma_start3A_547 = arith.constant 4 : i32
          %dma_start3A_548 = arith.constant 0 : i32
          %dma_start3A_549 = arith.constant 0 : i32
          %dma_start3A_550 = tpu.memref_slice %arg9[%dma_start3A_546, %dma_start3A_548, %dma_start3A_549] : memref<5x80x64xf32, #tpu.memory_space<vmem>> -> memref<1x80x64xf32, #tpu.memory_space<vmem>>
          %dma_start3A_551 = tpu.memref_squeeze %dma_start3A_550 : memref<1x80x64xf32, #tpu.memory_space<vmem>> -> memref<80x64xf32, #tpu.memory_space<vmem>>
          %dma_start3A_552 = arith.constant 0 : i32
          %dma_start3A_553 = tpu.memref_slice %arg7[%add3A_535, %dma_start3A_552] : memref<250x80xi32, #tpu.memory_space<vmem>> -> memref<1x80xi32, #tpu.memory_space<vmem>>
          %dma_start3A_554 = tpu.memref_squeeze %dma_start3A_553 : memref<1x80xi32, #tpu.memory_space<vmem>> -> memref<80xi32, #tpu.memory_space<vmem>>
          %dma_start3A_555 = arith.constant 0 : i32
          %dma_start3A_556 = arith.constant 0 : i32
          %dma_start3A_557 = tpu.memref_slice %arg4[%dma_start3A_555, %dma_start3A_556] : memref<1000x64xf32, #tpu.memory_space<hbm>> -> memref<1000x64xf32, #tpu.memory_space<hbm>>
          %dma_start3A_558 = tpu.memref_slice %arg15[%dma_start3A_547] : memref<5x!tpu.dma_semaphore, #tpu.memory_space<semaphore_mem>> -> memref<1x!tpu.dma_semaphore, #tpu.memory_space<semaphore_mem>>
          %dma_start3A_559 = tpu.memref_squeeze %dma_start3A_558 : memref<1x!tpu.dma_semaphore, #tpu.memory_space<semaphore_mem>> -> memref<!tpu.dma_semaphore, #tpu.memory_space<semaphore_mem>>
          tpu.enqueue_indirect_dma source(%dma_start3A_557 : memref<1000x64xf32, #tpu.memory_space<hbm>>) target(%dma_start3A_551 : memref<80x64xf32, #tpu.memory_space<vmem>>) offsets(%dma_start3A_554 : memref<80xi32, #tpu.memory_space<vmem>>) semaphore(%dma_start3A_559 : memref<!tpu.dma_semaphore, #tpu.memory_space<semaphore_mem>>)
        } else {
        }
        %eq3A_541 = arith.constant 1 : i32
        %eq3A_542 = arith.cmpi eq, %arg0, %eq3A_541 : i32
        %convert_element_type3A_543 = arith.extui %eq3A_542 : i1 to i32
        %cond3A_544 = arith.constant 0 : i32
        %cond3A_545 = arith.cmpi ne, %convert_element_type3A_543, %cond3A_544 : i32
        scf.if %cond3A_545 {
          %dma_start3A_546 = arith.constant 4 : i32
          %dma_start3A_547 = arith.constant 4 : i32
          %dma_start3A_548 = arith.constant 0 : i32
          %dma_start3A_549 = arith.constant 0 : i32
          %dma_start3A_550 = tpu.memref_slice %arg9[%dma_start3A_546, %dma_start3A_548, %dma_start3A_549] : memref<5x80x64xf32, #tpu.memory_space<vmem>> -> memref<1x80x64xf32, #tpu.memory_space<vmem>>
          %dma_start3A_551 = tpu.memref_squeeze %dma_start3A_550 : memref<1x80x64xf32, #tpu.memory_space<vmem>> -> memref<80x64xf32, #tpu.memory_space<vmem>>
          %dma_start3A_552 = arith.constant 0 : i32
          %dma_start3A_553 = tpu.memref_slice %arg7[%add3A_535, %dma_start3A_552] : memref<250x80xi32, #tpu.memory_space<vmem>> -> memref<1x80xi32, #tpu.memory_space<vmem>>
          %dma_start3A_554 = tpu.memref_squeeze %dma_start3A_553 : memref<1x80xi32, #tpu.memory_space<vmem>> -> memref<80xi32, #tpu.memory_space<vmem>>
          %dma_start3A_555 = arith.constant 0 : i32
          %dma_start3A_556 = arith.constant 0 : i32
          %dma_start3A_557 = tpu.memref_slice %arg5[%dma_start3A_555, %dma_start3A_556] : memref<1000x64xf32, #tpu.memory_space<hbm>> -> memref<1000x64xf32, #tpu.memory_space<hbm>>
          %dma_start3A_558 = tpu.memref_slice %arg15[%dma_start3A_547] : memref<5x!tpu.dma_semaphore, #tpu.memory_space<semaphore_mem>> -> memref<1x!tpu.dma_semaphore, #tpu.memory_space<semaphore_mem>>
          %dma_start3A_559 = tpu.memref_squeeze %dma_start3A_558 : memref<1x!tpu.dma_semaphore, #tpu.memory_space<semaphore_mem>> -> memref<!tpu.dma_semaphore, #tpu.memory_space<semaphore_mem>>
          tpu.enqueue_indirect_dma source(%dma_start3A_557 : memref<1000x64xf32, #tpu.memory_space<hbm>>) target(%dma_start3A_551 : memref<80x64xf32, #tpu.memory_space<vmem>>) offsets(%dma_start3A_554 : memref<80xi32, #tpu.memory_space<vmem>>) semaphore(%dma_start3A_559 : memref<!tpu.dma_semaphore, #tpu.memory_space<semaphore_mem>>)
        } else {
        }
      } else {
      }
      %mul3A_357 = arith.constant 5 : i32
      %mul3A_358 = arith.muli %scan3A_241, %mul3A_357 : i32
      %add3A_359 = arith.constant 2 : i32
      %add3A_360 = arith.addi %mul3A_358, %add3A_359 : i32
      %dma_wait3A_361 = arith.constant 0 : i32
      %dma_wait3A_362 = arith.constant 2 : i32
      %dma_wait3A_363 = arith.constant 2 : i32
      %dma_wait3A_364 = arith.constant 0 : i32
      %dma_wait3A_365 = arith.constant 0 : i32
      %dma_wait3A_366 = tpu.memref_slice %arg9[%dma_wait3A_362, %dma_wait3A_364, %dma_wait3A_365] : memref<5x80x64xf32, #tpu.memory_space<vmem>> -> memref<1x80x64xf32, #tpu.memory_space<vmem>>
      %dma_wait3A_367 = tpu.memref_squeeze %dma_wait3A_366 : memref<1x80x64xf32, #tpu.memory_space<vmem>> -> memref<80x64xf32, #tpu.memory_space<vmem>>
      %dma_wait3A_368 = arith.constant 0 : i32
      %dma_wait3A_369 = tpu.memref_slice %arg7[%dma_wait3A_361, %dma_wait3A_368] : memref<250x80xi32, #tpu.memory_space<vmem>> -> memref<1x80xi32, #tpu.memory_space<vmem>>
      %dma_wait3A_370 = tpu.memref_squeeze %dma_wait3A_369 : memref<1x80xi32, #tpu.memory_space<vmem>> -> memref<80xi32, #tpu.memory_space<vmem>>
      %dma_wait3A_371 = arith.constant 0 : i32
      %dma_wait3A_372 = arith.constant 0 : i32
      %dma_wait3A_373 = tpu.memref_slice %arg4[%dma_wait3A_371, %dma_wait3A_372] : memref<1000x64xf32, #tpu.memory_space<hbm>> -> memref<1000x64xf32, #tpu.memory_space<hbm>>
      %dma_wait3A_374 = tpu.memref_slice %arg15[%dma_wait3A_363] : memref<5x!tpu.dma_semaphore, #tpu.memory_space<semaphore_mem>> -> memref<1x!tpu.dma_semaphore, #tpu.memory_space<semaphore_mem>>
      %dma_wait3A_375 = tpu.memref_squeeze %dma_wait3A_374 : memref<1x!tpu.dma_semaphore, #tpu.memory_space<semaphore_mem>> -> memref<!tpu.dma_semaphore, #tpu.memory_space<semaphore_mem>>
      tpu.wait_indirect_dma semaphore(%dma_wait3A_375 : memref<!tpu.dma_semaphore, #tpu.memory_space<semaphore_mem>>) src(%dma_wait3A_373 : memref<1000x64xf32, #tpu.memory_space<hbm>>) dst(%dma_wait3A_367 : memref<80x64xf32, #tpu.memory_space<vmem>>)
      %dma_start3A_376 = arith.constant 2 : i32
      %dma_start3A_377 = arith.constant 2 : i32
      %dma_start3A_378 = arith.constant 0 : i32
      %dma_start3A_379 = arith.constant 0 : i32
      %dma_start3A_380 = tpu.memref_slice %arg9[%dma_start3A_376, %dma_start3A_378, %dma_start3A_379] : memref<5x80x64xf32, #tpu.memory_space<vmem>> -> memref<1x80x64xf32, #tpu.memory_space<vmem>>
      %dma_start3A_381 = tpu.memref_squeeze %dma_start3A_380 : memref<1x80x64xf32, #tpu.memory_space<vmem>> -> memref<80x64xf32, #tpu.memory_space<vmem>>
      %dma_start3A_382 = arith.constant 0 : i32
      %dma_start3A_383 = tpu.memref_slice %arg8[%add3A_360, %dma_start3A_382] : memref<250x80xi32, #tpu.memory_space<vmem>> -> memref<1x80xi32, #tpu.memory_space<vmem>>
      %dma_start3A_384 = tpu.memref_squeeze %dma_start3A_383 : memref<1x80xi32, #tpu.memory_space<vmem>> -> memref<80xi32, #tpu.memory_space<vmem>>
      %dma_start3A_385 = arith.constant 0 : i32
      %dma_start3A_386 = arith.constant 0 : i32
      %dma_start3A_387 = tpu.memref_slice %arg13[%dma_start3A_385, %dma_start3A_386] : memref<10000x64xf32, #tpu.memory_space<vmem_shared>> -> memref<10000x64xf32, #tpu.memory_space<vmem_shared>>
      %dma_start3A_388 = tpu.memref_slice %arg16[%dma_start3A_377] : memref<5x!tpu.dma_semaphore, #tpu.memory_space<semaphore_mem>> -> memref<1x!tpu.dma_semaphore, #tpu.memory_space<semaphore_mem>>
      %dma_start3A_389 = tpu.memref_squeeze %dma_start3A_388 : memref<1x!tpu.dma_semaphore, #tpu.memory_space<semaphore_mem>> -> memref<!tpu.dma_semaphore, #tpu.memory_space<semaphore_mem>>
      tpu.enqueue_indirect_dma source(%dma_start3A_381 : memref<80x64xf32, #tpu.memory_space<vmem>>) target(%dma_start3A_387 : memref<10000x64xf32, #tpu.memory_space<vmem_shared>>) offsets(%dma_start3A_384 : memref<80xi32, #tpu.memory_space<vmem>>) semaphore(%dma_start3A_389 : memref<!tpu.dma_semaphore, #tpu.memory_space<semaphore_mem>>) {add = true}
      %ge3A_390 = arith.constant 5 : i32
      %ge3A_391 = arith.cmpi sge, %add3A_360, %ge3A_390 : i32
      %convert_element_type3A_392 = arith.extui %ge3A_391 : i1 to i32
      %cond3A_393 = arith.constant 0 : i32
      %cond3A_394 = arith.cmpi ne, %convert_element_type3A_392, %cond3A_393 : i32
      scf.if %cond3A_394 {
        %dma_wait3A_534 = arith.constant 0 : i32
        %dma_wait3A_535 = arith.constant 2 : i32
        %dma_wait3A_536 = arith.constant 0 : i32
        %dma_wait3A_537 = tpu.memref_slice %arg8[%dma_wait3A_534, %dma_wait3A_536] : memref<250x80xi32, #tpu.memory_space<vmem>> -> memref<1x80xi32, #tpu.memory_space<vmem>>
        %dma_wait3A_538 = tpu.memref_squeeze %dma_wait3A_537 : memref<1x80xi32, #tpu.memory_space<vmem>> -> memref<80xi32, #tpu.memory_space<vmem>>
        %dma_wait3A_539 = arith.constant 0 : i32
        %dma_wait3A_540 = arith.constant 0 : i32
        %dma_wait3A_541 = tpu.memref_slice %arg14[%dma_wait3A_539, %dma_wait3A_540] : memref<10000x16xf32, #tpu.memory_space<vmem_shared>> -> memref<10000x16xf32, #tpu.memory_space<vmem_shared>>
        %dma_wait3A_542 = tpu.memref_slice %arg17[%dma_wait3A_535] : memref<5x!tpu.dma_semaphore, #tpu.memory_space<semaphore_mem>> -> memref<1x!tpu.dma_semaphore, #tpu.memory_space<semaphore_mem>>
        %dma_wait3A_543 = tpu.memref_squeeze %dma_wait3A_542 : memref<1x!tpu.dma_semaphore, #tpu.memory_space<semaphore_mem>> -> memref<!tpu.dma_semaphore, #tpu.memory_space<semaphore_mem>>
        tpu.wait_indirect_dma semaphore(%dma_wait3A_543 : memref<!tpu.dma_semaphore, #tpu.memory_space<semaphore_mem>>) src(%arg12 : memref<80x16xf32, #tpu.memory_space<vmem>>) dst(%dma_wait3A_541 : memref<10000x16xf32, #tpu.memory_space<vmem_shared>>)
      } else {
      }
      %dma_start3A_395 = arith.constant 2 : i32
      %dma_start3A_396 = arith.constant 0 : i32
      %dma_start3A_397 = tpu.memref_slice %arg8[%add3A_360, %dma_start3A_396] : memref<250x80xi32, #tpu.memory_space<vmem>> -> memref<1x80xi32, #tpu.memory_space<vmem>>
      %dma_start3A_398 = tpu.memref_squeeze %dma_start3A_397 : memref<1x80xi32, #tpu.memory_space<vmem>> -> memref<80xi32, #tpu.memory_space<vmem>>
      %dma_start3A_399 = arith.constant 0 : i32
      %dma_start3A_400 = arith.constant 0 : i32
      %dma_start3A_401 = tpu.memref_slice %arg14[%dma_start3A_399, %dma_start3A_400] : memref<10000x16xf32, #tpu.memory_space<vmem_shared>> -> memref<10000x16xf32, #tpu.memory_space<vmem_shared>>
      %dma_start3A_402 = tpu.memref_slice %arg17[%dma_start3A_395] : memref<5x!tpu.dma_semaphore, #tpu.memory_space<semaphore_mem>> -> memref<1x!tpu.dma_semaphore, #tpu.memory_space<semaphore_mem>>
      %dma_start3A_403 = tpu.memref_squeeze %dma_start3A_402 : memref<1x!tpu.dma_semaphore, #tpu.memory_space<semaphore_mem>> -> memref<!tpu.dma_semaphore, #tpu.memory_space<semaphore_mem>>
      tpu.enqueue_indirect_dma source(%arg12 : memref<80x16xf32, #tpu.memory_space<vmem>>) target(%dma_start3A_401 : memref<10000x16xf32, #tpu.memory_space<vmem_shared>>) offsets(%dma_start3A_398 : memref<80xi32, #tpu.memory_space<vmem>>) semaphore(%dma_start3A_403 : memref<!tpu.dma_semaphore, #tpu.memory_space<semaphore_mem>>) {add = true}
      %ge3A_404 = arith.constant 2 : i32
      %ge3A_405 = arith.cmpi sge, %add3A_360, %ge3A_404 : i32
      %convert_element_type3A_406 = arith.extui %ge3A_405 : i1 to i32
      %cond3A_407 = arith.constant 0 : i32
      %cond3A_408 = arith.cmpi ne, %convert_element_type3A_406, %cond3A_407 : i32
      scf.if %cond3A_408 {
        %dma_wait3A_534 = arith.constant 0 : i32
        %dma_wait3A_535 = arith.constant 0 : i32
        %dma_wait3A_536 = arith.constant 0 : i32
        %dma_wait3A_537 = arith.constant 0 : i32
        %dma_wait3A_538 = arith.constant 0 : i32
        %dma_wait3A_539 = tpu.memref_slice %arg9[%dma_wait3A_534, %dma_wait3A_537, %dma_wait3A_538] : memref<5x80x64xf32, #tpu.memory_space<vmem>> -> memref<1x80x64xf32, #tpu.memory_space<vmem>>
        %dma_wait3A_540 = tpu.memref_squeeze %dma_wait3A_539 : memref<1x80x64xf32, #tpu.memory_space<vmem>> -> memref<80x64xf32, #tpu.memory_space<vmem>>
        %dma_wait3A_541 = arith.constant 0 : i32
        %dma_wait3A_542 = tpu.memref_slice %arg8[%dma_wait3A_535, %dma_wait3A_541] : memref<250x80xi32, #tpu.memory_space<vmem>> -> memref<1x80xi32, #tpu.memory_space<vmem>>
        %dma_wait3A_543 = tpu.memref_squeeze %dma_wait3A_542 : memref<1x80xi32, #tpu.memory_space<vmem>> -> memref<80xi32, #tpu.memory_space<vmem>>
        %dma_wait3A_544 = arith.constant 0 : i32
        %dma_wait3A_545 = arith.constant 0 : i32
        %dma_wait3A_546 = tpu.memref_slice %arg13[%dma_wait3A_544, %dma_wait3A_545] : memref<10000x64xf32, #tpu.memory_space<vmem_shared>> -> memref<10000x64xf32, #tpu.memory_space<vmem_shared>>
        %dma_wait3A_547 = tpu.memref_slice %arg16[%dma_wait3A_536] : memref<5x!tpu.dma_semaphore, #tpu.memory_space<semaphore_mem>> -> memref<1x!tpu.dma_semaphore, #tpu.memory_space<semaphore_mem>>
        %dma_wait3A_548 = tpu.memref_squeeze %dma_wait3A_547 : memref<1x!tpu.dma_semaphore, #tpu.memory_space<semaphore_mem>> -> memref<!tpu.dma_semaphore, #tpu.memory_space<semaphore_mem>>
        tpu.wait_indirect_dma semaphore(%dma_wait3A_548 : memref<!tpu.dma_semaphore, #tpu.memory_space<semaphore_mem>>) src(%dma_wait3A_540 : memref<80x64xf32, #tpu.memory_space<vmem>>) dst(%dma_wait3A_546 : memref<10000x64xf32, #tpu.memory_space<vmem_shared>>)
      } else {
      }
      %add3A_409 = arith.constant 3 : i32
      %add3A_410 = arith.addi %add3A_360, %add3A_409 : i32
      %lt3A_411 = arith.constant 250 : i32
      %lt3A_412 = arith.cmpi slt, %add3A_410, %lt3A_411 : i32
      %convert_element_type3A_413 = arith.extui %lt3A_412 : i1 to i32
      %cond3A_414 = arith.constant 0 : i32
      %cond3A_415 = arith.cmpi ne, %convert_element_type3A_413, %cond3A_414 : i32
      scf.if %cond3A_415 {
        %add3A_534 = arith.constant 3 : i32
        %add3A_535 = arith.addi %add3A_360, %add3A_534 : i32
        %eq3A_536 = arith.constant 0 : i32
        %eq3A_537 = arith.cmpi eq, %arg0, %eq3A_536 : i32
        %convert_element_type3A_538 = arith.extui %eq3A_537 : i1 to i32
        %cond3A_539 = arith.constant 0 : i32
        %cond3A_540 = arith.cmpi ne, %convert_element_type3A_538, %cond3A_539 : i32
        scf.if %cond3A_540 {
          %dma_start3A_546 = arith.constant 0 : i32
          %dma_start3A_547 = arith.constant 0 : i32
          %dma_start3A_548 = arith.constant 0 : i32
          %dma_start3A_549 = arith.constant 0 : i32
          %dma_start3A_550 = tpu.memref_slice %arg9[%dma_start3A_546, %dma_start3A_548, %dma_start3A_549] : memref<5x80x64xf32, #tpu.memory_space<vmem>> -> memref<1x80x64xf32, #tpu.memory_space<vmem>>
          %dma_start3A_551 = tpu.memref_squeeze %dma_start3A_550 : memref<1x80x64xf32, #tpu.memory_space<vmem>> -> memref<80x64xf32, #tpu.memory_space<vmem>>
          %dma_start3A_552 = arith.constant 0 : i32
          %dma_start3A_553 = tpu.memref_slice %arg7[%add3A_535, %dma_start3A_552] : memref<250x80xi32, #tpu.memory_space<vmem>> -> memref<1x80xi32, #tpu.memory_space<vmem>>
          %dma_start3A_554 = tpu.memref_squeeze %dma_start3A_553 : memref<1x80xi32, #tpu.memory_space<vmem>> -> memref<80xi32, #tpu.memory_space<vmem>>
          %dma_start3A_555 = arith.constant 0 : i32
          %dma_start3A_556 = arith.constant 0 : i32
          %dma_start3A_557 = tpu.memref_slice %arg4[%dma_start3A_555, %dma_start3A_556] : memref<1000x64xf32, #tpu.memory_space<hbm>> -> memref<1000x64xf32, #tpu.memory_space<hbm>>
          %dma_start3A_558 = tpu.memref_slice %arg15[%dma_start3A_547] : memref<5x!tpu.dma_semaphore, #tpu.memory_space<semaphore_mem>> -> memref<1x!tpu.dma_semaphore, #tpu.memory_space<semaphore_mem>>
          %dma_start3A_559 = tpu.memref_squeeze %dma_start3A_558 : memref<1x!tpu.dma_semaphore, #tpu.memory_space<semaphore_mem>> -> memref<!tpu.dma_semaphore, #tpu.memory_space<semaphore_mem>>
          tpu.enqueue_indirect_dma source(%dma_start3A_557 : memref<1000x64xf32, #tpu.memory_space<hbm>>) target(%dma_start3A_551 : memref<80x64xf32, #tpu.memory_space<vmem>>) offsets(%dma_start3A_554 : memref<80xi32, #tpu.memory_space<vmem>>) semaphore(%dma_start3A_559 : memref<!tpu.dma_semaphore, #tpu.memory_space<semaphore_mem>>)
        } else {
        }
        %eq3A_541 = arith.constant 1 : i32
        %eq3A_542 = arith.cmpi eq, %arg0, %eq3A_541 : i32
        %convert_element_type3A_543 = arith.extui %eq3A_542 : i1 to i32
        %cond3A_544 = arith.constant 0 : i32
        %cond3A_545 = arith.cmpi ne, %convert_element_type3A_543, %cond3A_544 : i32
        scf.if %cond3A_545 {
          %dma_start3A_546 = arith.constant 0 : i32
          %dma_start3A_547 = arith.constant 0 : i32
          %dma_start3A_548 = arith.constant 0 : i32
          %dma_start3A_549 = arith.constant 0 : i32
          %dma_start3A_550 = tpu.memref_slice %arg9[%dma_start3A_546, %dma_start3A_548, %dma_start3A_549] : memref<5x80x64xf32, #tpu.memory_space<vmem>> -> memref<1x80x64xf32, #tpu.memory_space<vmem>>
          %dma_start3A_551 = tpu.memref_squeeze %dma_start3A_550 : memref<1x80x64xf32, #tpu.memory_space<vmem>> -> memref<80x64xf32, #tpu.memory_space<vmem>>
          %dma_start3A_552 = arith.constant 0 : i32
          %dma_start3A_553 = tpu.memref_slice %arg7[%add3A_535, %dma_start3A_552] : memref<250x80xi32, #tpu.memory_space<vmem>> -> memref<1x80xi32, #tpu.memory_space<vmem>>
          %dma_start3A_554 = tpu.memref_squeeze %dma_start3A_553 : memref<1x80xi32, #tpu.memory_space<vmem>> -> memref<80xi32, #tpu.memory_space<vmem>>
          %dma_start3A_555 = arith.constant 0 : i32
          %dma_start3A_556 = arith.constant 0 : i32
          %dma_start3A_557 = tpu.memref_slice %arg5[%dma_start3A_555, %dma_start3A_556] : memref<1000x64xf32, #tpu.memory_space<hbm>> -> memref<1000x64xf32, #tpu.memory_space<hbm>>
          %dma_start3A_558 = tpu.memref_slice %arg15[%dma_start3A_547] : memref<5x!tpu.dma_semaphore, #tpu.memory_space<semaphore_mem>> -> memref<1x!tpu.dma_semaphore, #tpu.memory_space<semaphore_mem>>
          %dma_start3A_559 = tpu.memref_squeeze %dma_start3A_558 : memref<1x!tpu.dma_semaphore, #tpu.memory_space<semaphore_mem>> -> memref<!tpu.dma_semaphore, #tpu.memory_space<semaphore_mem>>
          tpu.enqueue_indirect_dma source(%dma_start3A_557 : memref<1000x64xf32, #tpu.memory_space<hbm>>) target(%dma_start3A_551 : memref<80x64xf32, #tpu.memory_space<vmem>>) offsets(%dma_start3A_554 : memref<80xi32, #tpu.memory_space<vmem>>) semaphore(%dma_start3A_559 : memref<!tpu.dma_semaphore, #tpu.memory_space<semaphore_mem>>)
        } else {
        }
      } else {
      }
      %mul3A_416 = arith.constant 5 : i32
      %mul3A_417 = arith.muli %scan3A_241, %mul3A_416 : i32
      %add3A_418 = arith.constant 3 : i32
      %add3A_419 = arith.addi %mul3A_417, %add3A_418 : i32
      %dma_wait3A_420 = arith.constant 0 : i32
      %dma_wait3A_421 = arith.constant 3 : i32
      %dma_wait3A_422 = arith.constant 3 : i32
      %dma_wait3A_423 = arith.constant 0 : i32
      %dma_wait3A_424 = arith.constant 0 : i32
      %dma_wait3A_425 = tpu.memref_slice %arg9[%dma_wait3A_421, %dma_wait3A_423, %dma_wait3A_424] : memref<5x80x64xf32, #tpu.memory_space<vmem>> -> memref<1x80x64xf32, #tpu.memory_space<vmem>>
      %dma_wait3A_426 = tpu.memref_squeeze %dma_wait3A_425 : memref<1x80x64xf32, #tpu.memory_space<vmem>> -> memref<80x64xf32, #tpu.memory_space<vmem>>
      %dma_wait3A_427 = arith.constant 0 : i32
      %dma_wait3A_428 = tpu.memref_slice %arg7[%dma_wait3A_420, %dma_wait3A_427] : memref<250x80xi32, #tpu.memory_space<vmem>> -> memref<1x80xi32, #tpu.memory_space<vmem>>
      %dma_wait3A_429 = tpu.memref_squeeze %dma_wait3A_428 : memref<1x80xi32, #tpu.memory_space<vmem>> -> memref<80xi32, #tpu.memory_space<vmem>>
      %dma_wait3A_430 = arith.constant 0 : i32
      %dma_wait3A_431 = arith.constant 0 : i32
      %dma_wait3A_432 = tpu.memref_slice %arg4[%dma_wait3A_430, %dma_wait3A_431] : memref<1000x64xf32, #tpu.memory_space<hbm>> -> memref<1000x64xf32, #tpu.memory_space<hbm>>
      %dma_wait3A_433 = tpu.memref_slice %arg15[%dma_wait3A_422] : memref<5x!tpu.dma_semaphore, #tpu.memory_space<semaphore_mem>> -> memref<1x!tpu.dma_semaphore, #tpu.memory_space<semaphore_mem>>
      %dma_wait3A_434 = tpu.memref_squeeze %dma_wait3A_433 : memref<1x!tpu.dma_semaphore, #tpu.memory_space<semaphore_mem>> -> memref<!tpu.dma_semaphore, #tpu.memory_space<semaphore_mem>>
      tpu.wait_indirect_dma semaphore(%dma_wait3A_434 : memref<!tpu.dma_semaphore, #tpu.memory_space<semaphore_mem>>) src(%dma_wait3A_432 : memref<1000x64xf32, #tpu.memory_space<hbm>>) dst(%dma_wait3A_426 : memref<80x64xf32, #tpu.memory_space<vmem>>)
      %dma_start3A_435 = arith.constant 3 : i32
      %dma_start3A_436 = arith.constant 3 : i32
      %dma_start3A_437 = arith.constant 0 : i32
      %dma_start3A_438 = arith.constant 0 : i32
      %dma_start3A_439 = tpu.memref_slice %arg9[%dma_start3A_435, %dma_start3A_437, %dma_start3A_438] : memref<5x80x64xf32, #tpu.memory_space<vmem>> -> memref<1x80x64xf32, #tpu.memory_space<vmem>>
      %dma_start3A_440 = tpu.memref_squeeze %dma_start3A_439 : memref<1x80x64xf32, #tpu.memory_space<vmem>> -> memref<80x64xf32, #tpu.memory_space<vmem>>
      %dma_start3A_441 = arith.constant 0 : i32
      %dma_start3A_442 = tpu.memref_slice %arg8[%add3A_419, %dma_start3A_441] : memref<250x80xi32, #tpu.memory_space<vmem>> -> memref<1x80xi32, #tpu.memory_space<vmem>>
      %dma_start3A_443 = tpu.memref_squeeze %dma_start3A_442 : memref<1x80xi32, #tpu.memory_space<vmem>> -> memref<80xi32, #tpu.memory_space<vmem>>
      %dma_start3A_444 = arith.constant 0 : i32
      %dma_start3A_445 = arith.constant 0 : i32
      %dma_start3A_446 = tpu.memref_slice %arg13[%dma_start3A_444, %dma_start3A_445] : memref<10000x64xf32, #tpu.memory_space<vmem_shared>> -> memref<10000x64xf32, #tpu.memory_space<vmem_shared>>
      %dma_start3A_447 = tpu.memref_slice %arg16[%dma_start3A_436] : memref<5x!tpu.dma_semaphore, #tpu.memory_space<semaphore_mem>> -> memref<1x!tpu.dma_semaphore, #tpu.memory_space<semaphore_mem>>
      %dma_start3A_448 = tpu.memref_squeeze %dma_start3A_447 : memref<1x!tpu.dma_semaphore, #tpu.memory_space<semaphore_mem>> -> memref<!tpu.dma_semaphore, #tpu.memory_space<semaphore_mem>>
      tpu.enqueue_indirect_dma source(%dma_start3A_440 : memref<80x64xf32, #tpu.memory_space<vmem>>) target(%dma_start3A_446 : memref<10000x64xf32, #tpu.memory_space<vmem_shared>>) offsets(%dma_start3A_443 : memref<80xi32, #tpu.memory_space<vmem>>) semaphore(%dma_start3A_448 : memref<!tpu.dma_semaphore, #tpu.memory_space<semaphore_mem>>) {add = true}
      %ge3A_449 = arith.constant 5 : i32
      %ge3A_450 = arith.cmpi sge, %add3A_419, %ge3A_449 : i32
      %convert_element_type3A_451 = arith.extui %ge3A_450 : i1 to i32
      %cond3A_452 = arith.constant 0 : i32
      %cond3A_453 = arith.cmpi ne, %convert_element_type3A_451, %cond3A_452 : i32
      scf.if %cond3A_453 {
        %dma_wait3A_534 = arith.constant 0 : i32
        %dma_wait3A_535 = arith.constant 3 : i32
        %dma_wait3A_536 = arith.constant 0 : i32
        %dma_wait3A_537 = tpu.memref_slice %arg8[%dma_wait3A_534, %dma_wait3A_536] : memref<250x80xi32, #tpu.memory_space<vmem>> -> memref<1x80xi32, #tpu.memory_space<vmem>>
        %dma_wait3A_538 = tpu.memref_squeeze %dma_wait3A_537 : memref<1x80xi32, #tpu.memory_space<vmem>> -> memref<80xi32, #tpu.memory_space<vmem>>
        %dma_wait3A_539 = arith.constant 0 : i32
        %dma_wait3A_540 = arith.constant 0 : i32
        %dma_wait3A_541 = tpu.memref_slice %arg14[%dma_wait3A_539, %dma_wait3A_540] : memref<10000x16xf32, #tpu.memory_space<vmem_shared>> -> memref<10000x16xf32, #tpu.memory_space<vmem_shared>>
        %dma_wait3A_542 = tpu.memref_slice %arg17[%dma_wait3A_535] : memref<5x!tpu.dma_semaphore, #tpu.memory_space<semaphore_mem>> -> memref<1x!tpu.dma_semaphore, #tpu.memory_space<semaphore_mem>>
        %dma_wait3A_543 = tpu.memref_squeeze %dma_wait3A_542 : memref<1x!tpu.dma_semaphore, #tpu.memory_space<semaphore_mem>> -> memref<!tpu.dma_semaphore, #tpu.memory_space<semaphore_mem>>
        tpu.wait_indirect_dma semaphore(%dma_wait3A_543 : memref<!tpu.dma_semaphore, #tpu.memory_space<semaphore_mem>>) src(%arg12 : memref<80x16xf32, #tpu.memory_space<vmem>>) dst(%dma_wait3A_541 : memref<10000x16xf32, #tpu.memory_space<vmem_shared>>)
      } else {
      }
      %dma_start3A_454 = arith.constant 3 : i32
      %dma_start3A_455 = arith.constant 0 : i32
      %dma_start3A_456 = tpu.memref_slice %arg8[%add3A_419, %dma_start3A_455] : memref<250x80xi32, #tpu.memory_space<vmem>> -> memref<1x80xi32, #tpu.memory_space<vmem>>
      %dma_start3A_457 = tpu.memref_squeeze %dma_start3A_456 : memref<1x80xi32, #tpu.memory_space<vmem>> -> memref<80xi32, #tpu.memory_space<vmem>>
      %dma_start3A_458 = arith.constant 0 : i32
      %dma_start3A_459 = arith.constant 0 : i32
      %dma_start3A_460 = tpu.memref_slice %arg14[%dma_start3A_458, %dma_start3A_459] : memref<10000x16xf32, #tpu.memory_space<vmem_shared>> -> memref<10000x16xf32, #tpu.memory_space<vmem_shared>>
      %dma_start3A_461 = tpu.memref_slice %arg17[%dma_start3A_454] : memref<5x!tpu.dma_semaphore, #tpu.memory_space<semaphore_mem>> -> memref<1x!tpu.dma_semaphore, #tpu.memory_space<semaphore_mem>>
      %dma_start3A_462 = tpu.memref_squeeze %dma_start3A_461 : memref<1x!tpu.dma_semaphore, #tpu.memory_space<semaphore_mem>> -> memref<!tpu.dma_semaphore, #tpu.memory_space<semaphore_mem>>
      tpu.enqueue_indirect_dma source(%arg12 : memref<80x16xf32, #tpu.memory_space<vmem>>) target(%dma_start3A_460 : memref<10000x16xf32, #tpu.memory_space<vmem_shared>>) offsets(%dma_start3A_457 : memref<80xi32, #tpu.memory_space<vmem>>) semaphore(%dma_start3A_462 : memref<!tpu.dma_semaphore, #tpu.memory_space<semaphore_mem>>) {add = true}
      %ge3A_463 = arith.constant 2 : i32
      %ge3A_464 = arith.cmpi sge, %add3A_419, %ge3A_463 : i32
      %convert_element_type3A_465 = arith.extui %ge3A_464 : i1 to i32
      %cond3A_466 = arith.constant 0 : i32
      %cond3A_467 = arith.cmpi ne, %convert_element_type3A_465, %cond3A_466 : i32
      scf.if %cond3A_467 {
        %dma_wait3A_534 = arith.constant 1 : i32
        %dma_wait3A_535 = arith.constant 0 : i32
        %dma_wait3A_536 = arith.constant 1 : i32
        %dma_wait3A_537 = arith.constant 0 : i32
        %dma_wait3A_538 = arith.constant 0 : i32
        %dma_wait3A_539 = tpu.memref_slice %arg9[%dma_wait3A_534, %dma_wait3A_537, %dma_wait3A_538] : memref<5x80x64xf32, #tpu.memory_space<vmem>> -> memref<1x80x64xf32, #tpu.memory_space<vmem>>
        %dma_wait3A_540 = tpu.memref_squeeze %dma_wait3A_539 : memref<1x80x64xf32, #tpu.memory_space<vmem>> -> memref<80x64xf32, #tpu.memory_space<vmem>>
        %dma_wait3A_541 = arith.constant 0 : i32
        %dma_wait3A_542 = tpu.memref_slice %arg8[%dma_wait3A_535, %dma_wait3A_541] : memref<250x80xi32, #tpu.memory_space<vmem>> -> memref<1x80xi32, #tpu.memory_space<vmem>>
        %dma_wait3A_543 = tpu.memref_squeeze %dma_wait3A_542 : memref<1x80xi32, #tpu.memory_space<vmem>> -> memref<80xi32, #tpu.memory_space<vmem>>
        %dma_wait3A_544 = arith.constant 0 : i32
        %dma_wait3A_545 = arith.constant 0 : i32
        %dma_wait3A_546 = tpu.memref_slice %arg13[%dma_wait3A_544, %dma_wait3A_545] : memref<10000x64xf32, #tpu.memory_space<vmem_shared>> -> memref<10000x64xf32, #tpu.memory_space<vmem_shared>>
        %dma_wait3A_547 = tpu.memref_slice %arg16[%dma_wait3A_536] : memref<5x!tpu.dma_semaphore, #tpu.memory_space<semaphore_mem>> -> memref<1x!tpu.dma_semaphore, #tpu.memory_space<semaphore_mem>>
        %dma_wait3A_548 = tpu.memref_squeeze %dma_wait3A_547 : memref<1x!tpu.dma_semaphore, #tpu.memory_space<semaphore_mem>> -> memref<!tpu.dma_semaphore, #tpu.memory_space<semaphore_mem>>
        tpu.wait_indirect_dma semaphore(%dma_wait3A_548 : memref<!tpu.dma_semaphore, #tpu.memory_space<semaphore_mem>>) src(%dma_wait3A_540 : memref<80x64xf32, #tpu.memory_space<vmem>>) dst(%dma_wait3A_546 : memref<10000x64xf32, #tpu.memory_space<vmem_shared>>)
      } else {
      }
      %add3A_468 = arith.constant 3 : i32
      %add3A_469 = arith.addi %add3A_419, %add3A_468 : i32
      %lt3A_470 = arith.constant 250 : i32
      %lt3A_471 = arith.cmpi slt, %add3A_469, %lt3A_470 : i32
      %convert_element_type3A_472 = arith.extui %lt3A_471 : i1 to i32
      %cond3A_473 = arith.constant 0 : i32
      %cond3A_474 = arith.cmpi ne, %convert_element_type3A_472, %cond3A_473 : i32
      scf.if %cond3A_474 {
        %add3A_534 = arith.constant 3 : i32
        %add3A_535 = arith.addi %add3A_419, %add3A_534 : i32
        %eq3A_536 = arith.constant 0 : i32
        %eq3A_537 = arith.cmpi eq, %arg0, %eq3A_536 : i32
        %convert_element_type3A_538 = arith.extui %eq3A_537 : i1 to i32
        %cond3A_539 = arith.constant 0 : i32
        %cond3A_540 = arith.cmpi ne, %convert_element_type3A_538, %cond3A_539 : i32
        scf.if %cond3A_540 {
          %dma_start3A_546 = arith.constant 1 : i32
          %dma_start3A_547 = arith.constant 1 : i32
          %dma_start3A_548 = arith.constant 0 : i32
          %dma_start3A_549 = arith.constant 0 : i32
          %dma_start3A_550 = tpu.memref_slice %arg9[%dma_start3A_546, %dma_start3A_548, %dma_start3A_549] : memref<5x80x64xf32, #tpu.memory_space<vmem>> -> memref<1x80x64xf32, #tpu.memory_space<vmem>>
          %dma_start3A_551 = tpu.memref_squeeze %dma_start3A_550 : memref<1x80x64xf32, #tpu.memory_space<vmem>> -> memref<80x64xf32, #tpu.memory_space<vmem>>
          %dma_start3A_552 = arith.constant 0 : i32
          %dma_start3A_553 = tpu.memref_slice %arg7[%add3A_535, %dma_start3A_552] : memref<250x80xi32, #tpu.memory_space<vmem>> -> memref<1x80xi32, #tpu.memory_space<vmem>>
          %dma_start3A_554 = tpu.memref_squeeze %dma_start3A_553 : memref<1x80xi32, #tpu.memory_space<vmem>> -> memref<80xi32, #tpu.memory_space<vmem>>
          %dma_start3A_555 = arith.constant 0 : i32
          %dma_start3A_556 = arith.constant 0 : i32
          %dma_start3A_557 = tpu.memref_slice %arg4[%dma_start3A_555, %dma_start3A_556] : memref<1000x64xf32, #tpu.memory_space<hbm>> -> memref<1000x64xf32, #tpu.memory_space<hbm>>
          %dma_start3A_558 = tpu.memref_slice %arg15[%dma_start3A_547] : memref<5x!tpu.dma_semaphore, #tpu.memory_space<semaphore_mem>> -> memref<1x!tpu.dma_semaphore, #tpu.memory_space<semaphore_mem>>
          %dma_start3A_559 = tpu.memref_squeeze %dma_start3A_558 : memref<1x!tpu.dma_semaphore, #tpu.memory_space<semaphore_mem>> -> memref<!tpu.dma_semaphore, #tpu.memory_space<semaphore_mem>>
          tpu.enqueue_indirect_dma source(%dma_start3A_557 : memref<1000x64xf32, #tpu.memory_space<hbm>>) target(%dma_start3A_551 : memref<80x64xf32, #tpu.memory_space<vmem>>) offsets(%dma_start3A_554 : memref<80xi32, #tpu.memory_space<vmem>>) semaphore(%dma_start3A_559 : memref<!tpu.dma_semaphore, #tpu.memory_space<semaphore_mem>>)
        } else {
        }
        %eq3A_541 = arith.constant 1 : i32
        %eq3A_542 = arith.cmpi eq, %arg0, %eq3A_541 : i32
        %convert_element_type3A_543 = arith.extui %eq3A_542 : i1 to i32
        %cond3A_544 = arith.constant 0 : i32
        %cond3A_545 = arith.cmpi ne, %convert_element_type3A_543, %cond3A_544 : i32
        scf.if %cond3A_545 {
          %dma_start3A_546 = arith.constant 1 : i32
          %dma_start3A_547 = arith.constant 1 : i32
          %dma_start3A_548 = arith.constant 0 : i32
          %dma_start3A_549 = arith.constant 0 : i32
          %dma_start3A_550 = tpu.memref_slice %arg9[%dma_start3A_546, %dma_start3A_548, %dma_start3A_549] : memref<5x80x64xf32, #tpu.memory_space<vmem>> -> memref<1x80x64xf32, #tpu.memory_space<vmem>>
          %dma_start3A_551 = tpu.memref_squeeze %dma_start3A_550 : memref<1x80x64xf32, #tpu.memory_space<vmem>> -> memref<80x64xf32, #tpu.memory_space<vmem>>
          %dma_start3A_552 = arith.constant 0 : i32
          %dma_start3A_553 = tpu.memref_slice %arg7[%add3A_535, %dma_start3A_552] : memref<250x80xi32, #tpu.memory_space<vmem>> -> memref<1x80xi32, #tpu.memory_space<vmem>>
          %dma_start3A_554 = tpu.memref_squeeze %dma_start3A_553 : memref<1x80xi32, #tpu.memory_space<vmem>> -> memref<80xi32, #tpu.memory_space<vmem>>
          %dma_start3A_555 = arith.constant 0 : i32
          %dma_start3A_556 = arith.constant 0 : i32
          %dma_start3A_557 = tpu.memref_slice %arg5[%dma_start3A_555, %dma_start3A_556] : memref<1000x64xf32, #tpu.memory_space<hbm>> -> memref<1000x64xf32, #tpu.memory_space<hbm>>
          %dma_start3A_558 = tpu.memref_slice %arg15[%dma_start3A_547] : memref<5x!tpu.dma_semaphore, #tpu.memory_space<semaphore_mem>> -> memref<1x!tpu.dma_semaphore, #tpu.memory_space<semaphore_mem>>
          %dma_start3A_559 = tpu.memref_squeeze %dma_start3A_558 : memref<1x!tpu.dma_semaphore, #tpu.memory_space<semaphore_mem>> -> memref<!tpu.dma_semaphore, #tpu.memory_space<semaphore_mem>>
          tpu.enqueue_indirect_dma source(%dma_start3A_557 : memref<1000x64xf32, #tpu.memory_space<hbm>>) target(%dma_start3A_551 : memref<80x64xf32, #tpu.memory_space<vmem>>) offsets(%dma_start3A_554 : memref<80xi32, #tpu.memory_space<vmem>>) semaphore(%dma_start3A_559 : memref<!tpu.dma_semaphore, #tpu.memory_space<semaphore_mem>>)
        } else {
        }
      } else {
      }
      %mul3A_475 = arith.constant 5 : i32
      %mul3A_476 = arith.muli %scan3A_241, %mul3A_475 : i32
      %add3A_477 = arith.constant 4 : i32
      %add3A_478 = arith.addi %mul3A_476, %add3A_477 : i32
      %dma_wait3A_479 = arith.constant 0 : i32
      %dma_wait3A_480 = arith.constant 4 : i32
      %dma_wait3A_481 = arith.constant 4 : i32
      %dma_wait3A_482 = arith.constant 0 : i32
      %dma_wait3A_483 = arith.constant 0 : i32
      %dma_wait3A_484 = tpu.memref_slice %arg9[%dma_wait3A_480, %dma_wait3A_482, %dma_wait3A_483] : memref<5x80x64xf32, #tpu.memory_space<vmem>> -> memref<1x80x64xf32, #tpu.memory_space<vmem>>
      %dma_wait3A_485 = tpu.memref_squeeze %dma_wait3A_484 : memref<1x80x64xf32, #tpu.memory_space<vmem>> -> memref<80x64xf32, #tpu.memory_space<vmem>>
      %dma_wait3A_486 = arith.constant 0 : i32
      %dma_wait3A_487 = tpu.memref_slice %arg7[%dma_wait3A_479, %dma_wait3A_486] : memref<250x80xi32, #tpu.memory_space<vmem>> -> memref<1x80xi32, #tpu.memory_space<vmem>>
      %dma_wait3A_488 = tpu.memref_squeeze %dma_wait3A_487 : memref<1x80xi32, #tpu.memory_space<vmem>> -> memref<80xi32, #tpu.memory_space<vmem>>
      %dma_wait3A_489 = arith.constant 0 : i32
      %dma_wait3A_490 = arith.constant 0 : i32
      %dma_wait3A_491 = tpu.memref_slice %arg4[%dma_wait3A_489, %dma_wait3A_490] : memref<1000x64xf32, #tpu.memory_space<hbm>> -> memref<1000x64xf32, #tpu.memory_space<hbm>>
      %dma_wait3A_492 = tpu.memref_slice %arg15[%dma_wait3A_481] : memref<5x!tpu.dma_semaphore, #tpu.memory_space<semaphore_mem>> -> memref<1x!tpu.dma_semaphore, #tpu.memory_space<semaphore_mem>>
      %dma_wait3A_493 = tpu.memref_squeeze %dma_wait3A_492 : memref<1x!tpu.dma_semaphore, #tpu.memory_space<semaphore_mem>> -> memref<!tpu.dma_semaphore, #tpu.memory_space<semaphore_mem>>
      tpu.wait_indirect_dma semaphore(%dma_wait3A_493 : memref<!tpu.dma_semaphore, #tpu.memory_space<semaphore_mem>>) src(%dma_wait3A_491 : memref<1000x64xf32, #tpu.memory_space<hbm>>) dst(%dma_wait3A_485 : memref<80x64xf32, #tpu.memory_space<vmem>>)
      %dma_start3A_494 = arith.constant 4 : i32
      %dma_start3A_495 = arith.constant 4 : i32
      %dma_start3A_496 = arith.constant 0 : i32
      %dma_start3A_497 = arith.constant 0 : i32
      %dma_start3A_498 = tpu.memref_slice %arg9[%dma_start3A_494, %dma_start3A_496, %dma_start3A_497] : memref<5x80x64xf32, #tpu.memory_space<vmem>> -> memref<1x80x64xf32, #tpu.memory_space<vmem>>
      %dma_start3A_499 = tpu.memref_squeeze %dma_start3A_498 : memref<1x80x64xf32, #tpu.memory_space<vmem>> -> memref<80x64xf32, #tpu.memory_space<vmem>>
      %dma_start3A_500 = arith.constant 0 : i32
      %dma_start3A_501 = tpu.memref_slice %arg8[%add3A_478, %dma_start3A_500] : memref<250x80xi32, #tpu.memory_space<vmem>> -> memref<1x80xi32, #tpu.memory_space<vmem>>
      %dma_start3A_502 = tpu.memref_squeeze %dma_start3A_501 : memref<1x80xi32, #tpu.memory_space<vmem>> -> memref<80xi32, #tpu.memory_space<vmem>>
      %dma_start3A_503 = arith.constant 0 : i32
      %dma_start3A_504 = arith.constant 0 : i32
      %dma_start3A_505 = tpu.memref_slice %arg13[%dma_start3A_503, %dma_start3A_504] : memref<10000x64xf32, #tpu.memory_space<vmem_shared>> -> memref<10000x64xf32, #tpu.memory_space<vmem_shared>>
      %dma_start3A_506 = tpu.memref_slice %arg16[%dma_start3A_495] : memref<5x!tpu.dma_semaphore, #tpu.memory_space<semaphore_mem>> -> memref<1x!tpu.dma_semaphore, #tpu.memory_space<semaphore_mem>>
      %dma_start3A_507 = tpu.memref_squeeze %dma_start3A_506 : memref<1x!tpu.dma_semaphore, #tpu.memory_space<semaphore_mem>> -> memref<!tpu.dma_semaphore, #tpu.memory_space<semaphore_mem>>
      tpu.enqueue_indirect_dma source(%dma_start3A_499 : memref<80x64xf32, #tpu.memory_space<vmem>>) target(%dma_start3A_505 : memref<10000x64xf32, #tpu.memory_space<vmem_shared>>) offsets(%dma_start3A_502 : memref<80xi32, #tpu.memory_space<vmem>>) semaphore(%dma_start3A_507 : memref<!tpu.dma_semaphore, #tpu.memory_space<semaphore_mem>>) {add = true}
      %ge3A_508 = arith.constant 5 : i32
      %ge3A_509 = arith.cmpi sge, %add3A_478, %ge3A_508 : i32
      %convert_element_type3A_510 = arith.extui %ge3A_509 : i1 to i32
      %cond3A_511 = arith.constant 0 : i32
      %cond3A_512 = arith.cmpi ne, %convert_element_type3A_510, %cond3A_511 : i32
      scf.if %cond3A_512 {
        %dma_wait3A_534 = arith.constant 0 : i32
        %dma_wait3A_535 = arith.constant 4 : i32
        %dma_wait3A_536 = arith.constant 0 : i32
        %dma_wait3A_537 = tpu.memref_slice %arg8[%dma_wait3A_534, %dma_wait3A_536] : memref<250x80xi32, #tpu.memory_space<vmem>> -> memref<1x80xi32, #tpu.memory_space<vmem>>
        %dma_wait3A_538 = tpu.memref_squeeze %dma_wait3A_537 : memref<1x80xi32, #tpu.memory_space<vmem>> -> memref<80xi32, #tpu.memory_space<vmem>>
        %dma_wait3A_539 = arith.constant 0 : i32
        %dma_wait3A_540 = arith.constant 0 : i32
        %dma_wait3A_541 = tpu.memref_slice %arg14[%dma_wait3A_539, %dma_wait3A_540] : memref<10000x16xf32, #tpu.memory_space<vmem_shared>> -> memref<10000x16xf32, #tpu.memory_space<vmem_shared>>
        %dma_wait3A_542 = tpu.memref_slice %arg17[%dma_wait3A_535] : memref<5x!tpu.dma_semaphore, #tpu.memory_space<semaphore_mem>> -> memref<1x!tpu.dma_semaphore, #tpu.memory_space<semaphore_mem>>
        %dma_wait3A_543 = tpu.memref_squeeze %dma_wait3A_542 : memref<1x!tpu.dma_semaphore, #tpu.memory_space<semaphore_mem>> -> memref<!tpu.dma_semaphore, #tpu.memory_space<semaphore_mem>>
        tpu.wait_indirect_dma semaphore(%dma_wait3A_543 : memref<!tpu.dma_semaphore, #tpu.memory_space<semaphore_mem>>) src(%arg12 : memref<80x16xf32, #tpu.memory_space<vmem>>) dst(%dma_wait3A_541 : memref<10000x16xf32, #tpu.memory_space<vmem_shared>>)
      } else {
      }
      %dma_start3A_513 = arith.constant 4 : i32
      %dma_start3A_514 = arith.constant 0 : i32
      %dma_start3A_515 = tpu.memref_slice %arg8[%add3A_478, %dma_start3A_514] : memref<250x80xi32, #tpu.memory_space<vmem>> -> memref<1x80xi32, #tpu.memory_space<vmem>>
      %dma_start3A_516 = tpu.memref_squeeze %dma_start3A_515 : memref<1x80xi32, #tpu.memory_space<vmem>> -> memref<80xi32, #tpu.memory_space<vmem>>
      %dma_start3A_517 = arith.constant 0 : i32
      %dma_start3A_518 = arith.constant 0 : i32
      %dma_start3A_519 = tpu.memref_slice %arg14[%dma_start3A_517, %dma_start3A_518] : memref<10000x16xf32, #tpu.memory_space<vmem_shared>> -> memref<10000x16xf32, #tpu.memory_space<vmem_shared>>
      %dma_start3A_520 = tpu.memref_slice %arg17[%dma_start3A_513] : memref<5x!tpu.dma_semaphore, #tpu.memory_space<semaphore_mem>> -> memref<1x!tpu.dma_semaphore, #tpu.memory_space<semaphore_mem>>
      %dma_start3A_521 = tpu.memref_squeeze %dma_start3A_520 : memref<1x!tpu.dma_semaphore, #tpu.memory_space<semaphore_mem>> -> memref<!tpu.dma_semaphore, #tpu.memory_space<semaphore_mem>>
      tpu.enqueue_indirect_dma source(%arg12 : memref<80x16xf32, #tpu.memory_space<vmem>>) target(%dma_start3A_519 : memref<10000x16xf32, #tpu.memory_space<vmem_shared>>) offsets(%dma_start3A_516 : memref<80xi32, #tpu.memory_space<vmem>>) semaphore(%dma_start3A_521 : memref<!tpu.dma_semaphore, #tpu.memory_space<semaphore_mem>>) {add = true}
      %ge3A_522 = arith.constant 2 : i32
      %ge3A_523 = arith.cmpi sge, %add3A_478, %ge3A_522 : i32
      %convert_element_type3A_524 = arith.extui %ge3A_523 : i1 to i32
      %cond3A_525 = arith.constant 0 : i32
      %cond3A_526 = arith.cmpi ne, %convert_element_type3A_524, %cond3A_525 : i32
      scf.if %cond3A_526 {
        %dma_wait3A_534 = arith.constant 2 : i32
        %dma_wait3A_535 = arith.constant 0 : i32
        %dma_wait3A_536 = arith.constant 2 : i32
        %dma_wait3A_537 = arith.constant 0 : i32
        %dma_wait3A_538 = arith.constant 0 : i32
        %dma_wait3A_539 = tpu.memref_slice %arg9[%dma_wait3A_534, %dma_wait3A_537, %dma_wait3A_538] : memref<5x80x64xf32, #tpu.memory_space<vmem>> -> memref<1x80x64xf32, #tpu.memory_space<vmem>>
        %dma_wait3A_540 = tpu.memref_squeeze %dma_wait3A_539 : memref<1x80x64xf32, #tpu.memory_space<vmem>> -> memref<80x64xf32, #tpu.memory_space<vmem>>
        %dma_wait3A_541 = arith.constant 0 : i32
        %dma_wait3A_542 = tpu.memref_slice %arg8[%dma_wait3A_535, %dma_wait3A_541] : memref<250x80xi32, #tpu.memory_space<vmem>> -> memref<1x80xi32, #tpu.memory_space<vmem>>
        %dma_wait3A_543 = tpu.memref_squeeze %dma_wait3A_542 : memref<1x80xi32, #tpu.memory_space<vmem>> -> memref<80xi32, #tpu.memory_space<vmem>>
        %dma_wait3A_544 = arith.constant 0 : i32
        %dma_wait3A_545 = arith.constant 0 : i32
        %dma_wait3A_546 = tpu.memref_slice %arg13[%dma_wait3A_544, %dma_wait3A_545] : memref<10000x64xf32, #tpu.memory_space<vmem_shared>> -> memref<10000x64xf32, #tpu.memory_space<vmem_shared>>
        %dma_wait3A_547 = tpu.memref_slice %arg16[%dma_wait3A_536] : memref<5x!tpu.dma_semaphore, #tpu.memory_space<semaphore_mem>> -> memref<1x!tpu.dma_semaphore, #tpu.memory_space<semaphore_mem>>
        %dma_wait3A_548 = tpu.memref_squeeze %dma_wait3A_547 : memref<1x!tpu.dma_semaphore, #tpu.memory_space<semaphore_mem>> -> memref<!tpu.dma_semaphore, #tpu.memory_space<semaphore_mem>>
        tpu.wait_indirect_dma semaphore(%dma_wait3A_548 : memref<!tpu.dma_semaphore, #tpu.memory_space<semaphore_mem>>) src(%dma_wait3A_540 : memref<80x64xf32, #tpu.memory_space<vmem>>) dst(%dma_wait3A_546 : memref<10000x64xf32, #tpu.memory_space<vmem_shared>>)
      } else {
      }
      %add3A_527 = arith.constant 3 : i32
      %add3A_528 = arith.addi %add3A_478, %add3A_527 : i32
      %lt3A_529 = arith.constant 250 : i32
      %lt3A_530 = arith.cmpi slt, %add3A_528, %lt3A_529 : i32
      %convert_element_type3A_531 = arith.extui %lt3A_530 : i1 to i32
      %cond3A_532 = arith.constant 0 : i32
      %cond3A_533 = arith.cmpi ne, %convert_element_type3A_531, %cond3A_532 : i32
      scf.if %cond3A_533 {
        %add3A_534 = arith.constant 3 : i32
        %add3A_535 = arith.addi %add3A_478, %add3A_534 : i32
        %eq3A_536 = arith.constant 0 : i32
        %eq3A_537 = arith.cmpi eq, %arg0, %eq3A_536 : i32
        %convert_element_type3A_538 = arith.extui %eq3A_537 : i1 to i32
        %cond3A_539 = arith.constant 0 : i32
        %cond3A_540 = arith.cmpi ne, %convert_element_type3A_538, %cond3A_539 : i32
        scf.if %cond3A_540 {
          %dma_start3A_546 = arith.constant 2 : i32
          %dma_start3A_547 = arith.constant 2 : i32
          %dma_start3A_548 = arith.constant 0 : i32
          %dma_start3A_549 = arith.constant 0 : i32
          %dma_start3A_550 = tpu.memref_slice %arg9[%dma_start3A_546, %dma_start3A_548, %dma_start3A_549] : memref<5x80x64xf32, #tpu.memory_space<vmem>> -> memref<1x80x64xf32, #tpu.memory_space<vmem>>
          %dma_start3A_551 = tpu.memref_squeeze %dma_start3A_550 : memref<1x80x64xf32, #tpu.memory_space<vmem>> -> memref<80x64xf32, #tpu.memory_space<vmem>>
          %dma_start3A_552 = arith.constant 0 : i32
          %dma_start3A_553 = tpu.memref_slice %arg7[%add3A_535, %dma_start3A_552] : memref<250x80xi32, #tpu.memory_space<vmem>> -> memref<1x80xi32, #tpu.memory_space<vmem>>
          %dma_start3A_554 = tpu.memref_squeeze %dma_start3A_553 : memref<1x80xi32, #tpu.memory_space<vmem>> -> memref<80xi32, #tpu.memory_space<vmem>>
          %dma_start3A_555 = arith.constant 0 : i32
          %dma_start3A_556 = arith.constant 0 : i32
          %dma_start3A_557 = tpu.memref_slice %arg4[%dma_start3A_555, %dma_start3A_556] : memref<1000x64xf32, #tpu.memory_space<hbm>> -> memref<1000x64xf32, #tpu.memory_space<hbm>>
          %dma_start3A_558 = tpu.memref_slice %arg15[%dma_start3A_547] : memref<5x!tpu.dma_semaphore, #tpu.memory_space<semaphore_mem>> -> memref<1x!tpu.dma_semaphore, #tpu.memory_space<semaphore_mem>>
          %dma_start3A_559 = tpu.memref_squeeze %dma_start3A_558 : memref<1x!tpu.dma_semaphore, #tpu.memory_space<semaphore_mem>> -> memref<!tpu.dma_semaphore, #tpu.memory_space<semaphore_mem>>
          tpu.enqueue_indirect_dma source(%dma_start3A_557 : memref<1000x64xf32, #tpu.memory_space<hbm>>) target(%dma_start3A_551 : memref<80x64xf32, #tpu.memory_space<vmem>>) offsets(%dma_start3A_554 : memref<80xi32, #tpu.memory_space<vmem>>) semaphore(%dma_start3A_559 : memref<!tpu.dma_semaphore, #tpu.memory_space<semaphore_mem>>)
        } else {
        }
        %eq3A_541 = arith.constant 1 : i32
        %eq3A_542 = arith.cmpi eq, %arg0, %eq3A_541 : i32
        %convert_element_type3A_543 = arith.extui %eq3A_542 : i1 to i32
        %cond3A_544 = arith.constant 0 : i32
        %cond3A_545 = arith.cmpi ne, %convert_element_type3A_543, %cond3A_544 : i32
        scf.if %cond3A_545 {
          %dma_start3A_546 = arith.constant 2 : i32
          %dma_start3A_547 = arith.constant 2 : i32
          %dma_start3A_548 = arith.constant 0 : i32
          %dma_start3A_549 = arith.constant 0 : i32
          %dma_start3A_550 = tpu.memref_slice %arg9[%dma_start3A_546, %dma_start3A_548, %dma_start3A_549] : memref<5x80x64xf32, #tpu.memory_space<vmem>> -> memref<1x80x64xf32, #tpu.memory_space<vmem>>
          %dma_start3A_551 = tpu.memref_squeeze %dma_start3A_550 : memref<1x80x64xf32, #tpu.memory_space<vmem>> -> memref<80x64xf32, #tpu.memory_space<vmem>>
          %dma_start3A_552 = arith.constant 0 : i32
          %dma_start3A_553 = tpu.memref_slice %arg7[%add3A_535, %dma_start3A_552] : memref<250x80xi32, #tpu.memory_space<vmem>> -> memref<1x80xi32, #tpu.memory_space<vmem>>
          %dma_start3A_554 = tpu.memref_squeeze %dma_start3A_553 : memref<1x80xi32, #tpu.memory_space<vmem>> -> memref<80xi32, #tpu.memory_space<vmem>>
          %dma_start3A_555 = arith.constant 0 : i32
          %dma_start3A_556 = arith.constant 0 : i32
          %dma_start3A_557 = tpu.memref_slice %arg5[%dma_start3A_555, %dma_start3A_556] : memref<1000x64xf32, #tpu.memory_space<hbm>> -> memref<1000x64xf32, #tpu.memory_space<hbm>>
          %dma_start3A_558 = tpu.memref_slice %arg15[%dma_start3A_547] : memref<5x!tpu.dma_semaphore, #tpu.memory_space<semaphore_mem>> -> memref<1x!tpu.dma_semaphore, #tpu.memory_space<semaphore_mem>>
          %dma_start3A_559 = tpu.memref_squeeze %dma_start3A_558 : memref<1x!tpu.dma_semaphore, #tpu.memory_space<semaphore_mem>> -> memref<!tpu.dma_semaphore, #tpu.memory_space<semaphore_mem>>
          tpu.enqueue_indirect_dma source(%dma_start3A_557 : memref<1000x64xf32, #tpu.memory_space<hbm>>) target(%dma_start3A_551 : memref<80x64xf32, #tpu.memory_space<vmem>>) offsets(%dma_start3A_554 : memref<80xi32, #tpu.memory_space<vmem>>) semaphore(%dma_start3A_559 : memref<!tpu.dma_semaphore, #tpu.memory_space<semaphore_mem>>)
        } else {
        }
      } else {
      }
    }
    %scan3A_150 = arith.constant 50 : i32
    %dma_wait3A = arith.constant 3 : i32
    %dma_wait3A_151 = arith.constant 0 : i32
    %dma_wait3A_152 = arith.constant 3 : i32
    %dma_wait3A_153 = arith.constant 0 : i32
    %dma_wait3A_154 = arith.constant 0 : i32
    %dma_wait3A_155 = tpu.memref_slice %arg9[%dma_wait3A, %dma_wait3A_153, %dma_wait3A_154] : memref<5x80x64xf32, #tpu.memory_space<vmem>> -> memref<1x80x64xf32, #tpu.memory_space<vmem>>
    %dma_wait3A_156 = tpu.memref_squeeze %dma_wait3A_155 : memref<1x80x64xf32, #tpu.memory_space<vmem>> -> memref<80x64xf32, #tpu.memory_space<vmem>>
    %dma_wait3A_157 = arith.constant 0 : i32
    %dma_wait3A_158 = tpu.memref_slice %arg8[%dma_wait3A_151, %dma_wait3A_157] : memref<250x80xi32, #tpu.memory_space<vmem>> -> memref<1x80xi32, #tpu.memory_space<vmem>>
    %dma_wait3A_159 = tpu.memref_squeeze %dma_wait3A_158 : memref<1x80xi32, #tpu.memory_space<vmem>> -> memref<80xi32, #tpu.memory_space<vmem>>
    %dma_wait3A_160 = arith.constant 0 : i32
    %dma_wait3A_161 = arith.constant 0 : i32
    %dma_wait3A_162 = tpu.memref_slice %arg13[%dma_wait3A_160, %dma_wait3A_161] : memref<10000x64xf32, #tpu.memory_space<vmem_shared>> -> memref<10000x64xf32, #tpu.memory_space<vmem_shared>>
    %dma_wait3A_163 = tpu.memref_slice %arg16[%dma_wait3A_152] : memref<5x!tpu.dma_semaphore, #tpu.memory_space<semaphore_mem>> -> memref<1x!tpu.dma_semaphore, #tpu.memory_space<semaphore_mem>>
    %dma_wait3A_164 = tpu.memref_squeeze %dma_wait3A_163 : memref<1x!tpu.dma_semaphore, #tpu.memory_space<semaphore_mem>> -> memref<!tpu.dma_semaphore, #tpu.memory_space<semaphore_mem>>
    tpu.wait_indirect_dma semaphore(%dma_wait3A_164 : memref<!tpu.dma_semaphore, #tpu.memory_space<semaphore_mem>>) src(%dma_wait3A_156 : memref<80x64xf32, #tpu.memory_space<vmem>>) dst(%dma_wait3A_162 : memref<10000x64xf32, #tpu.memory_space<vmem_shared>>)
    %dma_wait3A_165 = arith.constant 4 : i32
    %dma_wait3A_166 = arith.constant 0 : i32
    %dma_wait3A_167 = arith.constant 4 : i32
    %dma_wait3A_168 = arith.constant 0 : i32
    %dma_wait3A_169 = arith.constant 0 : i32
    %dma_wait3A_170 = tpu.memref_slice %arg9[%dma_wait3A_165, %dma_wait3A_168, %dma_wait3A_169] : memref<5x80x64xf32, #tpu.memory_space<vmem>> -> memref<1x80x64xf32, #tpu.memory_space<vmem>>
    %dma_wait3A_171 = tpu.memref_squeeze %dma_wait3A_170 : memref<1x80x64xf32, #tpu.memory_space<vmem>> -> memref<80x64xf32, #tpu.memory_space<vmem>>
    %dma_wait3A_172 = arith.constant 0 : i32
    %dma_wait3A_173 = tpu.memref_slice %arg8[%dma_wait3A_166, %dma_wait3A_172] : memref<250x80xi32, #tpu.memory_space<vmem>> -> memref<1x80xi32, #tpu.memory_space<vmem>>
    %dma_wait3A_174 = tpu.memref_squeeze %dma_wait3A_173 : memref<1x80xi32, #tpu.memory_space<vmem>> -> memref<80xi32, #tpu.memory_space<vmem>>
    %dma_wait3A_175 = arith.constant 0 : i32
    %dma_wait3A_176 = arith.constant 0 : i32
    %dma_wait3A_177 = tpu.memref_slice %arg13[%dma_wait3A_175, %dma_wait3A_176] : memref<10000x64xf32, #tpu.memory_space<vmem_shared>> -> memref<10000x64xf32, #tpu.memory_space<vmem_shared>>
    %dma_wait3A_178 = tpu.memref_slice %arg16[%dma_wait3A_167] : memref<5x!tpu.dma_semaphore, #tpu.memory_space<semaphore_mem>> -> memref<1x!tpu.dma_semaphore, #tpu.memory_space<semaphore_mem>>
    %dma_wait3A_179 = tpu.memref_squeeze %dma_wait3A_178 : memref<1x!tpu.dma_semaphore, #tpu.memory_space<semaphore_mem>> -> memref<!tpu.dma_semaphore, #tpu.memory_space<semaphore_mem>>
    tpu.wait_indirect_dma semaphore(%dma_wait3A_179 : memref<!tpu.dma_semaphore, #tpu.memory_space<semaphore_mem>>) src(%dma_wait3A_171 : memref<80x64xf32, #tpu.memory_space<vmem>>) dst(%dma_wait3A_177 : memref<10000x64xf32, #tpu.memory_space<vmem_shared>>)
    %dma_wait3A_180 = arith.constant 0 : i32
    %dma_wait3A_181 = arith.constant 0 : i32
    %dma_wait3A_182 = arith.constant 0 : i32
    %dma_wait3A_183 = tpu.memref_slice %arg8[%dma_wait3A_180, %dma_wait3A_182] : memref<250x80xi32, #tpu.memory_space<vmem>> -> memref<1x80xi32, #tpu.memory_space<vmem>>
    %dma_wait3A_184 = tpu.memref_squeeze %dma_wait3A_183 : memref<1x80xi32, #tpu.memory_space<vmem>> -> memref<80xi32, #tpu.memory_space<vmem>>
    %dma_wait3A_185 = arith.constant 0 : i32
    %dma_wait3A_186 = arith.constant 0 : i32
    %dma_wait3A_187 = tpu.memref_slice %arg14[%dma_wait3A_185, %dma_wait3A_186] : memref<10000x16xf32, #tpu.memory_space<vmem_shared>> -> memref<10000x16xf32, #tpu.memory_space<vmem_shared>>
    %dma_wait3A_188 = tpu.memref_slice %arg17[%dma_wait3A_181] : memref<5x!tpu.dma_semaphore, #tpu.memory_space<semaphore_mem>> -> memref<1x!tpu.dma_semaphore, #tpu.memory_space<semaphore_mem>>
    %dma_wait3A_189 = tpu.memref_squeeze %dma_wait3A_188 : memref<1x!tpu.dma_semaphore, #tpu.memory_space<semaphore_mem>> -> memref<!tpu.dma_semaphore, #tpu.memory_space<semaphore_mem>>
    tpu.wait_indirect_dma semaphore(%dma_wait3A_189 : memref<!tpu.dma_semaphore, #tpu.memory_space<semaphore_mem>>) src(%arg12 : memref<80x16xf32, #tpu.memory_space<vmem>>) dst(%dma_wait3A_187 : memref<10000x16xf32, #tpu.memory_space<vmem_shared>>)
    %dma_wait3A_190 = arith.constant 0 : i32
    %dma_wait3A_191 = arith.constant 1 : i32
    %dma_wait3A_192 = arith.constant 0 : i32
    %dma_wait3A_193 = tpu.memref_slice %arg8[%dma_wait3A_190, %dma_wait3A_192] : memref<250x80xi32, #tpu.memory_space<vmem>> -> memref<1x80xi32, #tpu.memory_space<vmem>>
    %dma_wait3A_194 = tpu.memref_squeeze %dma_wait3A_193 : memref<1x80xi32, #tpu.memory_space<vmem>> -> memref<80xi32, #tpu.memory_space<vmem>>
    %dma_wait3A_195 = arith.constant 0 : i32
    %dma_wait3A_196 = arith.constant 0 : i32
    %dma_wait3A_197 = tpu.memref_slice %arg14[%dma_wait3A_195, %dma_wait3A_196] : memref<10000x16xf32, #tpu.memory_space<vmem_shared>> -> memref<10000x16xf32, #tpu.memory_space<vmem_shared>>
    %dma_wait3A_198 = tpu.memref_slice %arg17[%dma_wait3A_191] : memref<5x!tpu.dma_semaphore, #tpu.memory_space<semaphore_mem>> -> memref<1x!tpu.dma_semaphore, #tpu.memory_space<semaphore_mem>>
    %dma_wait3A_199 = tpu.memref_squeeze %dma_wait3A_198 : memref<1x!tpu.dma_semaphore, #tpu.memory_space<semaphore_mem>> -> memref<!tpu.dma_semaphore, #tpu.memory_space<semaphore_mem>>
    tpu.wait_indirect_dma semaphore(%dma_wait3A_199 : memref<!tpu.dma_semaphore, #tpu.memory_space<semaphore_mem>>) src(%arg12 : memref<80x16xf32, #tpu.memory_space<vmem>>) dst(%dma_wait3A_197 : memref<10000x16xf32, #tpu.memory_space<vmem_shared>>)
    %dma_wait3A_200 = arith.constant 0 : i32
    %dma_wait3A_201 = arith.constant 2 : i32
    %dma_wait3A_202 = arith.constant 0 : i32
    %dma_wait3A_203 = tpu.memref_slice %arg8[%dma_wait3A_200, %dma_wait3A_202] : memref<250x80xi32, #tpu.memory_space<vmem>> -> memref<1x80xi32, #tpu.memory_space<vmem>>
    %dma_wait3A_204 = tpu.memref_squeeze %dma_wait3A_203 : memref<1x80xi32, #tpu.memory_space<vmem>> -> memref<80xi32, #tpu.memory_space<vmem>>
    %dma_wait3A_205 = arith.constant 0 : i32
    %dma_wait3A_206 = arith.constant 0 : i32
    %dma_wait3A_207 = tpu.memref_slice %arg14[%dma_wait3A_205, %dma_wait3A_206] : memref<10000x16xf32, #tpu.memory_space<vmem_shared>> -> memref<10000x16xf32, #tpu.memory_space<vmem_shared>>
    %dma_wait3A_208 = tpu.memref_slice %arg17[%dma_wait3A_201] : memref<5x!tpu.dma_semaphore, #tpu.memory_space<semaphore_mem>> -> memref<1x!tpu.dma_semaphore, #tpu.memory_space<semaphore_mem>>
    %dma_wait3A_209 = tpu.memref_squeeze %dma_wait3A_208 : memref<1x!tpu.dma_semaphore, #tpu.memory_space<semaphore_mem>> -> memref<!tpu.dma_semaphore, #tpu.memory_space<semaphore_mem>>
    tpu.wait_indirect_dma semaphore(%dma_wait3A_209 : memref<!tpu.dma_semaphore, #tpu.memory_space<semaphore_mem>>) src(%arg12 : memref<80x16xf32, #tpu.memory_space<vmem>>) dst(%dma_wait3A_207 : memref<10000x16xf32, #tpu.memory_space<vmem_shared>>)
    %dma_wait3A_210 = arith.constant 0 : i32
    %dma_wait3A_211 = arith.constant 3 : i32
    %dma_wait3A_212 = arith.constant 0 : i32
    %dma_wait3A_213 = tpu.memref_slice %arg8[%dma_wait3A_210, %dma_wait3A_212] : memref<250x80xi32, #tpu.memory_space<vmem>> -> memref<1x80xi32, #tpu.memory_space<vmem>>
    %dma_wait3A_214 = tpu.memref_squeeze %dma_wait3A_213 : memref<1x80xi32, #tpu.memory_space<vmem>> -> memref<80xi32, #tpu.memory_space<vmem>>
    %dma_wait3A_215 = arith.constant 0 : i32
    %dma_wait3A_216 = arith.constant 0 : i32
    %dma_wait3A_217 = tpu.memref_slice %arg14[%dma_wait3A_215, %dma_wait3A_216] : memref<10000x16xf32, #tpu.memory_space<vmem_shared>> -> memref<10000x16xf32, #tpu.memory_space<vmem_shared>>
    %dma_wait3A_218 = tpu.memref_slice %arg17[%dma_wait3A_211] : memref<5x!tpu.dma_semaphore, #tpu.memory_space<semaphore_mem>> -> memref<1x!tpu.dma_semaphore, #tpu.memory_space<semaphore_mem>>
    %dma_wait3A_219 = tpu.memref_squeeze %dma_wait3A_218 : memref<1x!tpu.dma_semaphore, #tpu.memory_space<semaphore_mem>> -> memref<!tpu.dma_semaphore, #tpu.memory_space<semaphore_mem>>
    tpu.wait_indirect_dma semaphore(%dma_wait3A_219 : memref<!tpu.dma_semaphore, #tpu.memory_space<semaphore_mem>>) src(%arg12 : memref<80x16xf32, #tpu.memory_space<vmem>>) dst(%dma_wait3A_217 : memref<10000x16xf32, #tpu.memory_space<vmem_shared>>)
    %dma_wait3A_220 = arith.constant 0 : i32
    %dma_wait3A_221 = arith.constant 4 : i32
    %dma_wait3A_222 = arith.constant 0 : i32
    %dma_wait3A_223 = tpu.memref_slice %arg8[%dma_wait3A_220, %dma_wait3A_222] : memref<250x80xi32, #tpu.memory_space<vmem>> -> memref<1x80xi32, #tpu.memory_space<vmem>>
    %dma_wait3A_224 = tpu.memref_squeeze %dma_wait3A_223 : memref<1x80xi32, #tpu.memory_space<vmem>> -> memref<80xi32, #tpu.memory_space<vmem>>
    %dma_wait3A_225 = arith.constant 0 : i32
    %dma_wait3A_226 = arith.constant 0 : i32
    %dma_wait3A_227 = tpu.memref_slice %arg14[%dma_wait3A_225, %dma_wait3A_226] : memref<10000x16xf32, #tpu.memory_space<vmem_shared>> -> memref<10000x16xf32, #tpu.memory_space<vmem_shared>>
    %dma_wait3A_228 = tpu.memref_slice %arg17[%dma_wait3A_221] : memref<5x!tpu.dma_semaphore, #tpu.memory_space<semaphore_mem>> -> memref<1x!tpu.dma_semaphore, #tpu.memory_space<semaphore_mem>>
    %dma_wait3A_229 = tpu.memref_squeeze %dma_wait3A_228 : memref<1x!tpu.dma_semaphore, #tpu.memory_space<semaphore_mem>> -> memref<!tpu.dma_semaphore, #tpu.memory_space<semaphore_mem>>
    tpu.wait_indirect_dma semaphore(%dma_wait3A_229 : memref<!tpu.dma_semaphore, #tpu.memory_space<semaphore_mem>>) src(%arg12 : memref<80x16xf32, #tpu.memory_space<vmem>>) dst(%dma_wait3A_227 : memref<10000x16xf32, #tpu.memory_space<vmem_shared>>)
    %barrier3A_230 = arith.constant 0 : index
    tpu.barrier barrier_id(%barrier3A_230)
    %scan3A_231 = arith.constant 0 : i32
    %scan3A_232 = arith.constant 13 : i32
    %scan3A_233 = arith.addi %scan3A_231, %scan3A_232 : i32
    %scan3A_234 = arith.constant 1 : i32
    scf.for %scan3A_241 = %scan3A_231 to %scan3A_233 step %scan3A_234  : i32 {
      %mul3A_242 = arith.constant 624 : i32
      %mul3A_243 = arith.muli %arg1, %mul3A_242 : i32
      %mul3A_244 = arith.constant 48 : i32
      %mul3A_245 = arith.muli %scan3A_241, %mul3A_244 : i32
      %add3A_246 = arith.addi %mul3A_243, %mul3A_245 : i32
      "tpu.region"() ({
        %run_scoped3A = tpu.sem_alloc : memref<!tpu.dma_semaphore, #tpu.memory_space<semaphore_mem>>
        %dma_start3A = arith.constant 0 : i32
        %dma_start3A_254 = arith.constant 0 : i32
        %dma_start3A_255 = tpu.memref_slice %arg10[%dma_start3A, %dma_start3A_254] : memref<48x64xf32, #tpu.memory_space<vmem>> -> memref<48x64xf32, #tpu.memory_space<vmem>>
        %dma_start3A_256 = arith.constant 0 : i32
        %dma_start3A_257 = tpu.memref_slice %arg13[%add3A_246, %dma_start3A_256] : memref<10000x64xf32, #tpu.memory_space<vmem_shared>> -> memref<48x64xf32, #tpu.memory_space<vmem_shared>>
        %dma_start3A_258 = arith.constant 0 : i32
        %dma_start3A_259 = arith.constant 0 : i32
        %dma_start3A_260 = tpu.memref_slice %arg10[%dma_start3A_258, %dma_start3A_259] : memref<48x64xf32, #tpu.memory_space<vmem>> -> memref<48x64xf32, #tpu.memory_space<vmem>>
        %dma_start3A_261 = arith.constant 0 : i32
        %dma_start3A_262 = tpu.memref_slice %arg13[%add3A_246, %dma_start3A_261] : memref<10000x64xf32, #tpu.memory_space<vmem_shared>> -> memref<48x64xf32, #tpu.memory_space<vmem_shared>>
        tpu.enqueue_dma source(%dma_start3A_262 : memref<48x64xf32, #tpu.memory_space<vmem_shared>>) target(%dma_start3A_260 : memref<48x64xf32, #tpu.memory_space<vmem>>) target_semaphore(%run_scoped3A : memref<!tpu.dma_semaphore, #tpu.memory_space<semaphore_mem>>)
        %dma_wait3A_263 = arith.constant 0 : i32
        %dma_wait3A_264 = arith.constant 0 : i32
        %dma_wait3A_265 = tpu.memref_slice %arg10[%dma_wait3A_263, %dma_wait3A_264] : memref<48x64xf32, #tpu.memory_space<vmem>> -> memref<48x64xf32, #tpu.memory_space<vmem>>
        %dma_wait3A_266 = arith.constant 0 : i32
        %dma_wait3A_267 = tpu.memref_slice %arg13[%add3A_246, %dma_wait3A_266] : memref<10000x64xf32, #tpu.memory_space<vmem_shared>> -> memref<48x64xf32, #tpu.memory_space<vmem_shared>>
        %dma_wait3A_268 = arith.constant 0 : i32
        %dma_wait3A_269 = arith.constant 0 : i32
        %dma_wait3A_270 = tpu.memref_slice %arg10[%dma_wait3A_268, %dma_wait3A_269] : memref<48x64xf32, #tpu.memory_space<vmem>> -> memref<48x64xf32, #tpu.memory_space<vmem>>
        %dma_wait3A_271 = arith.constant 0 : i32
        %dma_wait3A_272 = tpu.memref_slice %arg13[%add3A_246, %dma_wait3A_271] : memref<10000x64xf32, #tpu.memory_space<vmem_shared>> -> memref<48x64xf32, #tpu.memory_space<vmem_shared>>
        tpu.wait_dma2 semaphore(%run_scoped3A : memref<!tpu.dma_semaphore, #tpu.memory_space<semaphore_mem>>) src(%dma_wait3A_272 : memref<48x64xf32, #tpu.memory_space<vmem_shared>>) dst(%dma_wait3A_270 : memref<48x64xf32, #tpu.memory_space<vmem>>)
        tpu.yield
      }) : () -> ()
      "tpu.region"() ({
        %run_scoped3A = tpu.sem_alloc : memref<!tpu.dma_semaphore, #tpu.memory_space<semaphore_mem>>
        %dma_start3A = arith.constant 0 : i32
        %dma_start3A_254 = arith.constant 0 : i32
        %dma_start3A_255 = tpu.memref_slice %arg11[%dma_start3A, %dma_start3A_254] : memref<48x16xf32, #tpu.memory_space<vmem>> -> memref<48x16xf32, #tpu.memory_space<vmem>>
        %dma_start3A_256 = arith.constant 0 : i32
        %dma_start3A_257 = tpu.memref_slice %arg14[%add3A_246, %dma_start3A_256] : memref<10000x16xf32, #tpu.memory_space<vmem_shared>> -> memref<48x16xf32, #tpu.memory_space<vmem_shared>>
        %dma_start3A_258 = arith.constant 0 : i32
        %dma_start3A_259 = arith.constant 0 : i32
        %dma_start3A_260 = tpu.memref_slice %arg11[%dma_start3A_258, %dma_start3A_259] : memref<48x16xf32, #tpu.memory_space<vmem>> -> memref<48x16xf32, #tpu.memory_space<vmem>>
        %dma_start3A_261 = arith.constant 0 : i32
        %dma_start3A_262 = tpu.memref_slice %arg14[%add3A_246, %dma_start3A_261] : memref<10000x16xf32, #tpu.memory_space<vmem_shared>> -> memref<48x16xf32, #tpu.memory_space<vmem_shared>>
        tpu.enqueue_dma source(%dma_start3A_262 : memref<48x16xf32, #tpu.memory_space<vmem_shared>>) target(%dma_start3A_260 : memref<48x16xf32, #tpu.memory_space<vmem>>) target_semaphore(%run_scoped3A : memref<!tpu.dma_semaphore, #tpu.memory_space<semaphore_mem>>)
        %dma_wait3A_263 = arith.constant 0 : i32
        %dma_wait3A_264 = arith.constant 0 : i32
        %dma_wait3A_265 = tpu.memref_slice %arg11[%dma_wait3A_263, %dma_wait3A_264] : memref<48x16xf32, #tpu.memory_space<vmem>> -> memref<48x16xf32, #tpu.memory_space<vmem>>
        %dma_wait3A_266 = arith.constant 0 : i32
        %dma_wait3A_267 = tpu.memref_slice %arg14[%add3A_246, %dma_wait3A_266] : memref<10000x16xf32, #tpu.memory_space<vmem_shared>> -> memref<48x16xf32, #tpu.memory_space<vmem_shared>>
        %dma_wait3A_268 = arith.constant 0 : i32
        %dma_wait3A_269 = arith.constant 0 : i32
        %dma_wait3A_270 = tpu.memref_slice %arg11[%dma_wait3A_268, %dma_wait3A_269] : memref<48x16xf32, #tpu.memory_space<vmem>> -> memref<48x16xf32, #tpu.memory_space<vmem>>
        %dma_wait3A_271 = arith.constant 0 : i32
        %dma_wait3A_272 = tpu.memref_slice %arg14[%add3A_246, %dma_wait3A_271] : memref<10000x16xf32, #tpu.memory_space<vmem_shared>> -> memref<48x16xf32, #tpu.memory_space<vmem_shared>>
        tpu.wait_dma2 semaphore(%run_scoped3A : memref<!tpu.dma_semaphore, #tpu.memory_space<semaphore_mem>>) src(%dma_wait3A_272 : memref<48x16xf32, #tpu.memory_space<vmem_shared>>) dst(%dma_wait3A_270 : memref<48x16xf32, #tpu.memory_space<vmem>>)
        tpu.yield
      }) : () -> ()
      %scan3A_247 = arith.constant 0 : i32
      %scan3A_248 = arith.constant 48 : i32
      %scan3A_249 = arith.addi %scan3A_247, %scan3A_248 : i32
      %scan3A_250 = arith.constant 1 : i32
      scf.for %scan3A_254 = %scan3A_247 to %scan3A_249 step %scan3A_250  : i32 {
        %get3A = arith.index_cast %scan3A_254 : i32 to index
        %get3A_255 = arith.constant 0 : index
        %get3A_256 = tpu.vector_load %arg11[%get3A, %get3A_255] {strides = array<i32>} : memref<48x16xf32, #tpu.memory_space<vmem>>, vector<1x16xf32>,
        %get3A_257 = vector.shape_cast %get3A_256 : vector<1x16xf32> to vector<16xf32>
        %gt3A = arith.constant 0.000000e+00 : f32
        %gt3A_258 = vector.broadcast %gt3A : f32 to vector<16xf32>
        %gt3A_259 = arith.cmpf ogt, %get3A_257, %gt3A_258 : vector<16xf32>
        %max3A = arith.constant 1.000000e+00 : f32
        %max3A_260 = vector.broadcast %max3A : f32 to vector<16xf32>
        %max3A_261 = arith.maximumf %get3A_257, %max3A_260 : vector<16xf32>
        %div3A = arith.constant 1.000000e+00 : f32
        %div3A_262 = vector.broadcast %div3A : f32 to vector<16xf32>
        %div3A_263 = arith.divf %div3A_262, %max3A_261 : vector<16xf32>
        %jit3A = arith.constant 0.000000e+00 : f32
        %broadcast_in_dim3A_264 = vector.broadcast %jit3A : f32 to vector<16xf32>
        %select_n3A = arith.select %gt3A_259, %div3A_263, %broadcast_in_dim3A_264 : vector<16xi1>, vector<16xf32>
        %get3A_265 = arith.index_cast %scan3A_254 : i32 to index
        %get3A_266 = arith.constant 0 : index
        %get3A_267 = tpu.vector_load %arg10[%get3A_265, %get3A_266] {strides = array<i32>} : memref<48x64xf32, #tpu.memory_space<vmem>>, vector<1x16xf32>,
        %get3A_268 = vector.shape_cast %get3A_267 : vector<1x16xf32> to vector<16xf32>
        %mul3A_269 = arith.mulf %get3A_268, %select_n3A : vector<16xf32>
        %swap3A = arith.index_cast %scan3A_254 : i32 to index
        %swap3A_270 = arith.constant 0 : index
        %swap3A_271 = tpu.vector_load %arg10[%swap3A, %swap3A_270] {strides = array<i32>} : memref<48x64xf32, #tpu.memory_space<vmem>>, vector<1x16xf32>,
        %swap3A_272 = vector.shape_cast %swap3A_271 : vector<1x16xf32> to vector<16xf32>
        %swap3A_273 = vector.shape_cast %mul3A_269 : vector<16xf32> to vector<1x16xf32>
        tpu.vector_store %arg10[%swap3A, %swap3A_270], %swap3A_273 {strides = array<i32>} : memref<48x64xf32, #tpu.memory_space<vmem>>, vector<1x16xf32>,
        %get3A_274 = arith.index_cast %scan3A_254 : i32 to index
        %get3A_275 = arith.constant 16 : index
        %get3A_276 = tpu.vector_load %arg10[%get3A_274, %get3A_275] {strides = array<i32>} : memref<48x64xf32, #tpu.memory_space<vmem>>, vector<1x16xf32>,
        %get3A_277 = vector.shape_cast %get3A_276 : vector<1x16xf32> to vector<16xf32>
        %mul3A_278 = arith.mulf %get3A_277, %select_n3A : vector<16xf32>
        %swap3A_279 = arith.index_cast %scan3A_254 : i32 to index
        %swap3A_280 = arith.constant 16 : index
        %swap3A_281 = tpu.vector_load %arg10[%swap3A_279, %swap3A_280] {strides = array<i32>} : memref<48x64xf32, #tpu.memory_space<vmem>>, vector<1x16xf32>,
        %swap3A_282 = vector.shape_cast %swap3A_281 : vector<1x16xf32> to vector<16xf32>
        %swap3A_283 = vector.shape_cast %mul3A_278 : vector<16xf32> to vector<1x16xf32>
        tpu.vector_store %arg10[%swap3A_279, %swap3A_280], %swap3A_283 {strides = array<i32>} : memref<48x64xf32, #tpu.memory_space<vmem>>, vector<1x16xf32>,
        %get3A_284 = arith.index_cast %scan3A_254 : i32 to index
        %get3A_285 = arith.constant 32 : index
        %get3A_286 = tpu.vector_load %arg10[%get3A_284, %get3A_285] {strides = array<i32>} : memref<48x64xf32, #tpu.memory_space<vmem>>, vector<1x16xf32>,
        %get3A_287 = vector.shape_cast %get3A_286 : vector<1x16xf32> to vector<16xf32>
        %mul3A_288 = arith.mulf %get3A_287, %select_n3A : vector<16xf32>
        %swap3A_289 = arith.index_cast %scan3A_254 : i32 to index
        %swap3A_290 = arith.constant 32 : index
        %swap3A_291 = tpu.vector_load %arg10[%swap3A_289, %swap3A_290] {strides = array<i32>} : memref<48x64xf32, #tpu.memory_space<vmem>>, vector<1x16xf32>,
        %swap3A_292 = vector.shape_cast %swap3A_291 : vector<1x16xf32> to vector<16xf32>
        %swap3A_293 = vector.shape_cast %mul3A_288 : vector<16xf32> to vector<1x16xf32>
        tpu.vector_store %arg10[%swap3A_289, %swap3A_290], %swap3A_293 {strides = array<i32>} : memref<48x64xf32, #tpu.memory_space<vmem>>, vector<1x16xf32>,
        %get3A_294 = arith.index_cast %scan3A_254 : i32 to index
        %get3A_295 = arith.constant 48 : index
        %get3A_296 = tpu.vector_load %arg10[%get3A_294, %get3A_295] {strides = array<i32>} : memref<48x64xf32, #tpu.memory_space<vmem>>, vector<1x16xf32>,
        %get3A_297 = vector.shape_cast %get3A_296 : vector<1x16xf32> to vector<16xf32>
        %mul3A_298 = arith.mulf %get3A_297, %select_n3A : vector<16xf32>
        %swap3A_299 = arith.index_cast %scan3A_254 : i32 to index
        %swap3A_300 = arith.constant 48 : index
        %swap3A_301 = tpu.vector_load %arg10[%swap3A_299, %swap3A_300] {strides = array<i32>} : memref<48x64xf32, #tpu.memory_space<vmem>>, vector<1x16xf32>,
        %swap3A_302 = vector.shape_cast %swap3A_301 : vector<1x16xf32> to vector<16xf32>
        %swap3A_303 = vector.shape_cast %mul3A_298 : vector<16xf32> to vector<1x16xf32>
        tpu.vector_store %arg10[%swap3A_299, %swap3A_300], %swap3A_303 {strides = array<i32>} : memref<48x64xf32, #tpu.memory_space<vmem>>, vector<1x16xf32>,
      }
      %scan3A_251 = arith.constant 48 : i32
      %mul3A_252 = arith.constant 64 : i32
      %mul3A_253 = arith.muli %arg0, %mul3A_252 : i32
      "tpu.region"() ({
        %run_scoped3A = tpu.sem_alloc : memref<!tpu.dma_semaphore, #tpu.memory_space<semaphore_mem>>
        %dma_start3A = arith.constant 0 : i32
        %dma_start3A_254 = arith.constant 0 : i32
        %dma_start3A_255 = tpu.memref_slice %arg10[%dma_start3A, %dma_start3A_254] : memref<48x64xf32, #tpu.memory_space<vmem>> -> memref<48x64xf32, #tpu.memory_space<vmem>>
        %dma_start3A_256 = tpu.memref_slice %arg6[%add3A_246, %mul3A_253] : memref<10000x128xf32, #tpu.memory_space<hbm>> -> memref<48x64xf32, #tpu.memory_space<hbm>>
        %dma_start3A_257 = tpu.memref_slice %arg6[%add3A_246, %mul3A_253] : memref<10000x128xf32, #tpu.memory_space<hbm>> -> memref<48x64xf32, #tpu.memory_space<hbm>>
        %dma_start3A_258 = arith.constant 0 : i32
        %dma_start3A_259 = arith.constant 0 : i32
        %dma_start3A_260 = tpu.memref_slice %arg10[%dma_start3A_258, %dma_start3A_259] : memref<48x64xf32, #tpu.memory_space<vmem>> -> memref<48x64xf32, #tpu.memory_space<vmem>>
        tpu.enqueue_dma source(%dma_start3A_260 : memref<48x64xf32, #tpu.memory_space<vmem>>) target(%dma_start3A_257 : memref<48x64xf32, #tpu.memory_space<hbm>>) target_semaphore(%run_scoped3A : memref<!tpu.dma_semaphore, #tpu.memory_space<semaphore_mem>>)
        %dma_wait3A_261 = arith.constant 0 : i32
        %dma_wait3A_262 = arith.constant 0 : i32
        %dma_wait3A_263 = tpu.memref_slice %arg10[%dma_wait3A_261, %dma_wait3A_262] : memref<48x64xf32, #tpu.memory_space<vmem>> -> memref<48x64xf32, #tpu.memory_space<vmem>>
        %dma_wait3A_264 = tpu.memref_slice %arg6[%add3A_246, %mul3A_253] : memref<10000x128xf32, #tpu.memory_space<hbm>> -> memref<48x64xf32, #tpu.memory_space<hbm>>
        %dma_wait3A_265 = tpu.memref_slice %arg6[%add3A_246, %mul3A_253] : memref<10000x128xf32, #tpu.memory_space<hbm>> -> memref<48x64xf32, #tpu.memory_space<hbm>>
        %dma_wait3A_266 = arith.constant 0 : i32
        %dma_wait3A_267 = arith.constant 0 : i32
        %dma_wait3A_268 = tpu.memref_slice %arg10[%dma_wait3A_266, %dma_wait3A_267] : memref<48x64xf32, #tpu.memory_space<vmem>> -> memref<48x64xf32, #tpu.memory_space<vmem>>
        tpu.wait_dma2 semaphore(%run_scoped3A : memref<!tpu.dma_semaphore, #tpu.memory_space<semaphore_mem>>) src(%dma_wait3A_268 : memref<48x64xf32, #tpu.memory_space<vmem>>) dst(%dma_wait3A_265 : memref<48x64xf32, #tpu.memory_space<hbm>>)
        tpu.yield
      }) : () -> ()
    }
    %scan3A_235 = arith.constant 13 : i32
    %eq3A_236 = arith.constant 15 : i32
    %eq3A_237 = arith.cmpi eq, %arg1, %eq3A_236 : i32
    %convert_element_type3A_238 = arith.extui %eq3A_237 : i1 to i32
    %cond3A_239 = arith.constant 0 : i32
    %cond3A_240 = arith.cmpi ne, %convert_element_type3A_238, %cond3A_239 : i32
    scf.if %cond3A_240 {
      "tpu.region"() ({
        %run_scoped3A = tpu.sem_alloc : memref<!tpu.dma_semaphore, #tpu.memory_space<semaphore_mem>>
        %dma_start3A = arith.constant 0 : i32
        %dma_start3A_248 = arith.constant 0 : i32
        %dma_start3A_249 = tpu.memref_slice %arg10[%dma_start3A, %dma_start3A_248] : memref<48x64xf32, #tpu.memory_space<vmem>> -> memref<16x64xf32, #tpu.memory_space<vmem>>
        %dma_start3A_250 = arith.constant 9984 : i32
        %dma_start3A_251 = arith.constant 0 : i32
        %dma_start3A_252 = tpu.memref_slice %arg13[%dma_start3A_250, %dma_start3A_251] : memref<10000x64xf32, #tpu.memory_space<vmem_shared>> -> memref<16x64xf32, #tpu.memory_space<vmem_shared>>
        %dma_start3A_253 = arith.constant 0 : i32
        %dma_start3A_254 = arith.constant 0 : i32
        %dma_start3A_255 = tpu.memref_slice %arg10[%dma_start3A_253, %dma_start3A_254] : memref<48x64xf32, #tpu.memory_space<vmem>> -> memref<16x64xf32, #tpu.memory_space<vmem>>
        %dma_start3A_256 = arith.constant 9984 : i32
        %dma_start3A_257 = arith.constant 0 : i32
        %dma_start3A_258 = tpu.memref_slice %arg13[%dma_start3A_256, %dma_start3A_257] : memref<10000x64xf32, #tpu.memory_space<vmem_shared>> -> memref<16x64xf32, #tpu.memory_space<vmem_shared>>
        tpu.enqueue_dma source(%dma_start3A_258 : memref<16x64xf32, #tpu.memory_space<vmem_shared>>) target(%dma_start3A_255 : memref<16x64xf32, #tpu.memory_space<vmem>>) target_semaphore(%run_scoped3A : memref<!tpu.dma_semaphore, #tpu.memory_space<semaphore_mem>>)
        %dma_wait3A_259 = arith.constant 0 : i32
        %dma_wait3A_260 = arith.constant 0 : i32
        %dma_wait3A_261 = tpu.memref_slice %arg10[%dma_wait3A_259, %dma_wait3A_260] : memref<48x64xf32, #tpu.memory_space<vmem>> -> memref<16x64xf32, #tpu.memory_space<vmem>>
        %dma_wait3A_262 = arith.constant 9984 : i32
        %dma_wait3A_263 = arith.constant 0 : i32
        %dma_wait3A_264 = tpu.memref_slice %arg13[%dma_wait3A_262, %dma_wait3A_263] : memref<10000x64xf32, #tpu.memory_space<vmem_shared>> -> memref<16x64xf32, #tpu.memory_space<vmem_shared>>
        %dma_wait3A_265 = arith.constant 0 : i32
        %dma_wait3A_266 = arith.constant 0 : i32
        %dma_wait3A_267 = tpu.memref_slice %arg10[%dma_wait3A_265, %dma_wait3A_266] : memref<48x64xf32, #tpu.memory_space<vmem>> -> memref<16x64xf32, #tpu.memory_space<vmem>>
        %dma_wait3A_268 = arith.constant 9984 : i32
        %dma_wait3A_269 = arith.constant 0 : i32
        %dma_wait3A_270 = tpu.memref_slice %arg13[%dma_wait3A_268, %dma_wait3A_269] : memref<10000x64xf32, #tpu.memory_space<vmem_shared>> -> memref<16x64xf32, #tpu.memory_space<vmem_shared>>
        tpu.wait_dma2 semaphore(%run_scoped3A : memref<!tpu.dma_semaphore, #tpu.memory_space<semaphore_mem>>) src(%dma_wait3A_270 : memref<16x64xf32, #tpu.memory_space<vmem_shared>>) dst(%dma_wait3A_267 : memref<16x64xf32, #tpu.memory_space<vmem>>)
        tpu.yield
      }) : () -> ()
      "tpu.region"() ({
        %run_scoped3A = tpu.sem_alloc : memref<!tpu.dma_semaphore, #tpu.memory_space<semaphore_mem>>
        %dma_start3A = arith.constant 0 : i32
        %dma_start3A_248 = arith.constant 0 : i32
        %dma_start3A_249 = tpu.memref_slice %arg11[%dma_start3A, %dma_start3A_248] : memref<48x16xf32, #tpu.memory_space<vmem>> -> memref<16x16xf32, #tpu.memory_space<vmem>>
        %dma_start3A_250 = arith.constant 9984 : i32
        %dma_start3A_251 = arith.constant 0 : i32
        %dma_start3A_252 = tpu.memref_slice %arg14[%dma_start3A_250, %dma_start3A_251] : memref<10000x16xf32, #tpu.memory_space<vmem_shared>> -> memref<16x16xf32, #tpu.memory_space<vmem_shared>>
        %dma_start3A_253 = arith.constant 0 : i32
        %dma_start3A_254 = arith.constant 0 : i32
        %dma_start3A_255 = tpu.memref_slice %arg11[%dma_start3A_253, %dma_start3A_254] : memref<48x16xf32, #tpu.memory_space<vmem>> -> memref<16x16xf32, #tpu.memory_space<vmem>>
        %dma_start3A_256 = arith.constant 9984 : i32
        %dma_start3A_257 = arith.constant 0 : i32
        %dma_start3A_258 = tpu.memref_slice %arg14[%dma_start3A_256, %dma_start3A_257] : memref<10000x16xf32, #tpu.memory_space<vmem_shared>> -> memref<16x16xf32, #tpu.memory_space<vmem_shared>>
        tpu.enqueue_dma source(%dma_start3A_258 : memref<16x16xf32, #tpu.memory_space<vmem_shared>>) target(%dma_start3A_255 : memref<16x16xf32, #tpu.memory_space<vmem>>) target_semaphore(%run_scoped3A : memref<!tpu.dma_semaphore, #tpu.memory_space<semaphore_mem>>)
        %dma_wait3A_259 = arith.constant 0 : i32
        %dma_wait3A_260 = arith.constant 0 : i32
        %dma_wait3A_261 = tpu.memref_slice %arg11[%dma_wait3A_259, %dma_wait3A_260] : memref<48x16xf32, #tpu.memory_space<vmem>> -> memref<16x16xf32, #tpu.memory_space<vmem>>
        %dma_wait3A_262 = arith.constant 9984 : i32
        %dma_wait3A_263 = arith.constant 0 : i32
        %dma_wait3A_264 = tpu.memref_slice %arg14[%dma_wait3A_262, %dma_wait3A_263] : memref<10000x16xf32, #tpu.memory_space<vmem_shared>> -> memref<16x16xf32, #tpu.memory_space<vmem_shared>>
        %dma_wait3A_265 = arith.constant 0 : i32
        %dma_wait3A_266 = arith.constant 0 : i32
        %dma_wait3A_267 = tpu.memref_slice %arg11[%dma_wait3A_265, %dma_wait3A_266] : memref<48x16xf32, #tpu.memory_space<vmem>> -> memref<16x16xf32, #tpu.memory_space<vmem>>
        %dma_wait3A_268 = arith.constant 9984 : i32
        %dma_wait3A_269 = arith.constant 0 : i32
        %dma_wait3A_270 = tpu.memref_slice %arg14[%dma_wait3A_268, %dma_wait3A_269] : memref<10000x16xf32, #tpu.memory_space<vmem_shared>> -> memref<16x16xf32, #tpu.memory_space<vmem_shared>>
        tpu.wait_dma2 semaphore(%run_scoped3A : memref<!tpu.dma_semaphore, #tpu.memory_space<semaphore_mem>>) src(%dma_wait3A_270 : memref<16x16xf32, #tpu.memory_space<vmem_shared>>) dst(%dma_wait3A_267 : memref<16x16xf32, #tpu.memory_space<vmem>>)
        tpu.yield
      }) : () -> ()
      %scan3A_241 = arith.constant 0 : i32
      %scan3A_242 = arith.constant 16 : i32
      %scan3A_243 = arith.addi %scan3A_241, %scan3A_242 : i32
      %scan3A_244 = arith.constant 1 : i32
      scf.for %scan3A_248 = %scan3A_241 to %scan3A_243 step %scan3A_244  : i32 {
        %get3A = arith.index_cast %scan3A_248 : i32 to index
        %get3A_249 = arith.constant 0 : index
        %get3A_250 = tpu.vector_load %arg11[%get3A, %get3A_249] {strides = array<i32>} : memref<48x16xf32, #tpu.memory_space<vmem>>, vector<1x16xf32>,
        %get3A_251 = vector.shape_cast %get3A_250 : vector<1x16xf32> to vector<16xf32>
        %gt3A = arith.constant 0.000000e+00 : f32
        %gt3A_252 = vector.broadcast %gt3A : f32 to vector<16xf32>
        %gt3A_253 = arith.cmpf ogt, %get3A_251, %gt3A_252 : vector<16xf32>
        %max3A = arith.constant 1.000000e+00 : f32
        %max3A_254 = vector.broadcast %max3A : f32 to vector<16xf32>
        %max3A_255 = arith.maximumf %get3A_251, %max3A_254 : vector<16xf32>
        %div3A = arith.constant 1.000000e+00 : f32
        %div3A_256 = vector.broadcast %div3A : f32 to vector<16xf32>
        %div3A_257 = arith.divf %div3A_256, %max3A_255 : vector<16xf32>
        %jit3A = arith.constant 0.000000e+00 : f32
        %broadcast_in_dim3A_258 = vector.broadcast %jit3A : f32 to vector<16xf32>
        %select_n3A = arith.select %gt3A_253, %div3A_257, %broadcast_in_dim3A_258 : vector<16xi1>, vector<16xf32>
        %get3A_259 = arith.index_cast %scan3A_248 : i32 to index
        %get3A_260 = arith.constant 0 : index
        %get3A_261 = tpu.vector_load %arg10[%get3A_259, %get3A_260] {strides = array<i32>} : memref<48x64xf32, #tpu.memory_space<vmem>>, vector<1x16xf32>,
        %get3A_262 = vector.shape_cast %get3A_261 : vector<1x16xf32> to vector<16xf32>
        %mul3A_263 = arith.mulf %get3A_262, %select_n3A : vector<16xf32>
        %swap3A = arith.index_cast %scan3A_248 : i32 to index
        %swap3A_264 = arith.constant 0 : index
        %swap3A_265 = tpu.vector_load %arg10[%swap3A, %swap3A_264] {strides = array<i32>} : memref<48x64xf32, #tpu.memory_space<vmem>>, vector<1x16xf32>,
        %swap3A_266 = vector.shape_cast %swap3A_265 : vector<1x16xf32> to vector<16xf32>
        %swap3A_267 = vector.shape_cast %mul3A_263 : vector<16xf32> to vector<1x16xf32>
        tpu.vector_store %arg10[%swap3A, %swap3A_264], %swap3A_267 {strides = array<i32>} : memref<48x64xf32, #tpu.memory_space<vmem>>, vector<1x16xf32>,
        %get3A_268 = arith.index_cast %scan3A_248 : i32 to index
        %get3A_269 = arith.constant 16 : index
        %get3A_270 = tpu.vector_load %arg10[%get3A_268, %get3A_269] {strides = array<i32>} : memref<48x64xf32, #tpu.memory_space<vmem>>, vector<1x16xf32>,
        %get3A_271 = vector.shape_cast %get3A_270 : vector<1x16xf32> to vector<16xf32>
        %mul3A_272 = arith.mulf %get3A_271, %select_n3A : vector<16xf32>
        %swap3A_273 = arith.index_cast %scan3A_248 : i32 to index
        %swap3A_274 = arith.constant 16 : index
        %swap3A_275 = tpu.vector_load %arg10[%swap3A_273, %swap3A_274] {strides = array<i32>} : memref<48x64xf32, #tpu.memory_space<vmem>>, vector<1x16xf32>,
        %swap3A_276 = vector.shape_cast %swap3A_275 : vector<1x16xf32> to vector<16xf32>
        %swap3A_277 = vector.shape_cast %mul3A_272 : vector<16xf32> to vector<1x16xf32>
        tpu.vector_store %arg10[%swap3A_273, %swap3A_274], %swap3A_277 {strides = array<i32>} : memref<48x64xf32, #tpu.memory_space<vmem>>, vector<1x16xf32>,
        %get3A_278 = arith.index_cast %scan3A_248 : i32 to index
        %get3A_279 = arith.constant 32 : index
        %get3A_280 = tpu.vector_load %arg10[%get3A_278, %get3A_279] {strides = array<i32>} : memref<48x64xf32, #tpu.memory_space<vmem>>, vector<1x16xf32>,
        %get3A_281 = vector.shape_cast %get3A_280 : vector<1x16xf32> to vector<16xf32>
        %mul3A_282 = arith.mulf %get3A_281, %select_n3A : vector<16xf32>
        %swap3A_283 = arith.index_cast %scan3A_248 : i32 to index
        %swap3A_284 = arith.constant 32 : index
        %swap3A_285 = tpu.vector_load %arg10[%swap3A_283, %swap3A_284] {strides = array<i32>} : memref<48x64xf32, #tpu.memory_space<vmem>>, vector<1x16xf32>,
        %swap3A_286 = vector.shape_cast %swap3A_285 : vector<1x16xf32> to vector<16xf32>
        %swap3A_287 = vector.shape_cast %mul3A_282 : vector<16xf32> to vector<1x16xf32>
        tpu.vector_store %arg10[%swap3A_283, %swap3A_284], %swap3A_287 {strides = array<i32>} : memref<48x64xf32, #tpu.memory_space<vmem>>, vector<1x16xf32>,
        %get3A_288 = arith.index_cast %scan3A_248 : i32 to index
        %get3A_289 = arith.constant 48 : index
        %get3A_290 = tpu.vector_load %arg10[%get3A_288, %get3A_289] {strides = array<i32>} : memref<48x64xf32, #tpu.memory_space<vmem>>, vector<1x16xf32>,
        %get3A_291 = vector.shape_cast %get3A_290 : vector<1x16xf32> to vector<16xf32>
        %mul3A_292 = arith.mulf %get3A_291, %select_n3A : vector<16xf32>
        %swap3A_293 = arith.index_cast %scan3A_248 : i32 to index
        %swap3A_294 = arith.constant 48 : index
        %swap3A_295 = tpu.vector_load %arg10[%swap3A_293, %swap3A_294] {strides = array<i32>} : memref<48x64xf32, #tpu.memory_space<vmem>>, vector<1x16xf32>,
        %swap3A_296 = vector.shape_cast %swap3A_295 : vector<1x16xf32> to vector<16xf32>
        %swap3A_297 = vector.shape_cast %mul3A_292 : vector<16xf32> to vector<1x16xf32>
        tpu.vector_store %arg10[%swap3A_293, %swap3A_294], %swap3A_297 {strides = array<i32>} : memref<48x64xf32, #tpu.memory_space<vmem>>, vector<1x16xf32>,
      }
      %scan3A_245 = arith.constant 16 : i32
      %mul3A_246 = arith.constant 64 : i32
      %mul3A_247 = arith.muli %arg0, %mul3A_246 : i32
      "tpu.region"() ({
        %run_scoped3A = tpu.sem_alloc : memref<!tpu.dma_semaphore, #tpu.memory_space<semaphore_mem>>
        %dma_start3A = arith.constant 0 : i32
        %dma_start3A_248 = arith.constant 0 : i32
        %dma_start3A_249 = tpu.memref_slice %arg10[%dma_start3A, %dma_start3A_248] : memref<48x64xf32, #tpu.memory_space<vmem>> -> memref<16x64xf32, #tpu.memory_space<vmem>>
        %dma_start3A_250 = arith.constant 9984 : i32
        %dma_start3A_251 = tpu.memref_slice %arg6[%dma_start3A_250, %mul3A_247] : memref<10000x128xf32, #tpu.memory_space<hbm>> -> memref<16x64xf32, #tpu.memory_space<hbm>>
        %dma_start3A_252 = arith.constant 9984 : i32
        %dma_start3A_253 = tpu.memref_slice %arg6[%dma_start3A_252, %mul3A_247] : memref<10000x128xf32, #tpu.memory_space<hbm>> -> memref<16x64xf32, #tpu.memory_space<hbm>>
        %dma_start3A_254 = arith.constant 0 : i32
        %dma_start3A_255 = arith.constant 0 : i32
        %dma_start3A_256 = tpu.memref_slice %arg10[%dma_start3A_254, %dma_start3A_255] : memref<48x64xf32, #tpu.memory_space<vmem>> -> memref<16x64xf32, #tpu.memory_space<vmem>>
        tpu.enqueue_dma source(%dma_start3A_256 : memref<16x64xf32, #tpu.memory_space<vmem>>) target(%dma_start3A_253 : memref<16x64xf32, #tpu.memory_space<hbm>>) target_semaphore(%run_scoped3A : memref<!tpu.dma_semaphore, #tpu.memory_space<semaphore_mem>>)
        %dma_wait3A_257 = arith.constant 0 : i32
        %dma_wait3A_258 = arith.constant 0 : i32
        %dma_wait3A_259 = tpu.memref_slice %arg10[%dma_wait3A_257, %dma_wait3A_258] : memref<48x64xf32, #tpu.memory_space<vmem>> -> memref<16x64xf32, #tpu.memory_space<vmem>>
        %dma_wait3A_260 = arith.constant 9984 : i32
        %dma_wait3A_261 = tpu.memref_slice %arg6[%dma_wait3A_260, %mul3A_247] : memref<10000x128xf32, #tpu.memory_space<hbm>> -> memref<16x64xf32, #tpu.memory_space<hbm>>
        %dma_wait3A_262 = arith.constant 9984 : i32
        %dma_wait3A_263 = tpu.memref_slice %arg6[%dma_wait3A_262, %mul3A_247] : memref<10000x128xf32, #tpu.memory_space<hbm>> -> memref<16x64xf32, #tpu.memory_space<hbm>>
        %dma_wait3A_264 = arith.constant 0 : i32
        %dma_wait3A_265 = arith.constant 0 : i32
        %dma_wait3A_266 = tpu.memref_slice %arg10[%dma_wait3A_264, %dma_wait3A_265] : memref<48x64xf32, #tpu.memory_space<vmem>> -> memref<16x64xf32, #tpu.memory_space<vmem>>
        tpu.wait_dma2 semaphore(%run_scoped3A : memref<!tpu.dma_semaphore, #tpu.memory_space<semaphore_mem>>) src(%dma_wait3A_266 : memref<16x64xf32, #tpu.memory_space<vmem>>) dst(%dma_wait3A_263 : memref<16x64xf32, #tpu.memory_space<hbm>>)
        tpu.yield
      }) : () -> ()
    } else {
    }
    return
  }
}

</mosaic_0001>

<sc_bundles>
// kernel: kernel.3.cloned.1.call-start
scs
__scs_entry_jumppad:
0x0: {  	(pc) =	sbr.rel $0x88, $3  }
0x1: {  	(tag) =	ssettag $0x0;
	lr =	simm.s32 $0x1  }
0x2: {  	[smem:$0x3F9D] =	sst lr;
	_ =	strace $0xD0000000  }
0x3: {  	_ = 	snop  }
0x4: {  	_ = 	snop  }
0x5: {  	_ = 	snop  }
0x6: {  	_ = 	snop  }
0x7: {  	_ = 	snop  }
__scs_overlays_trampoline_lowered:
0x8: {  	[smem:$0x3FAC] =	sst s0  }
0x9: {  	[smem:$0x3FAD] =	sst s1  }
0xa: {  	[smem:$0x3FAE] =	sst s2  }
0xb: {  	[smem:$0x3FAF] =	sst s3  }
0xc: {  	[smem:$0x3FB0] =	sst s4  }
0xd: {  	[smem:$0x3FB1] =	sst s5  }
0xe: {  	[smem:$0x3FB2] =	sst s6  }
0xf: {  	[smem:$0x3FB3] =	sst s7  }
0x10: {  	[smem:$0x3FB4] =	sst s8  }
0x11: {  	[smem:$0x3FB5] =	sst s9;
	s0 =	simm.s32 @!p0 $0x0  }
0x12: {  	s1 =	sld [smem:$0x3F9B];
	s0 =	simm.s32 @p0 $0x1  }
0x13: {  	[smem:$0x3FB6] =	sst s0;
	s0 =	simm.s32 @!p1 $0x0  }
0x14: {  	s2 =	sld [smem:$0x3F9A];
	s0 =	simm.s32 @p1 $0x1  }
0x15: {  	[smem:$0x3FB7] =	sst s0;
	s0 =	simm.s32 @!p2 $0x0  }
0x16: {  	s3 =	sld [smem:$0x3FDB];
	s0 =	simm.s32 @p2 $0x1  }
0x17: {  	s4 =	simm.s32 $0x1BF5;
	[smem:$0x3FB9] =	sst s0  }
0x18: {  	s0 =	sld [smem:$0x3F9C];
	_ =	swait.ge [sflag:s4], $0x0  }
0x19: {  	s7 =	sld [smem:$0x3F9D]  }
0x1a: {  	s8 =	sadd.s32 $0xFFFFE003, lr  }
0x1b: {  	s9 =	sadd.s32 $0xFFFFFEF7, lr;
	s5 =	simm.s32 $0xFFFFFFFF;
	p2 =	slt.u32 s8, $0xFFFFF086  }
0x1c: {  	p1 =	slt.u32 s9, $0xF7A;
	s5 =	simm.s32 @!p2 $0x0  }
0x1d: {  	s5 =	simm.s32 @p1 $0x1;
	p0 =	seq.s32 s7, s2  }
0x1e: {  	s7 =	smul.u32 @!p0 $0xF7A, s2;
	p2 =	seq.s32 @!p0 s5, $0x0  }
0x1f: {  	s9 =	smul.u32 $0xF7A, s1;
	s8 =	simm.s32 @!p0 $0x1BF5;
	p2 =	por !p2, p0  }
0x20: {  	[sflag:s8] =	ssyncset.s32 @!p0 $0xFFFFF086;
	s6 =	sadd.s32 @!p0 s3, s7;
	s7 =	simm.s32 @!p0 $0x108  }
0x21: {  	s3 =	sadd.s32 s3, s9;
	s6 =	sadd.s32 @!p0 $0x88, s6;
	s7 =	simm.s32 @p2 $0x1082  }
0x22: {  	[simem:s7], [sflag:s8] =	dma.local @!p0 [hbm:s6], $0xF7A  }
0x23: {  	s9 =	sor.u32 $0xD0000000, s2;
	s6 =	simm.s32 $0x108;
	_ =	swait.ge @!p0 [sflag:s8], $0x0  }
0x24: {  	s3 =	sadd.s32 $0x88, s3;
	s6 =	simm.s32 @!p1 $0x1082;
	[sflag:s4] =	ssyncset.s32 $0xFFFFF086  }
0x25: {  	[simem:s6], [sflag:s4] =	dma.local [hbm:s3], $0xF7A  }
0x26: {  	[smem:$0x3F9D] =	sst s1;
	(tag) =	ssettag s2;
	_ =	strace s9  }
0x27: {  	s1 =	sld [smem:$0x3FAD]  }
0x28: {  	s2 =	sld [smem:$0x3FAE]  }
0x29: {  	s4 =	sld [smem:$0x3FB0]  }
0x2a: {  	p0 =	seq.s32 s5, $0x0;
	s5 =	sld [smem:$0x3FB1]  }
0x2b: {  	s6 =	sld [smem:$0x3FB2]  }
0x2c: {  	s7 =	sld [smem:$0x3FB3]  }
0x2d: {  	s3 =	simm.s32 $0x108;
	s8 =	sld [smem:$0x3FB4]  }
0x2e: {  	s3 =	simm.s32 @!p0 $0x1082;
	s9 =	sld [smem:$0x3FB5]  }
0x2f: {  	lr =	sadd.s32 s0, s3;
	s0 =	sld [smem:$0x3FAC]  }
0x30: {  	s3 =	sld [smem:$0x3FAF]  }
0x31: {  	[smem:$0x3FB8] =	sst s10  }
0x32: {  	s10 =	sld [smem:$0x3FB6];
	_ =	sdelay $0x3  }
0x33: {  	p0 =	seq.s32 s10, $0x1;
	s10 =	sld [smem:$0x3FB8];
	_ =	sdelay $0x3  }
0x34: {  	[smem:$0x3FB8] =	sst s10  }
0x35: {  	s10 =	sld [smem:$0x3FB7];
	_ =	sdelay $0x3  }
0x36: {  	p1 =	seq.s32 s10, $0x1;
	s10 =	sld [smem:$0x3FB8];
	_ =	sdelay $0x3  }
0x37: {  	[smem:$0x3FB8] =	sst s10  }
0x38: {  	s10 =	sld [smem:$0x3FB9]  }
0x39: {  	_ = 	snop;
	(pc) =	sbr.ind lr, $3  }
0x3a: {  	_ = 	snop  }
0x3b: {  	_ = 	snop  }
0x3c: {  	p2 =	seq.s32 s10, $0x1;
	s10 =	sld [smem:$0x3FB8]  }
0x3d: {  	_ =	shalt  }
0x3e: {  	_ =	shalt  }
0x3f: {  	_ =	shalt  }
0x40: {  	_ =	shalt  }
0x41: {  	_ =	shalt  }
0x42: {  	_ =	shalt  }
0x43: {  	_ =	shalt  }
0x44: {  	_ =	shalt  }
0x45: {  	_ =	shalt  }
0x46: {  	_ =	shalt  }
0x47: {  	_ =	shalt  }
0x48: {  	_ =	shalt  }
0x49: {  	_ =	shalt  }
0x4a: {  	_ =	shalt  }
0x4b: {  	_ =	shalt  }
0x4c: {  	_ =	shalt  }
0x4d: {  	_ =	shalt  }
0x4e: {  	_ =	shalt  }
0x4f: {  	_ =	shalt  }
0x50: {  	_ =	shalt  }
0x51: {  	_ =	shalt  }
0x52: {  	_ =	shalt  }
0x53: {  	_ =	shalt  }
0x54: {  	_ =	shalt  }
0x55: {  	_ =	shalt  }
0x56: {  	_ =	shalt  }
0x57: {  	_ =	shalt  }
0x58: {  	_ =	shalt  }
0x59: {  	_ =	shalt  }
0x5a: {  	_ =	shalt  }
0x5b: {  	_ =	shalt  }
0x5c: {  	_ =	shalt  }
0x5d: {  	_ =	shalt  }
0x5e: {  	_ =	shalt  }
0x5f: {  	_ =	shalt  }
0x60: {  	_ =	shalt  }
0x61: {  	_ =	shalt  }
0x62: {  	_ =	shalt  }
0x63: {  	_ =	shalt  }
0x64: {  	_ =	shalt  }
0x65: {  	_ =	shalt  }
0x66: {  	_ =	shalt  }
0x67: {  	_ =	shalt  }
0x68: {  	_ =	shalt  }
0x69: {  	_ =	shalt  }
0x6a: {  	_ =	shalt  }
0x6b: {  	_ =	shalt  }
0x6c: {  	_ =	shalt  }
0x6d: {  	_ =	shalt  }
0x6e: {  	_ =	shalt  }
0x6f: {  	_ =	shalt  }
0x70: {  	_ =	shalt  }
0x71: {  	_ =	shalt  }
0x72: {  	_ =	shalt  }
0x73: {  	_ =	shalt  }
0x74: {  	_ =	shalt  }
0x75: {  	_ =	shalt  }
0x76: {  	_ =	shalt  }
0x77: {  	_ =	shalt  }
0x78: {  	_ =	shalt  }
0x79: {  	_ =	shalt  }
0x7a: {  	_ =	shalt  }
0x7b: {  	_ =	shalt  }
0x7c: {  	_ =	shalt  }
0x7d: {  	_ =	shalt  }
0x7e: {  	_ =	shalt  }
0x7f: {  	_ =	shalt  }
0x80: {  	_ =	shalt  }
0x81: {  	_ =	shalt  }
0x82: {  	_ =	shalt  }
0x83: {  	_ =	shalt  }
0x84: {  	_ =	shalt  }
0x85: {  	_ =	shalt  }
0x86: {  	_ =	shalt  }
0x87: {  	_ =	shalt  }
.Lfunc_end0:
.L_simem_size_0:
called_computation_lowered:
.L_overlay_start_0:
0x88: {  	s2 =	sld [smem:$0x3FD9]  }
0x89: {  	s3 =	sld [smem:$0x3FFE];
	_ =	sdelay $0x1  }
0x8a: {  	s1 =	srdreg.scid  }
0x8b: {  	s0 =	sand.u32 $0x1, s1  }
0x8c: {  	s17 =	sshll.u32 s0, $0xA;
	s2 =	sadd.s32 s3, s2  }
0x8d: {  	s2 =	sadd.s32 s2, s17  }
0x8e: {  	[smem:$0x3FC4] =	sst s2  }
0x8f: {  	_ = 	snop  }
0x90: {  	s2 =	sld [smem:$0x3FC9]  }
0x91: {  	s18 =	sld [smem:$0x3FC8]  }
0x92: {  	s4 =	sld [smem:$0x3FD0];
	(tm) =	ssettm $0x1  }
0x93: {  	s5 =	sld [smem:$0x3FFB];
	_ =	sdelay $0x3  }
0x94: {  	_ =	strace s5  }
0x95: {  	s5 =	sld [smem:$0x3FFC];
	_ =	sdelay $0x3  }
0x96: {  	_ =	strace s5  }
0x97: {  	s5 =	sld [smem:$0x3FFD];
	_ =	sdelay $0x3  }
0x98: {  	_ =	strace s5  }
0x99: {  	_ =	strace $0x8FFFFFFF  }
0x9a: {  	s19 =	sld [smem:$0x3FDB];
	_ =	sdelay $0x1  }
0x9b: {  	s6 =	simm.s32 $_scs_section_size  }
0x9c: {  	s7 =	simm.s32 $_size__tile_overlayer_lowered;
	s8 =	simm.s32 $_tile_overlayer_lowered  }
0x9d: {  	s22 =	simm.s32 $0x1BFF;
	s21 =	sshll.u32 s8, $0x1;
	s5 =	sadd.s32 s6, s19  }
0x9e: {  	s9 =	simm.s32 $0x0;
	s20 =	sshll.u32 s7, $0x1;
	s7 =	sadd.s32 s21, s5  }
0x9f: {  	[timem:s9], [sflag:s22] =	dma.local [hbm:s7], s20  }
0xa0: {  	_ =	swait.ge [sflag:s22], s20  }
0xa1: {  	s6 =	ssub.s32 $0x0, s20;
	[sflag:s22] =	ssyncset.done $0x0  }
0xa2: {  	[sflag:s22] =	ssyncadd.s32 s6;
	_ =	sdelay $0x1  }
0xa3: {  	s23 =	simm.s32 $0x1B8B  }
0xa4: {  	_ =	swait.ge [sflag:s23], $0x1  }
0xa5: {  	[sflag:s23] =	ssyncset.done $0x0  }
0xa6: {  	s25 =	simm.s32 $0x1B8E;
	s24 =	sld [smem:$0x3FFE];
	[sflag:s23] =	ssyncadd.s32 $0xFFFFFFFF  }
0xa7: {  	s26 =	simm.s32 $execute0_lowered;
	[smem:$0x3FD2] =	sst s25  }
0xa8: {  	s7 =	sshll.u32 s26, $0x1;
	_ =	strace $0x80000046;
	[dreg:$0x1] =	wrdreg $0xFFFFFFFF  }
0xa9: {  	s28 =	simm.s32 $_size_execute0_lowered;
	s5 =	sadd.s32 s5, s7;
	[dreg:$0x0] =	wrdreg $0x0  }
0xaa: {  	s7 =	sshll.u32 s28, $0x1;
	[dreg:$0x2] =	wrdreg s5  }
0xab: {  	[dreg:$0x3] =	wrdreg s7  }
0xac: {  	[dreg:$0x4] =	wrdreg $0xC0  }
0xad: {  	_ =	task [dreg:s9], $0x5FFFF  }
0xae: {  	[dreg:$0x1] =	wrdreg $0xFFFFFFFF  }
0xaf: {  	[dreg:$0x0] =	wrdreg $0x60  }
0xb0: {  	[dreg:$0x2] =	wrdreg s2  }
0xb1: {  	[dreg:$0x3] =	wrdreg s18  }
0xb2: {  	[dreg:$0x4] =	wrdreg s24  }
0xb3: {  	[dreg:$0x5] =	wrdreg s4  }
0xb4: {  	[dreg:$0x6] =	wrdreg $0x114400  }
0xb5: {  	[dreg:$0x7] =	wrdreg $0x1B0800  }
0xb6: {  	[dreg:$0x8] =	wrdreg $0x9  }
0xb7: {  	_ =	task.clear_ibuf [dreg:s9], $0x9FFFF;
	_ =	strace $0x90000046  }
0xb8: {  	s29 =	simm.s32 $0x9;
	_ =	strace $0x80000048  }
0xb9: {  	_ =	swait.ge [sflag:s29], $0x1  }
0xba: {  	[sflag:s29] =	ssyncadd.s32 $0xFFFFFFFF  }
0xbb: {  	_ =	strace $0x90000048  }
0xbc: {  	_ =	sfence  }
0xbd: {  	s30 =	sld [smem:$0x0];
	_ =	sdelay $0x2  }
0xbe: {  	s31 =	sshll.u32 s1, $0xD;
	s1 =	sshrl.u32 s1, $0x2  }
0xbf: {  	s3 =	sand.u32 $0x4000, s31;
	s1 =	sadd.s32 s1, s30  }
0xc0: {  	s0 =	sor.u32 s3, s0;
	s1 =	sshll.u32 s1, $0x11  }
0xc1: {  	s0 =	sor.u32 s1, s0  }
0xc2: {  	s0 =	sadd.s32 $0x8F2B, s0  }
0xc3: {  	[sflag:s0] =	ssyncadd.remote.s32 $0x1  }
0xc4: {  	_ =	sfence.sel $0xFFFF  }
0xc5: {  	[dreg:$0x0] =	wrdreg $0xFFFFFFFF;
	(pc) =	sbr.abs _section_cstart, $3  }
0xc6: {  	[dreg:$0x1] =	wrdreg $0xFFFFFFFF  }
0xc7: {  	_ =	task.clear_ibuf [dreg:s9], $0x2FFFF;
	_ =	strace $0x9FFFFFFF  }
0xc8: {  	(tm) =	ssettm $0x7FFFFFFF  }
0xc9: {  	_ =	shalt  }
tec
execute0_lowered:
.L_overlay_start_1:
0x0: {  	(tag) =	ssettag $0x1  }
0x1: {  	s1 =	rddreg [dreg:$0x0]  }
0x2: {  	s4 =	rddreg [dreg:$0x1]  }
0x3: {  	s6 =	rddreg [dreg:$0x2]  }
0x4: {  	s7 =	rddreg [dreg:$0x3]  }
0x5: {  	s2 =	rddreg [dreg:$0x4]  }
0x6: {  	s3 =	rddreg [dreg:$0x5];
	s13 =	stileid.u32  }
0x7: {  	s0 =	srdreg.scid;
	s10 =	simm.s32 $0x0;
	s8 =	smul.u32 $0x9C4, s13  }
0x8: {  	s28 =	simm.s32 $0x4;
	s29 =	simm.s32 $0x7;
	s5 =	smul.u32 $0x270, s13  }
0x9: {  	s30 =	simm.s32 $0x5;
	s31 =	simm.s32 $0x8;
	s21 =	smul.u32 $0x27000, s13  }
0xa: {  	s9 =	sand.u32 $0x1, s0;
	[smem:$0x7FF] =	sst s10;
	s12 =	smul.u32 $0x9C00, s13  }
0xb: {  	s0 =	ssub.s32 $0x2, s9;
	_ =	strace $0x80000047;
	p0 =	seq.s32 s9, $0x0  }
0xc: {  	s11 =	sshrl.u32 s0, $0x1;
	s1 =	sadd.s32 s1, s8;
	s22 =	sadd.s32 s4, s8  }
0xd: {  	s23 =	sshrl.u32 s21, $0x2;
	s24 =	sshrl.u32 s12, $0x2;
	s25 =	sadd.s32 $0x30, s5  }
0xe: {  	s10 =	sadd.s32 $0x60, s5;
	s14 =	sadd.s32 $0x90, s5;
	s16 =	sadd.s32 $0xC0, s5  }
0xf: {  	s19 =	sadd.s32 $0xF0, s5;
	s0 =	ssub.s32 s0, s11;
	[dreg:$0x7] =	wrdreg s1  }
0x10: {  	[dreg:$0x8] =	wrdreg s22;
	s1 =	sadd.s32 s23, s2;
	s26 =	sadd.s32 s24, s3  }
0x11: {  	s4 =	sshll.u32 s25, $0x6;
	s8 =	sshll.u32 s25, $0x4;
	s11 =	sshll.u32 s10, $0x6  }
0x12: {  	s15 =	sshll.u32 s14, $0x6;
	s17 =	sshll.u32 s16, $0x6;
	s18 =	sshll.u32 s16, $0x4  }
0x13: {  	s20 =	sshll.u32 s19, $0x6;
	s22 =	sadd.s32 $0x120, s5;
	s23 =	sshll.u32 s9, $0x3  }
0x14: {  	s25 =	sadd.s32 $0x150, s5;
	s9 =	sadd.s32 $0x1B0, s5;
	[dreg:$0x9] =	wrdreg s1  }
0x15: {  	[dreg:$0xa] =	wrdreg s26;
	s1 =	sadd.s32 s4, s2;
	s4 =	sshll.u32 s10, $0x4  }
0x16: {  	s24 =	sshll.u32 s22, $0x6;
	s26 =	sshll.u32 s25, $0x6;
	s10 =	sshll.u32 s9, $0x6  }
0x17: {  	s0 =	smax.u32 s0, $0x1;
	[dreg:$0xb] =	wrdreg s1;
	s1 =	sadd.s32 s8, s3  }
0x18: {  	s12 =	sadd.s32 s4, s3;
	s4 =	sadd.s32 s15, s2;
	[smem:$0x7FA] =	sst s0  }
0x19: {  	s8 =	simm.s32 $0x2600;
	s15 =	sadd.s32 $0x210, s5;
	[dreg:$0xc] =	wrdreg s1  }
0x1a: {  	s0 =	simm.s32 $0x80;
	s1 =	sadd.s32 s11, s2;
	[dreg:$0xe] =	wrdreg s12  }
0x1b: {  	[dreg:$0xf] =	wrdreg s4;
	s4 =	sshll.u32 s19, $0x4;
	s8 =	simm.s32 @!p0 $0x600  }
0x1c: {  	s11 =	sadd.s32 $0x1E0, s5;
	s16 =	sshll.u32 s15, $0x6;
	p0 =	sne.s32 s13, $0xF  }
0x1d: {  	s13 =	simm.s32 $0x10C40;
	[dreg:$0xd] =	wrdreg s1;
	s1 =	sshll.u32 s14, $0x4  }
0x1e: {  	s21 =	sadd.s32 s4, s3;
	s4 =	sadd.s32 s24, s2;
	s12 =	sshll.u32 s11, $0x6  }
0x1f: {  	s14 =	sshll.u32 s11, $0x4;
	s24 =	sadd.s32 $0x9C000, s2;
	[dreg:$0x14] =	wrdreg s21  }
0x20: {  	s11 =	simm.s32 $0x10;
	s1 =	sadd.s32 s1, s3;
	[dreg:$0x15] =	wrdreg s4  }
0x21: {  	s21 =	sadd.s32 s8, s6;
	s4 =	sshll.u32 s25, $0x4;
	[smem:$0x7FB] =	sst s24  }
0x22: {  	s6 =	sadd.s32 $0x180, s5;
	s25 =	sadd.s32 $0x27000, s3;
	[dreg:$0x10] =	wrdreg s1  }
0x23: {  	s24 =	simm.s32 $0x3;
	s1 =	sadd.s32 s17, s2;
	[smem:$0x7FC] =	sst s25  }
0x24: {  	s17 =	sadd.s32 $0x240, s5;
	s25 =	simm.s32 $0x10F40;
	[dreg:$0x11] =	wrdreg s1  }
0x25: {  	s1 =	sadd.s32 s18, s3;
	s18 =	sshll.u32 s15, $0x4;
	s19 =	sshll.u32 s17, $0x6  }
0x26: {  	[dreg:$0x12] =	wrdreg s1;
	s1 =	sadd.s32 s20, s2;
	s20 =	sadd.s32 s7, s23  }
0x27: {  	[dreg:$0x13] =	wrdreg s1;
	s1 =	sshll.u32 s22, $0x4;
	s22 =	sadd.s32 s19, s2  }
0x28: {  	s7 =	sshll.u32 s6, $0x6;
	s1 =	sadd.s32 s1, s3;
	[smem:$0x7F8] =	sst s22  }
0x29: {  	s23 =	sshll.u32 s17, $0x4;
	[dreg:$0x16] =	wrdreg s1;
	s1 =	sadd.s32 s26, s2  }
0x2a: {  	s17 =	simm.s32 $0xC440;
	s26 =	sadd.s32 $0x27000, s20;
	[dreg:$0x17] =	wrdreg s1  }
0x2b: {  	s19 =	simm.s32 $0xD840;
	s1 =	sadd.s32 s4, s3;
	[smem:$0x7FD] =	sst s26  }
0x2c: {  	s4 =	sshll.u32 s6, $0x4;
	[dreg:$0x18] =	wrdreg s1;
	s1 =	sadd.s32 s7, s2  }
0x2d: {  	s22 =	simm.s32 $0x2;
	s8 =	sadd.s32 s4, s3;
	[dreg:$0x19] =	wrdreg s1  }
0x2e: {  	s4 =	sadd.s32 s10, s2;
	[dreg:$0x1a] =	wrdreg s8;
	s1 =	sshll.u32 s9, $0x4  }
0x2f: {  	s26 =	simm.s32 $0x6;
	[dreg:$0x1b] =	wrdreg s4;
	s1 =	sadd.s32 s1, s3  }
0x30: {  	s10 =	simm.s32 $0x40;
	[dreg:$0x1c] =	wrdreg s1;
	s1 =	sadd.s32 s12, s2  }
.Ltmp0:
0x31: {  	[dreg:$0x1d] =	wrdreg s1;
	s1 =	sadd.s32 s14, s3;
	(pc) =	sbr.rel .LBB2_1-.Ltmp0, $4  }
0x32: {  	s4 =	simm.s32 $0x0;
	[dreg:$0x1e] =	wrdreg s1;
	s1 =	sadd.s32 s16, s2  }
0x33: {  	s12 =	simm.s32 $0x10040;
	[dreg:$0x1f] =	wrdreg s1;
	s1 =	sadd.s32 s18, s3  }
0x34: {  	s14 =	simm.s32 $0x50;
	[smem:$0x7F7] =	sst s1;
	s1 =	sadd.s32 s23, s3  }
0x35: {  	v0 =	vimm.f32 $0.0e+00;
	v1 =	vimm.f32 $1.000000000e+00;
	s18 =	simm.s32 $0x1;
	s23 =	simm.s32 $0xEC40;
	[smem:$0x7F9] =	sst s1  }
.LBB2_16:
0x36: {  	s1 =	sld [smem:$0x7FA];
	_ =	sdelay $0x1  }
0x37: {  	s4 =	sadd.s32 $0x1, s4  }
0x38: {  	p1 =	sne.s32 s4, s1  }
.Ltmp1:
0x39: {  	_ = 	snop;
	(pc) =	sbr.rel @!p1 .LBB2_17-.Ltmp1, $1  }
0x3a: {  	_ =	sdelay $0x3  }
.LBB2_1:
0x3b: {  	[smem:$0x7F6] =	sst s4  }
0x3c: {  	s1 =	simm.s32 $0x0;
	s15 =	rddreg [dreg:$0x7]  }
0x3d: {  	[tilespmem:s1], [sflag:$0x10] =	stream.linear.gather [hbm4b:s15+s1], $0x4E20, $0x38;
	[tilespmem:$0x1D790] =	vst v63  }
0x3e: {  	_ =	swait.ge [sflag:s11], $0x4E20  }
0x3f: {  	[sflag:s11] =	ssyncset.done $0x0  }
0x40: {  	s6 =	simm.s32 $0x4E20;
	s16 =	rddreg [dreg:$0x8];
	[sflag:s11] =	ssyncadd.s32 $0xFFFFB1E0  }
0x41: {  	[tilespmem:s6], [sflag:$0x10] =	stream.linear.gather [hbm4b:s16+s1], $0x4E20, $0x38;
	[tilespmem:$0x1D790] =	vst v63  }
0x42: {  	_ =	swait.ge [sflag:s11], $0x4E20  }
0x43: {  	[sflag:s11] =	ssyncset.done $0x0  }
0x44: {  	s4 =	simm.s32 $0x10060;
	s6 =	simm.s32 $0x0;
	[sflag:s11] =	ssyncadd.s32 $0xFFFFB1E0  }
.LBB2_2:
0x45: {  	p1 =	sne.s32 s6, $0xBC0  }
.Ltmp2:
0x46: {  	[tilespmem:s4+$0xFFFFFFE0] =	vst v0;
	(pc) =	sbr.rel @p1 .LBB2_2-.Ltmp2, $4  }
0x47: {  	[tilespmem:s4+$0xFFFFFFF0] =	vst v0  }
0x48: {  	[tilespmem:s4+$0x0] =	vst v0  }
0x49: {  	[tilespmem:s4+$0x10] =	vst v0;
	s7 =	sshra.s32 s6, $0x2  }
0x4a: {  	s4 =	sadd.s32 $0x40, s4;
	s6 =	sadd.s32 $0x40, s6;
	[tilespmem:s7+$0x10C40] =	vst v0  }
0x4b: {  	s4 =	simm.s32 $0x40;
	s6 =	simm.s32 $0x0  }
.LBB2_4:
0x4c: {  	p1 =	sne.s32 s4, $0x13C0;
	[tilespmem:s6+$0x10F40] =	vst v1;
	s6 =	smov.u32 s4;
	s4 =	sadd.s32 $0x40, s4  }
.Ltmp3:
0x4d: {  	(pc) =	sbr.rel @p1 .LBB2_4-.Ltmp3, $2  }
0x4e: {  	_ =	sdelay $0x2  }
0x4f: {  	s6 =	sshra.s32 s6, $0x2  }
0x50: {  	[tilespmem:s6+$0x10F40] =	vst v1;
	s1 =	rddreg [dreg:$0x9]  }
0x51: {  	[spmem:s1] =	stream.linear.scatter [tilespmem:s12], [sflag:$0x10], $0xC00, $0x38;
	[tilespmem:$0x1D790] =	vst v63  }
0x52: {  	_ =	swait.ge [sflag:s11], $0xC00  }
0x53: {  	[sflag:s11] =	ssyncset.done $0x0  }
0x54: {  	s4 =	rddreg [dreg:$0xa];
	[sflag:s11] =	ssyncadd.s32 $0xFFFFF400  }
0x55: {  	[spmem:s4] =	stream.linear.scatter [tilespmem:s13], [sflag:$0x10], $0x300, $0x38;
	[tilespmem:$0x1D790] =	vst v63  }
0x56: {  	_ =	swait.ge [sflag:s11], $0x300  }
0x57: {  	[sflag:s11] =	ssyncset.done $0x0  }
0x58: {  	s6 =	rddreg [dreg:$0xb];
	[sflag:s11] =	ssyncadd.s32 $0xFFFFFD00  }
0x59: {  	[spmem:s6] =	stream.linear.scatter [tilespmem:s12], [sflag:$0x10], $0xC00, $0x38;
	[tilespmem:$0x1D790] =	vst v63  }
0x5a: {  	_ =	swait.ge [sflag:s11], $0xC00  }
0x5b: {  	[sflag:s11] =	ssyncset.done $0x0  }
0x5c: {  	s7 =	rddreg [dreg:$0xc];
	[sflag:s11] =	ssyncadd.s32 $0xFFFFF400  }
0x5d: {  	[spmem:s7] =	stream.linear.scatter [tilespmem:s13], [sflag:$0x10], $0x300, $0x38;
	[tilespmem:$0x1D790] =	vst v63  }
0x5e: {  	_ =	swait.ge [sflag:s11], $0x300  }
0x5f: {  	[sflag:s11] =	ssyncset.done $0x0  }
0x60: {  	s8 =	rddreg [dreg:$0xd];
	[sflag:s11] =	ssyncadd.s32 $0xFFFFFD00  }
0x61: {  	[spmem:s8] =	stream.linear.scatter [tilespmem:s12], [sflag:$0x10], $0xC00, $0x38;
	[tilespmem:$0x1D790] =	vst v63  }
0x62: {  	_ =	swait.ge [sflag:s11], $0xC00  }
0x63: {  	[sflag:s11] =	ssyncset.done $0x0  }
0x64: {  	s9 =	rddreg [dreg:$0xe];
	[sflag:s11] =	ssyncadd.s32 $0xFFFFF400  }
0x65: {  	[spmem:s9] =	stream.linear.scatter [tilespmem:s13], [sflag:$0x10], $0x300, $0x38;
	[tilespmem:$0x1D790] =	vst v63  }
0x66: {  	_ =	swait.ge [sflag:s11], $0x300  }
0x67: {  	[sflag:s11] =	ssyncset.done $0x0  }
0x68: {  	s15 =	rddreg [dreg:$0xf];
	[sflag:s11] =	ssyncadd.s32 $0xFFFFFD00  }
0x69: {  	[spmem:s15] =	stream.linear.scatter [tilespmem:s12], [sflag:$0x10], $0xC00, $0x38;
	[tilespmem:$0x1D790] =	vst v63  }
0x6a: {  	_ =	swait.ge [sflag:s11], $0xC00  }
0x6b: {  	[sflag:s11] =	ssyncset.done $0x0  }
0x6c: {  	s16 =	rddreg [dreg:$0x10];
	[sflag:s11] =	ssyncadd.s32 $0xFFFFF400  }
0x6d: {  	[spmem:s16] =	stream.linear.scatter [tilespmem:s13], [sflag:$0x10], $0x300, $0x38;
	[tilespmem:$0x1D790] =	vst v63  }
0x6e: {  	_ =	swait.ge [sflag:s11], $0x300  }
0x6f: {  	[sflag:s11] =	ssyncset.done $0x0  }
0x70: {  	s4 =	rddreg [dreg:$0x11];
	[sflag:s11] =	ssyncadd.s32 $0xFFFFFD00  }
0x71: {  	[spmem:s4] =	stream.linear.scatter [tilespmem:s12], [sflag:$0x10], $0xC00, $0x38;
	[tilespmem:$0x1D790] =	vst v63  }
0x72: {  	_ =	swait.ge [sflag:s11], $0xC00  }
0x73: {  	[sflag:s11] =	ssyncset.done $0x0  }
0x74: {  	s6 =	rddreg [dreg:$0x12];
	[sflag:s11] =	ssyncadd.s32 $0xFFFFF400  }
0x75: {  	[spmem:s6] =	stream.linear.scatter [tilespmem:s13], [sflag:$0x10], $0x300, $0x38;
	[tilespmem:$0x1D790] =	vst v63  }
0x76: {  	_ =	swait.ge [sflag:s11], $0x300  }
0x77: {  	[sflag:s11] =	ssyncset.done $0x0  }
0x78: {  	s7 =	rddreg [dreg:$0x13];
	[sflag:s11] =	ssyncadd.s32 $0xFFFFFD00  }
0x79: {  	[spmem:s7] =	stream.linear.scatter [tilespmem:s12], [sflag:$0x10], $0xC00, $0x38;
	[tilespmem:$0x1D790] =	vst v63  }
0x7a: {  	_ =	swait.ge [sflag:s11], $0xC00  }
0x7b: {  	[sflag:s11] =	ssyncset.done $0x0  }
0x7c: {  	s8 =	rddreg [dreg:$0x14];
	[sflag:s11] =	ssyncadd.s32 $0xFFFFF400  }
0x7d: {  	[spmem:s8] =	stream.linear.scatter [tilespmem:s13], [sflag:$0x10], $0x300, $0x38;
	[tilespmem:$0x1D790] =	vst v63  }
0x7e: {  	_ =	swait.ge [sflag:s11], $0x300  }
0x7f: {  	[sflag:s11] =	ssyncset.done $0x0  }
0x80: {  	s9 =	rddreg [dreg:$0x15];
	[sflag:s11] =	ssyncadd.s32 $0xFFFFFD00  }
0x81: {  	[spmem:s9] =	stream.linear.scatter [tilespmem:s12], [sflag:$0x10], $0xC00, $0x38;
	[tilespmem:$0x1D790] =	vst v63  }
0x82: {  	_ =	swait.ge [sflag:s11], $0xC00  }
0x83: {  	[sflag:s11] =	ssyncset.done $0x0  }
0x84: {  	s15 =	rddreg [dreg:$0x16];
	[sflag:s11] =	ssyncadd.s32 $0xFFFFF400  }
0x85: {  	[spmem:s15] =	stream.linear.scatter [tilespmem:s13], [sflag:$0x10], $0x300, $0x38;
	[tilespmem:$0x1D790] =	vst v63  }
0x86: {  	_ =	swait.ge [sflag:s11], $0x300  }
0x87: {  	[sflag:s11] =	ssyncset.done $0x0  }
0x88: {  	s16 =	rddreg [dreg:$0x17];
	[sflag:s11] =	ssyncadd.s32 $0xFFFFFD00  }
0x89: {  	[spmem:s16] =	stream.linear.scatter [tilespmem:s12], [sflag:$0x10], $0xC00, $0x38;
	[tilespmem:$0x1D790] =	vst v63  }
0x8a: {  	_ =	swait.ge [sflag:s11], $0xC00  }
0x8b: {  	[sflag:s11] =	ssyncset.done $0x0  }
0x8c: {  	s4 =	rddreg [dreg:$0x18];
	[sflag:s11] =	ssyncadd.s32 $0xFFFFF400  }
0x8d: {  	[spmem:s4] =	stream.linear.scatter [tilespmem:s13], [sflag:$0x10], $0x300, $0x38;
	[tilespmem:$0x1D790] =	vst v63  }
0x8e: {  	_ =	swait.ge [sflag:s11], $0x300  }
0x8f: {  	[sflag:s11] =	ssyncset.done $0x0  }
0x90: {  	s6 =	rddreg [dreg:$0x19];
	[sflag:s11] =	ssyncadd.s32 $0xFFFFFD00  }
0x91: {  	[spmem:s6] =	stream.linear.scatter [tilespmem:s12], [sflag:$0x10], $0xC00, $0x38;
	[tilespmem:$0x1D790] =	vst v63  }
0x92: {  	_ =	swait.ge [sflag:s11], $0xC00  }
0x93: {  	[sflag:s11] =	ssyncset.done $0x0  }
0x94: {  	s7 =	rddreg [dreg:$0x1a];
	[sflag:s11] =	ssyncadd.s32 $0xFFFFF400  }
0x95: {  	[spmem:s7] =	stream.linear.scatter [tilespmem:s13], [sflag:$0x10], $0x300, $0x38;
	[tilespmem:$0x1D790] =	vst v63  }
0x96: {  	_ =	swait.ge [sflag:s11], $0x300  }
0x97: {  	[sflag:s11] =	ssyncset.done $0x0  }
0x98: {  	s8 =	rddreg [dreg:$0x1b];
	[sflag:s11] =	ssyncadd.s32 $0xFFFFFD00  }
0x99: {  	[spmem:s8] =	stream.linear.scatter [tilespmem:s12], [sflag:$0x10], $0xC00, $0x38;
	[tilespmem:$0x1D790] =	vst v63  }
0x9a: {  	_ =	swait.ge [sflag:s11], $0xC00  }
0x9b: {  	[sflag:s11] =	ssyncset.done $0x0  }
0x9c: {  	s9 =	rddreg [dreg:$0x1c];
	[sflag:s11] =	ssyncadd.s32 $0xFFFFF400  }
0x9d: {  	[spmem:s9] =	stream.linear.scatter [tilespmem:s13], [sflag:$0x10], $0x300, $0x38;
	[tilespmem:$0x1D790] =	vst v63  }
0x9e: {  	_ =	swait.ge [sflag:s11], $0x300  }
0x9f: {  	[sflag:s11] =	ssyncset.done $0x0  }
0xa0: {  	s15 =	rddreg [dreg:$0x1d];
	[sflag:s11] =	ssyncadd.s32 $0xFFFFFD00  }
0xa1: {  	[spmem:s15] =	stream.linear.scatter [tilespmem:s12], [sflag:$0x10], $0xC00, $0x38;
	[tilespmem:$0x1D790] =	vst v63  }
0xa2: {  	_ =	swait.ge [sflag:s11], $0xC00  }
0xa3: {  	[sflag:s11] =	ssyncset.done $0x0  }
0xa4: {  	s16 =	rddreg [dreg:$0x1e];
	[sflag:s11] =	ssyncadd.s32 $0xFFFFF400  }
0xa5: {  	[spmem:s16] =	stream.linear.scatter [tilespmem:s13], [sflag:$0x10], $0x300, $0x38;
	[tilespmem:$0x1D790] =	vst v63  }
0xa6: {  	_ =	swait.ge [sflag:s11], $0x300  }
0xa7: {  	[sflag:s11] =	ssyncset.done $0x0  }
0xa8: {  	s4 =	rddreg [dreg:$0x1f];
	[sflag:s11] =	ssyncadd.s32 $0xFFFFFD00  }
0xa9: {  	[spmem:s4] =	stream.linear.scatter [tilespmem:s12], [sflag:$0x10], $0xC00, $0x38;
	[tilespmem:$0x1D790] =	vst v63  }
0xaa: {  	_ =	swait.ge [sflag:s11], $0xC00  }
0xab: {  	s6 =	sld [smem:$0x7F7]  }
0xac: {  	[sflag:s11] =	ssyncset.done $0x0  }
0xad: {  	[sflag:s11] =	ssyncadd.s32 $0xFFFFF400  }
0xae: {  	[spmem:s6] =	stream.linear.scatter [tilespmem:s13], [sflag:$0x10], $0x300, $0x38;
	[tilespmem:$0x1D790] =	vst v63  }
0xaf: {  	_ =	swait.ge [sflag:s11], $0x300  }
0xb0: {  	s7 =	sld [smem:$0x7F8]  }
0xb1: {  	[sflag:s11] =	ssyncset.done $0x0  }
0xb2: {  	[sflag:s11] =	ssyncadd.s32 $0xFFFFFD00  }
0xb3: {  	[spmem:s7] =	stream.linear.scatter [tilespmem:s12], [sflag:$0x10], $0xC00, $0x38;
	[tilespmem:$0x1D790] =	vst v63  }
0xb4: {  	_ =	swait.ge [sflag:s11], $0xC00  }
0xb5: {  	s8 =	sld [smem:$0x7F9]  }
0xb6: {  	[sflag:s11] =	ssyncset.done $0x0  }
0xb7: {  	[sflag:s11] =	ssyncadd.s32 $0xFFFFF400  }
0xb8: {  	[spmem:s8] =	stream.linear.scatter [tilespmem:s13], [sflag:$0x10], $0x300, $0x38;
	[tilespmem:$0x1D790] =	vst v63  }
0xb9: {  	_ =	swait.ge [sflag:s11], $0x300  }
0xba: {  	s1 =	sld [smem:$0x7FB]  }
0xbb: {  	[sflag:s11] =	ssyncset.done $0x0  }
0xbc: {  	s4 =	simm.s32 @!p0 $0x10040;
	[sflag:s11] =	ssyncadd.s32 $0xFFFFFD00  }
0xbd: {  	[spmem:s1] =	stream.linear.scatter @!p0 [tilespmem:s4], [sflag:$0x10], $0x400, $0x38;
	[tilespmem:$0x1D790] =	vst v63  }
0xbe: {  	s4 =	simm.s32 @!p0 $0x10  }
0xbf: {  	_ =	swait.ge @!p0 [sflag:s4], $0x400  }
0xc0: {  	s1 =	sld [smem:$0x7FC]  }
0xc1: {  	[sflag:s4] =	ssyncset.done @!p0 $0x0  }
0xc2: {  	s6 =	simm.s32 @!p0 $0x10C40;
	[sflag:s4] =	ssyncadd.s32 @!p0 $0xFFFFFC00  }
0xc3: {  	[spmem:s1] =	stream.linear.scatter @!p0 [tilespmem:s6], [sflag:$0x10], $0x100, $0x38;
	[tilespmem:$0x1D790] =	vst v63  }
0xc4: {  	_ =	swait.ge @!p0 [sflag:s4], $0x100  }
0xc5: {  	[sflag:s4] =	ssyncset.done @!p0 $0x0  }
0xc6: {  	[sflag:s4] =	ssyncadd.s32 @!p0 $0xFFFFFF00  }
0xc7: {  	s9 =	simm.s32 $0x9C40;
	s4 =	simm.s32 $0x0;
	[bflag:$0x0] =	sbarrier.arrive $0xFFFF  }
0xc8: {  	[tilespmem:s9], [sflag:$0x1] =	stream.indirect.gather [hbm4b:s21+s14], $0x40, s4, s14, $0xb8;
	[tilespmem:$0x1D790] =	vst v63  }
0xc9: {  	s15 =	simm.s32 $0xB040  }
0xca: {  	[tilespmem:s15], [sflag:$0x2] =	stream.indirect.gather [hbm4b:s21+s14], $0x40, s14, s14, $0xb8;
	[tilespmem:$0x1D790] =	vst v63  }
0xcb: {  	s16 =	simm.s32 $0xA0  }
0xcc: {  	[tilespmem:s17], [sflag:$0x3] =	stream.indirect.gather [hbm4b:s21+s14], $0x40, s16, s14, $0xb8;
	[tilespmem:$0x1D790] =	vst v63  }
.LBB2_6:
0xcd: {  	_ =	swait.ge [sflag:s18], $0x1400;
	s6 =	sshra.s32 s4, $0x2  }
0xce: {  	s1 =	simm.s32 $0x9C40;
	p1 =	sne.s32 s4, $0x0;
	[sflag:s18] =	ssyncset.done $0x0  }
0xcf: {  	s7 =	sadd.s32 $0x4E20, s6;
	s8 =	simm.s32 @p1 $0xB;
	[sflag:s18] =	ssyncadd.s32 $0xFFFFEC00  }
0xd0: {  	[spmem:s2] =	stream.indirect.scatter.add.f32 [tilespmem:s1], [sflag:$0x6], $0x40, s7, s14, $0xb8;
	[tilespmem:$0x1D790] =	vst v63  }
0xd1: {  	_ =	swait.ge @p1 [sflag:s8], $0x500  }
0xd2: {  	s9 =	simm.s32 @p1 $0x10F40;
	[sflag:s8] =	ssyncset.done @p1 $0x0  }
0xd3: {  	s1 =	simm.s32 @p1 $0x9;
	[sflag:s8] =	ssyncadd.s32 @p1 $0xFFFFFB00;
	s8 =	simm.s32 @p1 $0x50  }
0xd4: {  	[spmem:s3] =	stream.indirect.scatter.add.f32 @p1 [tilespmem:s9], [sflag:$0xB], $0x10, s7, s8, $0xb8;
	[tilespmem:$0x1D790] =	vst v63  }
0xd5: {  	_ =	swait.ge @p1 [sflag:s1], $0x1400  }
0xd6: {  	[sflag:s1] =	ssyncset.done @p1 $0x0  }
0xd7: {  	s15 =	simm.s32 @!p1 $0x10F40;
	[sflag:s1] =	ssyncadd.s32 @p1 $0xFFFFEC00;
	s1 =	simm.s32 @!p1 $0x50  }
0xd8: {  	[spmem:s3] =	stream.indirect.scatter.add.f32 @!p1 [tilespmem:s15], [sflag:$0xB], $0x10, s7, s1, $0xb8;
	[tilespmem:$0x1D790] =	vst v63  }
0xd9: {  	s16 =	sadd.s32 $0xF0, s6  }
0xda: {  	[tilespmem:s19], [sflag:$0x4] =	stream.indirect.gather [hbm4b:s21+s14], $0x40, s16, s14, $0xb8;
	[tilespmem:$0x1D790] =	vst v63  }
0xdb: {  	_ =	swait.ge [sflag:s22], $0x1400  }
0xdc: {  	[sflag:s22] =	ssyncset.done $0x0  }
0xdd: {  	s7 =	sadd.s32 $0x4E70, s6;
	s16 =	simm.s32 $0xB040;
	[sflag:s22] =	ssyncadd.s32 $0xFFFFEC00  }
0xde: {  	[spmem:s2] =	stream.indirect.scatter.add.f32 [tilespmem:s16], [sflag:$0x7], $0x40, s7, s14, $0xb8;
	[tilespmem:$0x1D790] =	vst v63  }
0xdf: {  	s16 =	simm.s32 @p1 $0xC  }
0xe0: {  	_ =	swait.ge @p1 [sflag:s16], $0x500  }
0xe1: {  	[sflag:s16] =	ssyncset.done @p1 $0x0  }
0xe2: {  	[sflag:s16] =	ssyncadd.s32 @p1 $0xFFFFFB00  }
0xe3: {  	[spmem:s3] =	stream.indirect.scatter.add.f32 @p1 [tilespmem:s9], [sflag:$0xC], $0x10, s7, s8, $0xb8;
	[tilespmem:$0x1D790] =	vst v63  }
0xe4: {  	s8 =	simm.s32 @p1 $0xA  }
0xe5: {  	_ =	swait.ge @p1 [sflag:s8], $0x1400  }
0xe6: {  	[sflag:s8] =	ssyncset.done @p1 $0x0  }
0xe7: {  	[sflag:s8] =	ssyncadd.s32 @p1 $0xFFFFEC00  }
0xe8: {  	[spmem:s3] =	stream.indirect.scatter.add.f32 @!p1 [tilespmem:s15], [sflag:$0xC], $0x10, s7, s1, $0xb8;
	[tilespmem:$0x1D790] =	vst v63  }
0xe9: {  	s8 =	sadd.s32 $0x140, s6  }
0xea: {  	[tilespmem:s23], [sflag:$0x5] =	stream.indirect.gather [hbm4b:s21+s14], $0x40, s8, s14, $0xb8;
	[tilespmem:$0x1D790] =	vst v63  }
0xeb: {  	_ =	swait.ge [sflag:s24], $0x1400  }
0xec: {  	p1 =	seq.s32 s4, $0x0;
	[sflag:s24] =	ssyncset.done $0x0  }
0xed: {  	s9 =	sadd.s32 $0x4EC0, s6;
	s7 =	simm.s32 @!p1 $0xD;
	[sflag:s24] =	ssyncadd.s32 $0xFFFFEC00  }
0xee: {  	[spmem:s2] =	stream.indirect.scatter.add.f32 [tilespmem:s17], [sflag:$0x8], $0x40, s9, s14, $0xb8;
	[tilespmem:$0x1D790] =	vst v63  }
0xef: {  	_ =	swait.ge @!p1 [sflag:s7], $0x500  }
0xf0: {  	[sflag:s7] =	ssyncset.done @!p1 $0x0  }
0xf1: {  	[sflag:s7] =	ssyncadd.s32 @!p1 $0xFFFFFB00  }
0xf2: {  	[spmem:s3] =	stream.indirect.scatter.add.f32 [tilespmem:s25], [sflag:$0xD], $0x10, s9, s14, $0xb8;
	[tilespmem:$0x1D790] =	vst v63  }
0xf3: {  	p2 =	seq.s32 s4, $0x13240;
	_ =	swait.ge [sflag:s26], $0x1400  }
0xf4: {  	s1 =	sshra.s32 @!p2 s4, $0x2;
	s8 =	simm.s32 @!p2 $0x50;
	[sflag:s26] =	ssyncset.done $0x0  }
0xf5: {  	s7 =	sadd.s32 @!p2 $0x190, s1;
	s9 =	simm.s32 @!p2 $0x9C40;
	[sflag:s26] =	ssyncadd.s32 $0xFFFFEC00  }
0xf6: {  	[tilespmem:s9], [sflag:$0x1] =	stream.indirect.gather @!p2 [hbm4b:s21+s8], $0x40, s7, s8, $0xb8;
	[tilespmem:$0x1D790] =	vst v63  }
0xf7: {  	_ =	swait.ge [sflag:s28], $0x1400  }
0xf8: {  	[sflag:s28] =	ssyncset.done $0x0  }
0xf9: {  	s15 =	sadd.s32 $0x4F10, s6;
	s9 =	simm.s32 @!p1 $0xE;
	[sflag:s28] =	ssyncadd.s32 $0xFFFFEC00  }
0xfa: {  	[spmem:s2] =	stream.indirect.scatter.add.f32 [tilespmem:s19], [sflag:$0x9], $0x40, s15, s14, $0xb8;
	[tilespmem:$0x1D790] =	vst v63  }
0xfb: {  	_ =	swait.ge @!p1 [sflag:s9], $0x500  }
0xfc: {  	[sflag:s9] =	ssyncset.done @!p1 $0x0  }
0xfd: {  	[sflag:s9] =	ssyncadd.s32 @!p1 $0xFFFFFB00  }
0xfe: {  	[spmem:s3] =	stream.indirect.scatter.add.f32 [tilespmem:s25], [sflag:$0xE], $0x10, s15, s14, $0xb8;
	[tilespmem:$0x1D790] =	vst v63  }
0xff: {  	_ =	swait.ge [sflag:s29], $0x1400  }
0x100: {  	[sflag:s29] =	ssyncset.done $0x0  }
0x101: {  	s1 =	sadd.s32 @!p2 $0x1E0, s1;
	s7 =	simm.s32 @!p2 $0xB040;
	[sflag:s29] =	ssyncadd.s32 $0xFFFFEC00  }
0x102: {  	[tilespmem:s7], [sflag:$0x2] =	stream.indirect.gather @!p2 [hbm4b:s21+s8], $0x40, s1, s8, $0xb8;
	[tilespmem:$0x1D790] =	vst v63  }
0x103: {  	_ =	swait.ge [sflag:s30], $0x1400  }
0x104: {  	[sflag:s30] =	ssyncset.done $0x0  }
0x105: {  	s16 =	sadd.s32 $0x4F60, s6;
	s7 =	simm.s32 @!p1 $0xF;
	[sflag:s30] =	ssyncadd.s32 $0xFFFFEC00  }
0x106: {  	[spmem:s2] =	stream.indirect.scatter.add.f32 [tilespmem:s23], [sflag:$0xA], $0x40, s16, s14, $0xb8;
	[tilespmem:$0x1D790] =	vst v63  }
0x107: {  	_ =	swait.ge @!p1 [sflag:s7], $0x500  }
0x108: {  	[sflag:s7] =	ssyncset.done @!p1 $0x0  }
.Ltmp4:
0x109: {  	[sflag:s7] =	ssyncadd.s32 @!p1 $0xFFFFFB00;
	(pc) =	sbr.rel @p2 .LBB2_8-.Ltmp4, $4  }
0x10a: {  	[spmem:s3] =	stream.indirect.scatter.add.f32 [tilespmem:s25], [sflag:$0xF], $0x10, s16, s14, $0xb8;
	[tilespmem:$0x1D790] =	vst v63  }
0x10b: {  	_ =	swait.ge [sflag:s31], $0x1400  }
0x10c: {  	[sflag:s31] =	ssyncset.done $0x0  }
0x10d: {  	[sflag:s31] =	ssyncadd.s32 $0xFFFFEC00  }
.Ltmp5:
0x10e: {  	(pc) =	sbr.rel .LBB2_6-.Ltmp5, $3  }
0x10f: {  	_ =	sdelay $0x1  }
0x110: {  	s1 =	sadd.s32 $0x230, s6;
	s4 =	sadd.s32 $0x640, s4  }
0x111: {  	[tilespmem:s17], [sflag:$0x3] =	stream.indirect.gather [hbm4b:s21+s14], $0x40, s1, s14, $0xb8;
	[tilespmem:$0x1D790] =	vst v63  }
.LBB2_8:
0x112: {  	s1 =	simm.s32 $0x9  }
0x113: {  	_ =	swait.ge [sflag:s1], $0x1400  }
0x114: {  	[sflag:s1] =	ssyncset.done $0x0  }
0x115: {  	s6 =	simm.s32 $0xA;
	[sflag:s1] =	ssyncadd.s32 $0xFFFFEC00  }
0x116: {  	_ =	swait.ge [sflag:s6], $0x1400  }
0x117: {  	[sflag:s6] =	ssyncset.done $0x0  }
0x118: {  	s7 =	simm.s32 $0xB;
	[sflag:s6] =	ssyncadd.s32 $0xFFFFEC00  }
0x119: {  	_ =	swait.ge [sflag:s7], $0x500  }
0x11a: {  	[sflag:s7] =	ssyncset.done $0x0  }
0x11b: {  	s8 =	simm.s32 $0xC;
	[sflag:s7] =	ssyncadd.s32 $0xFFFFFB00  }
0x11c: {  	_ =	swait.ge [sflag:s8], $0x500  }
0x11d: {  	[sflag:s8] =	ssyncset.done $0x0  }
0x11e: {  	s9 =	simm.s32 $0xD;
	[sflag:s8] =	ssyncadd.s32 $0xFFFFFB00  }
0x11f: {  	_ =	swait.ge [sflag:s9], $0x500  }
0x120: {  	[sflag:s9] =	ssyncset.done $0x0  }
0x121: {  	s15 =	simm.s32 $0xE;
	[sflag:s9] =	ssyncadd.s32 $0xFFFFFB00  }
0x122: {  	_ =	swait.ge [sflag:s15], $0x500  }
0x123: {  	[sflag:s15] =	ssyncset.done $0x0  }
0x124: {  	s16 =	simm.s32 $0xF;
	[sflag:s15] =	ssyncadd.s32 $0xFFFFFB00  }
0x125: {  	_ =	swait.ge [sflag:s16], $0x500  }
0x126: {  	[sflag:s16] =	ssyncset.done $0x0  }
0x127: {  	[sflag:s16] =	ssyncadd.s32 $0xFFFFFB00  }
0x128: {  	s4 =	simm.s32 $0x0;
	[bflag:$0x0] =	sbarrier.arrive $0xFFFF  }
.LBB2_9:
0x129: {  	s1 =	smul.u32 $0x30, s4;
	_ =	sdelay $0x1  }
0x12a: {  	s1 =	sadd.s32 s5, s1  }
0x12b: {  	s6 =	sshll.u32 s1, $0x6  }
0x12c: {  	s6 =	sand.u32 $0x3FFFFFC0, s6  }
0x12d: {  	s6 =	sadd.s32 s6, s2  }
0x12e: {  	[tilespmem:s12], [sflag:$0x10] =	stream.linear.gather [spmem:s6], $0xC00, $0x38;
	[tilespmem:$0x1D790] =	vst v63  }
0x12f: {  	s6 =	sshll.u32 s1, $0x4;
	_ =	swait.ge [sflag:s11], $0xC00  }
0x130: {  	s1 =	sand.u32 $0x3FFFFFF0, s6;
	[sflag:s11] =	ssyncset.done $0x0  }
0x131: {  	s1 =	sadd.s32 s1, s3;
	[sflag:s11] =	ssyncadd.s32 $0xFFFFF400  }
0x132: {  	[tilespmem:s13], [sflag:$0x10] =	stream.linear.gather [spmem:s1], $0x300, $0x38;
	[tilespmem:$0x1D790] =	vst v63  }
0x133: {  	_ =	swait.ge [sflag:s11], $0x300  }
0x134: {  	[sflag:s11] =	ssyncset.done $0x0  }
0x135: {  	s16 =	simm.s32 $0x0;
	[sflag:s11] =	ssyncadd.s32 $0xFFFFFD00  }
0x136: {  	v2 =	vld [tilespmem:s16+$0x10C40];
	_ =	sdelay $0x4  }
0x137: {  	v3 =	vmax.f32 v2, $1.000000000e+00  }
0x138: {  	(erf) = vrcp.f32 v3;
	_ =	sdelay $0x4  }
0x139: {  	s7 =	simm.s32 $0x10060  }
0x13a: {  	v3 =	vld [tilespmem:s7+$0xFFFFFFE0]  }
0x13b: {  	v4 =	vld [tilespmem:s7+$0xFFFFFFF0]  }
0x13c: {  	v5 =	vld [tilespmem:s7+$0x0]  }
0x13d: {  	v6 =	vld [tilespmem:s7+$0x10];
	vm0 =	vgt.f32 v2, $0.0e+00;
	v2 =	vpop (erf)  }
0x13e: {  	v2 =	vnsel vm0, $0x0, v2  }
0x13f: {  	v3 =	vmul.f32 v2, v3  }
0x140: {  	v4 =	vmul.f32 v2, v4  }
0x141: {  	v5 =	vmul.f32 v5, v2;
	[tilespmem:s7+$0xFFFFFFE0] =	vst v3  }
0x142: {  	v2 =	vmul.f32 v6, v2;
	[tilespmem:s7+$0xFFFFFFF0] =	vst v4  }
0x143: {  	[tilespmem:s7+$0x0] =	vst v5  }
0x144: {  	s9 =	simm.s32 $0x10;
	s8 =	simm.s32 $0x80;
	[tilespmem:s7+$0x10] =	vst v2  }
.LBB2_10:
0x145: {  	p1 =	sne.s32 s8, $0xBC0;
	v2 =	vld [tilespmem:s9+$0x10C40];
	_ =	sdelay $0x4  }
0x146: {  	v3 =	vmax.f32 v2, $1.000000000e+00  }
0x147: {  	(erf) = vrcp.f32 v3;
	_ =	sdelay $0x2  }
0x148: {  	s7 =	sadd.s32 $0x40, s7  }
0x149: {  	v3 =	vld [tilespmem:s7+$0xFFFFFFF0]  }
0x14a: {  	v4 =	vld [tilespmem:s7+$0x10]  }
0x14b: {  	v5 =	vld [tilespmem:s7+$0xFFFFFFE0]  }
0x14c: {  	v6 =	vld [tilespmem:s7+$0x0];
	_ =	sdelay $0x1  }
0x14d: {  	vm0 =	vgt.f32 v2, $0.0e+00;
	v2 =	vpop (erf)  }
0x14e: {  	v2 =	vnsel vm0, $0x0, v2  }
0x14f: {  	v5 =	vmul.f32 v2, v5;
	v3 =	vmul.f32 v2, v3  }
.Ltmp6:
0x150: {  	v6 =	vmul.f32 v6, v2;
	v2 =	vmul.f32 v4, v2;
	(pc) =	sbr.rel @p1 .LBB2_10-.Ltmp6, $4  }
0x151: {  	[tilespmem:s7+$0xFFFFFFE0] =	vst v5  }
0x152: {  	[tilespmem:s7+$0xFFFFFFF0] =	vst v3  }
0x153: {  	[tilespmem:s7+$0x0] =	vst v6  }
0x154: {  	s9 =	sshra.s32 s8, $0x2;
	s8 =	sadd.s32 $0x40, s8;
	[tilespmem:s7+$0x10] =	vst v2  }
0x155: {  	v2 =	vld [tilespmem:s9+$0x10C40];
	_ =	sdelay $0x4  }
0x156: {  	v3 =	vmax.f32 v2, $1.000000000e+00  }
0x157: {  	(erf) = vrcp.f32 v3;
	_ =	sdelay $0x4  }
0x158: {  	s1 =	sadd.s32 $0x40, s7  }
0x159: {  	v3 =	vld [tilespmem:s1+$0xFFFFFFE0]  }
0x15a: {  	v4 =	vld [tilespmem:s1+$0xFFFFFFF0]  }
0x15b: {  	v5 =	vld [tilespmem:s1+$0x0]  }
0x15c: {  	v6 =	vld [tilespmem:s1+$0x10];
	vm0 =	vgt.f32 v2, $0.0e+00;
	v2 =	vpop (erf)  }
0x15d: {  	v2 =	vnsel vm0, $0x0, v2  }
0x15e: {  	v3 =	vmul.f32 v2, v3  }
0x15f: {  	v4 =	vmul.f32 v2, v4  }
0x160: {  	v5 =	vmul.f32 v5, v2;
	[tilespmem:s1+$0xFFFFFFE0] =	vst v3  }
0x161: {  	s4 =	sadd.s32 $0x1, s4;
	v2 =	vmul.f32 v6, v2;
	[tilespmem:s1+$0xFFFFFFF0] =	vst v4  }
0x162: {  	p1 =	sne.s32 s4, $0xD;
	[tilespmem:s1+$0x0] =	vst v5  }
.Ltmp7:
0x163: {  	s16 =	sadd.s32 s6, s20;
	[tilespmem:s1+$0x10] =	vst v2;
	(pc) =	sbr.rel @p1 .LBB2_9-.Ltmp7, $4  }
0x164: {  	[hbm4b:s16+s10] =	stream.strided.scatter [tilespmem:s12], [sflag:$0x10], $0xC00, s0, s10, $0x38;
	[tilespmem:$0x1D790] =	vst v63  }
0x165: {  	_ =	swait.ge [sflag:s11], $0xC00  }
0x166: {  	[sflag:s11] =	ssyncset.done $0x0  }
0x167: {  	[sflag:s11] =	ssyncadd.s32 $0xFFFFF400  }
.Ltmp8:
0x168: {  	(pc) =	sbr.rel @p0 .LBB2_16-.Ltmp8, $2  }
0x169: {  	_ =	sdelay $0x2  }
0x16a: {  	s4 =	sld [smem:$0x7F6]  }
0x16b: {  	s1 =	sld [smem:$0x7FB];
	_ =	sdelay $0x2  }
0x16c: {  	[tilespmem:s12], [sflag:$0x10] =	stream.linear.gather [spmem:s1], $0x400, $0x38;
	[tilespmem:$0x1D790] =	vst v63  }
0x16d: {  	_ =	swait.ge [sflag:s11], $0x400  }
0x16e: {  	s15 =	sld [smem:$0x7FC]  }
0x16f: {  	[sflag:s11] =	ssyncset.done $0x0  }
0x170: {  	[sflag:s11] =	ssyncadd.s32 $0xFFFFFC00  }
0x171: {  	[tilespmem:s13], [sflag:$0x10] =	stream.linear.gather [spmem:s15], $0x100, $0x38;
	[tilespmem:$0x1D790] =	vst v63  }
0x172: {  	_ =	swait.ge [sflag:s11], $0x100  }
0x173: {  	[sflag:s11] =	ssyncset.done $0x0  }
0x174: {  	s16 =	simm.s32 $0x0;
	[sflag:s11] =	ssyncadd.s32 $0xFFFFFF00  }
0x175: {  	v2 =	vld [tilespmem:s16+$0x10C40];
	_ =	sdelay $0x4  }
0x176: {  	v3 =	vmax.f32 v2, $1.000000000e+00  }
0x177: {  	(erf) = vrcp.f32 v3;
	_ =	sdelay $0x4  }
0x178: {  	s4 =	simm.s32 $0x10060  }
0x179: {  	v3 =	vld [tilespmem:s4+$0xFFFFFFE0]  }
0x17a: {  	v4 =	vld [tilespmem:s4+$0xFFFFFFF0]  }
0x17b: {  	v5 =	vld [tilespmem:s4+$0x0]  }
0x17c: {  	v6 =	vld [tilespmem:s4+$0x10];
	vm0 =	vgt.f32 v2, $0.0e+00;
	v2 =	vpop (erf)  }
0x17d: {  	v2 =	vnsel vm0, $0x0, v2  }
0x17e: {  	v3 =	vmul.f32 v2, v3  }
0x17f: {  	v4 =	vmul.f32 v2, v4  }
0x180: {  	v5 =	vmul.f32 v5, v2;
	[tilespmem:s4+$0xFFFFFFE0] =	vst v3  }
0x181: {  	v2 =	vmul.f32 v6, v2;
	[tilespmem:s4+$0xFFFFFFF0] =	vst v4  }
0x182: {  	[tilespmem:s4+$0x0] =	vst v5  }
0x183: {  	s7 =	simm.s32 $0x10;
	s6 =	simm.s32 $0x80;
	[tilespmem:s4+$0x10] =	vst v2  }
.LBB2_14:
0x184: {  	p1 =	sne.s32 s6, $0x3C0;
	v2 =	vld [tilespmem:s7+$0x10C40];
	_ =	sdelay $0x4  }
0x185: {  	v3 =	vmax.f32 v2, $1.000000000e+00  }
0x186: {  	(erf) = vrcp.f32 v3;
	_ =	sdelay $0x2  }
0x187: {  	s4 =	sadd.s32 $0x40, s4  }
0x188: {  	v3 =	vld [tilespmem:s4+$0xFFFFFFF0]  }
0x189: {  	v4 =	vld [tilespmem:s4+$0x10]  }
0x18a: {  	v5 =	vld [tilespmem:s4+$0xFFFFFFE0]  }
0x18b: {  	v6 =	vld [tilespmem:s4+$0x0];
	_ =	sdelay $0x1  }
0x18c: {  	vm0 =	vgt.f32 v2, $0.0e+00;
	v2 =	vpop (erf)  }
0x18d: {  	v2 =	vnsel vm0, $0x0, v2  }
0x18e: {  	v5 =	vmul.f32 v2, v5;
	v3 =	vmul.f32 v2, v3  }
.Ltmp9:
0x18f: {  	v6 =	vmul.f32 v6, v2;
	v2 =	vmul.f32 v4, v2;
	(pc) =	sbr.rel @p1 .LBB2_14-.Ltmp9, $4  }
0x190: {  	[tilespmem:s4+$0xFFFFFFE0] =	vst v5  }
0x191: {  	[tilespmem:s4+$0xFFFFFFF0] =	vst v3  }
0x192: {  	[tilespmem:s4+$0x0] =	vst v6  }
0x193: {  	s7 =	sshra.s32 s6, $0x2;
	s6 =	sadd.s32 $0x40, s6;
	[tilespmem:s4+$0x10] =	vst v2  }
0x194: {  	v2 =	vld [tilespmem:s7+$0x10C40];
	_ =	sdelay $0x4  }
0x195: {  	v3 =	vmax.f32 v2, $1.000000000e+00  }
0x196: {  	(erf) = vrcp.f32 v3;
	_ =	sdelay $0x4  }
0x197: {  	s1 =	sadd.s32 $0x40, s4  }
0x198: {  	v3 =	vld [tilespmem:s1+$0xFFFFFFE0]  }
0x199: {  	v4 =	vld [tilespmem:s1+$0xFFFFFFF0]  }
0x19a: {  	v5 =	vld [tilespmem:s1+$0x0]  }
0x19b: {  	v6 =	vld [tilespmem:s1+$0x10];
	vm0 =	vgt.f32 v2, $0.0e+00;
	v2 =	vpop (erf)  }
0x19c: {  	v2 =	vnsel vm0, $0x0, v2  }
0x19d: {  	v3 =	vmul.f32 v2, v3  }
0x19e: {  	v4 =	vmul.f32 v2, v4  }
0x19f: {  	v5 =	vmul.f32 v5, v2;
	[tilespmem:s1+$0xFFFFFFE0] =	vst v3  }
0x1a0: {  	s16 =	sld [smem:$0x7FD];
	v2 =	vmul.f32 v6, v2;
	[tilespmem:s1+$0xFFFFFFF0] =	vst v4  }
0x1a1: {  	[tilespmem:s1+$0x0] =	vst v5  }
.Ltmp10:
0x1a2: {  	[tilespmem:s1+$0x10] =	vst v2;
	(pc) =	sbr.rel .LBB2_16-.Ltmp10, $4  }
0x1a3: {  	[hbm4b:s16+s10] =	stream.strided.scatter [tilespmem:s12], [sflag:$0x10], $0x400, s0, s10, $0x38;
	[tilespmem:$0x1D790] =	vst v63  }
0x1a4: {  	_ =	swait.ge [sflag:s11], $0x400  }
0x1a5: {  	[sflag:s11] =	ssyncset.done $0x0  }
0x1a6: {  	s4 =	sld [smem:$0x7F6];
	[sflag:s11] =	ssyncadd.s32 $0xFFFFFC00  }
.LBB2_17:
0x1a7: {  	_ =	sfence.sel $0x180000  }
0x1a8: {  	[bflag:$0x0] =	sbarrier.arrive $0xFFFF  }
0x1a9: {  	_ =	strace $0x90000047  }
0x1aa: {  	s0 =	stileid.u32;
	[bflag:$0x2] =	sbarrier.arrive $0xFFFF  }
0x1ab: {  	p0 =	sne.s32 s0, $0x0;
	s0 =	rddreg [dreg:$0x6]  }
0x1ac: {  	s0 =	sadd.s32 @!p0 $0x100000, s0  }
0x1ad: {  	[sflag:s0] =	ssyncadd.tile.s32 @!p0 $0x1;
	_ =	shalt  }
.Lfunc_end2:
_tile_overlayer_lowered:
.L_overlay_start_2:
0x1ae: {  	(tag) =	ssettag $0x2  }
0x1af: {  	s0 =	rddreg [dreg:$0x0];
	s2 =	stileid.u32  }
0x1b0: {  	s1 =	rddreg [dreg:$0x1];
	p0 =	sne.s32 s2, $0x0  }
0x1b1: {  	s3 =	rddreg [dreg:$0x2];
	[bflag:$0x3] =	sbarrier.arrive $0xFFFF;
	s2 =	simm.s32 @!p0 $0x1C10  }
0x1b2: {  	[timem:s3], [sflag:s2] =	dma.local @!p0 [hbm:s0], s1  }
0x1b3: {  	s0 =	simm.s32 @!p0 $0x10  }
0x1b4: {  	_ =	swait.ge @!p0 [sflag:s0], s1  }
0x1b5: {  	s1 =	ssub.s32 @!p0 $0x0, s1;
	[sflag:s0] =	ssyncset.done @!p0 $0x0  }
0x1b6: {  	[sflag:s0] =	ssyncadd.s32 @!p0 s1  }
0x1b7: {  	[bflag:$0x3] =	sbarrier.arrive $0xFFFF  }
0x1b8: {  	_ =	shalt  }

</sc_bundles>
